<compile_context>
chip_gen: v7x
topology: tpu7x:2x2x1
jax: 0.10.2.dev20260603
libtpu: 0.0.44.dev20260713+nightly
codegen_flags: <defaults>
</compile_context>

<pallas_src>
import functools

import jax
import jax.numpy as jnp
from jax import lax
from jax.experimental import pallas as pl
from jax.experimental.pallas import tpu as pltpu
from jax.experimental.pallas import tpu_sc as plsc

N = 16384
E = 262144
D_IN = 128
HEADS = 4
C_OUT = 32
HC = HEADS * C_OUT
NC = 2
NS = 16



def _proj_body(x_ref, wl_ref, bl_ref, wr_ref, br_ref, xl_ref, xr_ref):
    xb = x_ref[...]
    xl_ref[...] = jnp.dot(xb, wl_ref[...], preferred_element_type=jnp.float32) + bl_ref[...]
    xr_ref[...] = jnp.dot(xb, wr_ref[...], preferred_element_type=jnp.float32) + br_ref[...]


def _edge_body(xls_ref, xrd_ref, ea_ref, we_ref, satt_ref, b4_ref,
               mt_ref, pt_ref):
    xls = xls_ref[...]
    z = xls + xrd_ref[...] + jnp.dot(ea_ref[...], we_ref[...],
                                     preferred_element_type=jnp.float32)
    g = jnp.where(z > 0, z, 0.2 * z)
    p = jnp.exp(jnp.dot(g, satt_ref[...], preferred_element_type=jnp.float32))
    m = jnp.dot(p, b4_ref[...], preferred_element_type=jnp.float32) * xls
    eblk = xls.shape[0]
    mt_ref[...] = m.T.reshape(HC, eblk // 128, 128)
    pt_ref[...] = p.T.reshape(HEADS, eblk // 128, 128)


def _norm_body(acc_ref, aux_ref, b4_ref, gb_ref, out_ref):
    acc = acc_ref[...]
    aux = aux_ref[...].T
    denom = aux[:, :4]
    cnt = jnp.maximum(aux[:, 4:5], 1.0)
    inv = 1.0 / (denom + 1e-16)
    scale = jnp.dot(inv, b4_ref[...], preferred_element_type=jnp.float32)
    out_ref[...] = acc * scale / cnt + gb_ref[...]


def _lin_body(flat_ref, w_ref, b_ref, y_ref):
    k = pl.program_id(1)
    acc = jnp.dot(flat_ref[...], w_ref[...], preferred_element_type=jnp.float32)

    @pl.when(k == 0)
    def _():
        y_ref[...] = acc + b_ref[...]

    @pl.when(k > 0)
    def _():
        y_ref[...] += acc



_MESH = dict(core_axis_name="c", subcore_axis_name="s", num_cores=NC,
             num_subcores=NS)


GCH = 128


@functools.partial(
    pl.kernel,
    out_type=[jax.ShapeDtypeStruct((E, HC), jnp.float32),
              jax.ShapeDtypeStruct((E, HC), jnp.float32)],
    mesh=plsc.VectorSubcoreMesh(**_MESH),
    scratch_types=[pltpu.VMEM((E // (NC * NS),), jnp.int32),
                   pltpu.VMEM((E // (NC * NS),), jnp.int32),
                   pltpu.VMEM((GCH, HC), jnp.float32),
                   pltpu.VMEM((GCH, HC), jnp.float32),
                   pltpu.VMEM((GCH, HC), jnp.float32),
                   pltpu.VMEM((GCH, HC), jnp.float32),
                   pltpu.SemaphoreType.DMA,
                   pltpu.SemaphoreType.DMA,
                   pltpu.SemaphoreType.DMA,
                   pltpu.SemaphoreType.DMA],
)
def _sc_gather(xl_hbm, xr_hbm, src_hbm, dst_hbm, oxl, oxr,
               ixs_v, ixd_v, rl_a, rr_a, rl_b, rr_b,
               sga, sgb, swa, swb):
    c = lax.axis_index("c")
    s = lax.axis_index("s")
    wid = s * NC + c
    per_w = E // (NC * NS)
    base = wid * per_w
    nch = per_w // GCH

    pltpu.sync_copy(src_hbm.at[pl.ds(base, per_w)], ixs_v)
    pltpu.sync_copy(dst_hbm.at[pl.ds(base, per_w)], ixd_v)

    def issue_gathers(i, rl, rr, sem):
        sl = pl.ds(i * GCH, GCH)
        pltpu.async_copy(xl_hbm.at[ixs_v.at[sl]], rl, sem)
        pltpu.async_copy(xr_hbm.at[ixd_v.at[sl]], rr, sem)

    def wait_pair(rl, rr, sem):
        pltpu.make_async_copy(xl_hbm.at[pl.ds(0, GCH)], rl, sem).wait()
        pltpu.make_async_copy(xr_hbm.at[pl.ds(0, GCH)], rr, sem).wait()

    def issue_writeouts(i, rl, rr, sem):
        e0 = base + i * GCH
        pltpu.async_copy(rl, oxl.at[pl.ds(e0, GCH)], sem)
        pltpu.async_copy(rr, oxr.at[pl.ds(e0, GCH)], sem)

    issue_gathers(0, rl_a, rr_a, sga)
    issue_gathers(1, rl_b, rr_b, sgb)

    def pair(q, carry):
        i0 = 2 * q
        wait_pair(rl_a, rr_a, sga)
        issue_writeouts(i0, rl_a, rr_a, swa)
        wait_pair(rl_b, rr_b, sgb)
        issue_writeouts(i0 + 1, rl_b, rr_b, swb)

        @pl.when(q + 1 < nch // 2)
        def _():
            wait_pair(rl_a, rr_a, swa)
            issue_gathers(i0 + 2, rl_a, rr_a, sga)
            wait_pair(rl_b, rr_b, swb)
            issue_gathers(i0 + 3, rl_b, rr_b, sgb)

        return carry

    lax.fori_loop(0, nch // 2, pair, 0)
    wait_pair(rl_a, rr_a, swa)
    wait_pair(rl_b, rr_b, swb)


CH2 = 2048
NCHUNK = E // CH2


@functools.partial(
    pl.kernel,
    out_type=[jax.ShapeDtypeStruct((NC * NS * N * 4,), jnp.float32),
              jax.ShapeDtypeStruct((8 * N,), jnp.float32)],
    mesh=plsc.VectorSubcoreMesh(**_MESH),
    compiler_params=pltpu.CompilerParams(needs_layout_passes=False),
    scratch_types=[pltpu.VMEM((CH2,), jnp.int32),
                   pltpu.VMEM((CH2,), jnp.int32),
                   pltpu.VMEM((4, CH2), jnp.float32),
                   pltpu.VMEM((4, CH2), jnp.float32),
                   pltpu.VMEM((CH2,), jnp.float32),
                   pltpu.VMEM((CH2,), jnp.float32),
                   pltpu.VMEM((N * 4,), jnp.float32),
                   pltpu.VMEM((N,), jnp.float32),
                   pltpu.SemaphoreType.DMA,
                   pltpu.SemaphoreType.DMA],
)
def _sc_scatter(mt_hbm, pt_hbm, dst_hbm, za_hbm, zb_hbm, macc_out, pacc_out,
                dst_a, dst_b, mv_a, mv_b, pv_a, pv_b, acc_v, pacc_v,
                sem_a, sem_b):
    c = lax.axis_index("c")
    s = lax.axis_index("s")
    w = c * NS + s
    is_aux = jnp.logical_and(c == 1, s < 4)
    is_cnt = jnp.logical_and(c == 0, s == 0)
    prow = (s % 4) * E
    pltpu.sync_copy(za_hbm, acc_v)
    pltpu.sync_copy(zb_hbm, pacc_v)
    ones16 = jnp.ones((16,), jnp.float32)

    def issue(i, dst_v, mv, pv, sem):
        e0 = i * CH2
        pltpu.async_copy(dst_hbm.at[pl.ds(e0, CH2)], dst_v, sem)
        for ch in range(4):
            pltpu.async_copy(mt_hbm.at[pl.ds((4 * w + ch) * E + e0, CH2)],
                             mv.at[ch], sem)
        pltpu.async_copy(pt_hbm.at[pl.ds(prow + e0, CH2)], pv, sem)

    def drain(dst_v, mv, pv, sem):
        pltpu.make_async_copy(dst_hbm.at[pl.ds(0, CH2)], dst_v, sem).wait()
        for ch in range(4):
            pltpu.make_async_copy(mt_hbm.at[pl.ds(0, CH2)], mv.at[ch], sem).wait()
        pltpu.make_async_copy(pt_hbm.at[pl.ds(0, CH2)], pv, sem).wait()

    def compute(dst_v, mv, pv):
        @plsc.parallel_loop(0, CH2 // 16, unroll=8)
        def grp(j):
            dvec = dst_v[pl.ds(j * 16, 16)]
            d4 = dvec * 4
            for ch in range(4):
                val = mv[ch, pl.ds(j * 16, 16)]
                plsc.addupdate_scatter(acc_v, [d4 + ch], val)

            @pl.when(is_aux)
            def _():
                plsc.addupdate_scatter(pacc_v, [dvec], pv[pl.ds(j * 16, 16)])

            @pl.when(is_cnt)
            def _():
                plsc.addupdate_scatter(pacc_v, [dvec], ones16)

    issue(0, dst_a, mv_a, pv_a, sem_a)

    def pair(q, carry):
        i0 = 2 * q
        issue(i0 + 1, dst_b, mv_b, pv_b, sem_b)
        drain(dst_a, mv_a, pv_a, sem_a)
        compute(dst_a, mv_a, pv_a)

        @pl.when(i0 + 2 < NCHUNK)
        def _():
            issue(i0 + 2, dst_a, mv_a, pv_a, sem_a)

        drain(dst_b, mv_b, pv_b, sem_b)
        compute(dst_b, mv_b, pv_b)
        return carry

    lax.fori_loop(0, NCHUNK // 2, pair, 0)

    pltpu.sync_copy(acc_v, macc_out.at[pl.ds(w * N * 4, N * 4)])

    @pl.when(is_aux)
    def _():
        pltpu.sync_copy(pacc_v, pacc_out.at[pl.ds(s * N, N)])

    @pl.when(is_cnt)
    def _():
        pltpu.sync_copy(pacc_v, pacc_out.at[pl.ds(4 * N, N)])




def kernel(x, edge_index, edge_attr, batch, Wl, bl, Wr, br, We, att,
           gat_bias, lin_W, lin_b):
    src = edge_index[0]
    dst = edge_index[1]
    f32 = jnp.float32

    hc = jnp.arange(HC, dtype=jnp.int32) // C_OUT
    h4 = jnp.arange(HEADS, dtype=jnp.int32)
    att_flat = att.reshape(HC)
    S_att = att_flat[:, None] * (hc[:, None] == h4[None, :]).astype(f32)
    B4 = (h4[:, None] == hc[None, :]).astype(f32)
    za = jnp.zeros((N * 4,), f32)
    zb = jnp.zeros((N,), f32)

    blk = 1024
    xl, xr = pl.pallas_call(
        _proj_body,
        grid=(N // blk,),
        in_specs=[pl.BlockSpec((blk, D_IN), lambda i: (i, 0)),
                  pl.BlockSpec((D_IN, HC), lambda i: (0, 0)),
                  pl.BlockSpec((1, HC), lambda i: (0, 0)),
                  pl.BlockSpec((D_IN, HC), lambda i: (0, 0)),
                  pl.BlockSpec((1, HC), lambda i: (0, 0))],
        out_specs=[pl.BlockSpec((blk, HC), lambda i: (i, 0)),
                   pl.BlockSpec((blk, HC), lambda i: (i, 0))],
        out_shape=[jax.ShapeDtypeStruct((N, HC), f32),
                   jax.ShapeDtypeStruct((N, HC), f32)],
    )(x, Wl, bl.reshape(1, HC), Wr, br.reshape(1, HC))

    xls, xrd = _sc_gather(xl, xr, src, dst)

    eblk = 2048
    m_t, p_t = pl.pallas_call(
        _edge_body,
        grid=(E // eblk,),
        in_specs=[pl.BlockSpec((eblk, HC), lambda i: (i, 0)),
                  pl.BlockSpec((eblk, HC), lambda i: (i, 0)),
                  pl.BlockSpec((eblk, 16), lambda i: (i, 0)),
                  pl.BlockSpec((16, HC), lambda i: (0, 0)),
                  pl.BlockSpec((HC, HEADS), lambda i: (0, 0)),
                  pl.BlockSpec((HEADS, HC), lambda i: (0, 0))],
        out_specs=[pl.BlockSpec((HC, eblk // 128, 128), lambda i: (0, i, 0)),
                   pl.BlockSpec((HEADS, eblk // 128, 128), lambda i: (0, i, 0))],
        out_shape=[jax.ShapeDtypeStruct((HC, E // 128, 128), f32),
                   jax.ShapeDtypeStruct((HEADS, E // 128, 128), f32)],
    )(xls, xrd, edge_attr, We, S_att, B4)

    macc, pacc = _sc_scatter(m_t.reshape(HC * E), p_t.reshape(HEADS * E),
                             dst, za, zb)
    acc_n = macc.reshape(NC * NS, N, 4).transpose(1, 0, 2).reshape(N, HC)
    auxT = pacc.reshape(8, N)

    nblk = 1024
    out = pl.pallas_call(
        _norm_body,
        grid=(N // nblk,),
        in_specs=[pl.BlockSpec((nblk, HC), lambda i: (i, 0)),
                  pl.BlockSpec((8, nblk), lambda i: (0, i)),
                  pl.BlockSpec((HEADS, HC), lambda i: (0, 0)),
                  pl.BlockSpec((1, HC), lambda i: (0, 0))],
        out_specs=pl.BlockSpec((nblk, HC), lambda i: (i, 0)),
        out_shape=jax.ShapeDtypeStruct((N, HC), f32),
    )(acc_n, auxT, B4, gat_bias.reshape(1, HC))

    bs = batch.shape[0] // 128
    flat = out.reshape(bs, -1)
    kin, kout = lin_W.shape
    nb, kb = 512, 2048
    y = pl.pallas_call(
        _lin_body,
        grid=(kout // nb, kin // kb),
        in_specs=[pl.BlockSpec((bs, kb), lambda n, k: (0, k)),
                  pl.BlockSpec((kb, nb), lambda n, k: (k, n)),
                  pl.BlockSpec((1, nb), lambda n, k: (0, n))],
        out_specs=pl.BlockSpec((bs, nb), lambda n, k: (0, n)),
        out_shape=jax.ShapeDtypeStruct((bs, kout), f32),
    )(flat, lin_W, lin_b.reshape(1, kout))

    return y.reshape(-1, kout // 128)

# --- scband reference (transcript-rebuilt; emitter-appended) ---
"""Pipeline reference for scband-glo-lo-conv-5866925326454 (READ-ONLY COPY).

The authoritative reference and input builder live on the scoring server;
editing this copy changes nothing except your own understanding.
"""

import jax, jax.numpy as jnp
import numpy as np

N = 16384
E = 262144
D_IN = 128
HEADS = 4
C_OUT = 32
E_DIM = 16
NUM_NODES = 128
B = 128


def setup_inputs(seed: int = 0) -> dict:
    key = jax.random.key(seed)
    ks = jax.random.split(key, 12)
    x = jax.random.normal(ks[0], (N, D_IN), dtype=jnp.float32)
    edge_index = jax.random.randint(ks[1], (2, E), 0, N, dtype=jnp.int32)
    edge_attr = jax.random.normal(ks[2], (E, E_DIM), dtype=jnp.float32)
    batch = jnp.repeat(jnp.arange(B, dtype=jnp.int32), NUM_NODES)
    HC = HEADS * C_OUT
    Wl = jax.random.normal(ks[3], (D_IN, HC), dtype=jnp.float32) / np.sqrt(D_IN)
    bl = jax.random.normal(ks[4], (HC,), dtype=jnp.float32) * 0.02
    Wr = jax.random.normal(ks[5], (D_IN, HC), dtype=jnp.float32) / np.sqrt(D_IN)
    br = jax.random.normal(ks[6], (HC,), dtype=jnp.float32) * 0.02
    We = jax.random.normal(ks[7], (E_DIM, HC), dtype=jnp.float32) / np.sqrt(E_DIM)
    att = jax.random.normal(ks[8], (HEADS, C_OUT), dtype=jnp.float32) / np.sqrt(C_OUT)
    gat_bias = jax.random.normal(ks[9], (HC,), dtype=jnp.float32) * 0.02
    lin_in = NUM_NODES * C_OUT * HEADS
    lin_out = NUM_NODES * C_OUT
    lin_W = jax.random.normal(ks[10], (lin_in, lin_out), dtype=jnp.float32) / np.sqrt(lin_in)
    lin_b = jax.random.normal(ks[11], (lin_out,), dtype=jnp.float32) * 0.02
    return {"x": x, "edge_index": edge_index, "edge_attr": edge_attr, "batch": batch,
            "Wl": Wl, "bl": bl, "Wr": Wr, "br": br, "We": We, "att": att,
            "gat_bias": gat_bias, "lin_W": lin_W, "lin_b": lin_b}


def reference(x, edge_index, edge_attr, batch, Wl, bl, Wr, br, We, att, gat_bias, lin_W, lin_b):
    src = edge_index[0]
    dst = edge_index[1]
    n = x.shape[0]
    # GATv2Conv (aggr='mean', concat heads, negative_slope=0.2, dropout inactive in eval)
    xl = (x @ Wl + bl).reshape(n, HEADS, C_OUT)
    xr = (x @ Wr + br).reshape(n, HEADS, C_OUT)
    ef = (edge_attr @ We).reshape(-1, HEADS, C_OUT)
    g = jax.nn.leaky_relu(xl[src] + xr[dst] + ef, negative_slope=0.2)
    logits = jnp.einsum('ehc,hc->eh', g, att)
    seg_max = jax.ops.segment_max(logits, dst, num_segments=n)
    seg_max = jnp.where(jnp.isfinite(seg_max), seg_max, 0.0)
    seg_max = jax.lax.stop_gradient(seg_max)
    ex = jnp.exp(logits - seg_max[dst])
    denom = jax.ops.segment_sum(ex, dst, num_segments=n)
    alpha = ex / (denom[dst] + 1e-16)
    msg = xl[src] * alpha[:, :, None]
    summed = jax.ops.segment_sum(msg, dst, num_segments=n)
    cnt = jax.ops.segment_sum(jnp.ones((src.shape[0],), jnp.float32), dst, num_segments=n)
    out = summed / jnp.maximum(cnt, 1.0)[:, None, None]
    out = out.reshape(n, HEADS * C_OUT) + gat_bias
    # flatten(x, batch)
    bs = batch.shape[0] // NUM_NODES
    flat = out.reshape(bs, -1)
    # Linear
    y = flat @ lin_W + lin_b
    # matricize(x, batch)
    num_nodes = batch.shape[0] // bs
    nf = y.shape[1] // num_nodes
    return y.reshape(-1, nf)

if __name__ == "__main__":
    import jax
    _d = setup_inputs()
    print(jax.jit(kernel)(*tuple(_d.values())))

</pallas_src>

<mosaic_0001>
#map = affine_map<(d0, d1) -> (0)>
module attributes {stable_mosaic.version = 14 : i64} {
  func.func @_sc_scatter(%arg0: i32, %arg1: i32, %arg2: memref<33554432xf32, #tpu.memory_space<hbm>>, %arg3: memref<1048576xf32, #tpu.memory_space<hbm>>, %arg4: memref<262144xi32, #tpu.memory_space<hbm>>, %arg5: memref<65536xf32, #tpu.memory_space<hbm>>, %arg6: memref<16384xf32, #tpu.memory_space<hbm>>, %arg7: memref<2097152xf32, #tpu.memory_space<hbm>>, %arg8: memref<131072xf32, #tpu.memory_space<hbm>>, %arg9: memref<2048xi32, #tpu.memory_space<vmem>>, %arg10: memref<2048xi32, #tpu.memory_space<vmem>>, %arg11: memref<4x2048xf32, #tpu.memory_space<vmem>>, %arg12: memref<4x2048xf32, #tpu.memory_space<vmem>>, %arg13: memref<2048xf32, #tpu.memory_space<vmem>>, %arg14: memref<2048xf32, #tpu.memory_space<vmem>>, %arg15: memref<65536xf32, #tpu.memory_space<vmem>>, %arg16: memref<16384xf32, #tpu.memory_space<vmem>>, %arg17: memref<!tpu.dma_semaphore, #tpu.memory_space<semaphore_mem>>, %arg18: memref<!tpu.dma_semaphore, #tpu.memory_space<semaphore_mem>>) attributes {dimension_semantics = [#tpu.dimension_semantics<core_parallel>, #tpu.dimension_semantics<subcore_parallel>], iteration_bounds = array<i64: 2, 16>, scalar_prefetch = 0 : i64, scratch_operands = 10 : i64, tpu.core_type = #tpu.core_type<sc_vector_subcore>, window_params = [{transform_indices = #map}, {transform_indices = #map}, {transform_indices = #map}, {transform_indices = #map}, {transform_indices = #map}, {transform_indices = #map}, {transform_indices = #map}]} {
    %mul3A = arith.constant 16 : i32
    %mul3A_0 = arith.muli %arg0, %mul3A : i32
    %add3A = arith.addi %mul3A_0, %arg1 : i32
    %eq3A = arith.constant 1 : i32
    %eq3A_1 = arith.cmpi eq, %arg0, %eq3A : i32
    %lt3A = arith.constant 4 : i32
    %lt3A_2 = arith.cmpi slt, %arg1, %lt3A : i32
    %and3A = arith.andi %eq3A_1, %lt3A_2 : i1
    %eq3A_3 = arith.constant 0 : i32
    %eq3A_4 = arith.cmpi eq, %arg0, %eq3A_3 : i32
    %eq3A_5 = arith.constant 0 : i32
    %eq3A_6 = arith.cmpi eq, %arg1, %eq3A_5 : i32
    %and3A_7 = arith.andi %eq3A_4, %eq3A_6 : i1
    %jit3A = arith.constant 4 : i32
    %eq3A_8 = arith.constant 0 : i32
    %eq3A_9 = arith.cmpi eq, %jit3A, %eq3A_8 : i32
    %jit3A_10 = arith.constant 1 : i32
    %select_n3A = arith.select %eq3A_9, %jit3A_10, %jit3A : i32
    %rem3A = arith.remsi %arg1, %select_n3A : i32
    %ne3A = arith.constant 0 : i32
    %ne3A_11 = arith.cmpi ne, %rem3A, %ne3A : i32
    %lt3A_12 = arith.constant 0 : i32
    %lt3A_13 = arith.cmpi slt, %rem3A, %lt3A_12 : i32
    %lt3A_14 = arith.constant 0 : i32
    %lt3A_15 = arith.cmpi slt, %select_n3A, %lt3A_14 : i32
    %ne3A_16 = arith.xori %lt3A_13, %lt3A_15 : i1
    %and3A_17 = arith.andi %ne3A_16, %ne3A_11 : i1
    %add3A_18 = arith.addi %rem3A, %select_n3A : i32
    %select_n3A_19 = arith.select %and3A_17, %add3A_18, %rem3A : i32
    %mul3A_20 = arith.constant 262144 : i32
    %mul3A_21 = arith.muli %select_n3A_19, %mul3A_20 : i32
    "tpu.region"() ({
      %run_scoped3A = tpu.sem_alloc : memref<!tpu.dma_semaphore, #tpu.memory_space<semaphore_mem>>
      tpu.enqueue_dma source(%arg5 : memref<65536xf32, #tpu.memory_space<hbm>>) target(%arg15 : memref<65536xf32, #tpu.memory_space<vmem>>) target_semaphore(%run_scoped3A : memref<!tpu.dma_semaphore, #tpu.memory_space<semaphore_mem>>)
      tpu.wait_dma2 semaphore(%run_scoped3A : memref<!tpu.dma_semaphore, #tpu.memory_space<semaphore_mem>>) src(%arg5 : memref<65536xf32, #tpu.memory_space<hbm>>) dst(%arg15 : memref<65536xf32, #tpu.memory_space<vmem>>)
      tpu.yield
    }) : () -> ()
    "tpu.region"() ({
      %run_scoped3A = tpu.sem_alloc : memref<!tpu.dma_semaphore, #tpu.memory_space<semaphore_mem>>
      tpu.enqueue_dma source(%arg6 : memref<16384xf32, #tpu.memory_space<hbm>>) target(%arg16 : memref<16384xf32, #tpu.memory_space<vmem>>) target_semaphore(%run_scoped3A : memref<!tpu.dma_semaphore, #tpu.memory_space<semaphore_mem>>)
      tpu.wait_dma2 semaphore(%run_scoped3A : memref<!tpu.dma_semaphore, #tpu.memory_space<semaphore_mem>>) src(%arg6 : memref<16384xf32, #tpu.memory_space<hbm>>) dst(%arg16 : memref<16384xf32, #tpu.memory_space<vmem>>)
      tpu.yield
    }) : () -> ()
    %broadcast_in_dim3A = arith.constant 1.000000e+00 : f32
    %broadcast_in_dim3A_22 = vector.broadcast %broadcast_in_dim3A : f32 to vector<16xf32>
    %dma_start3A = arith.constant 0 : i32
    %dma_start3A_23 = tpu.memref_slice %arg4[%dma_start3A] : memref<262144xi32, #tpu.memory_space<hbm>> -> memref<2048xi32, #tpu.memory_space<hbm>>
    %dma_start3A_24 = arith.constant 0 : i32
    %dma_start3A_25 = tpu.memref_slice %arg4[%dma_start3A_24] : memref<262144xi32, #tpu.memory_space<hbm>> -> memref<2048xi32, #tpu.memory_space<hbm>>
    tpu.enqueue_dma source(%dma_start3A_25 : memref<2048xi32, #tpu.memory_space<hbm>>) target(%arg9 : memref<2048xi32, #tpu.memory_space<vmem>>) target_semaphore(%arg17 : memref<!tpu.dma_semaphore, #tpu.memory_space<semaphore_mem>>)
    %mul3A_26 = arith.constant 4 : i32
    %mul3A_27 = arith.muli %mul3A_26, %add3A : i32
    %add3A_28 = arith.constant 0 : i32
    %add3A_29 = arith.addi %mul3A_27, %add3A_28 : i32
    %mul3A_30 = arith.constant 262144 : i32
    %mul3A_31 = arith.muli %add3A_29, %mul3A_30 : i32
    %add3A_32 = arith.constant 0 : i32
    %add3A_33 = arith.addi %mul3A_31, %add3A_32 : i32
    %dma_start3A_34 = arith.constant 0 : i32
    %dma_start3A_35 = arith.constant 0 : i32
    %dma_start3A_36 = tpu.memref_slice %arg11[%dma_start3A_34, %dma_start3A_35] : memref<4x2048xf32, #tpu.memory_space<vmem>> -> memref<1x2048xf32, #tpu.memory_space<vmem>>
    %dma_start3A_37 = tpu.memref_squeeze %dma_start3A_36 : memref<1x2048xf32, #tpu.memory_space<vmem>> -> memref<2048xf32, #tpu.memory_space<vmem>>
    %dma_start3A_38 = tpu.memref_slice %arg2[%add3A_33] : memref<33554432xf32, #tpu.memory_space<hbm>> -> memref<2048xf32, #tpu.memory_space<hbm>>
    %dma_start3A_39 = arith.constant 0 : i32
    %dma_start3A_40 = tpu.memref_slice %arg11[%dma_start3A_34, %dma_start3A_39] : memref<4x2048xf32, #tpu.memory_space<vmem>> -> memref<1x2048xf32, #tpu.memory_space<vmem>>
    %dma_start3A_41 = tpu.memref_squeeze %dma_start3A_40 : memref<1x2048xf32, #tpu.memory_space<vmem>> -> memref<2048xf32, #tpu.memory_space<vmem>>
    %dma_start3A_42 = tpu.memref_slice %arg2[%add3A_33] : memref<33554432xf32, #tpu.memory_space<hbm>> -> memref<2048xf32, #tpu.memory_space<hbm>>
    tpu.enqueue_dma source(%dma_start3A_42 : memref<2048xf32, #tpu.memory_space<hbm>>) target(%dma_start3A_41 : memref<2048xf32, #tpu.memory_space<vmem>>) target_semaphore(%arg17 : memref<!tpu.dma_semaphore, #tpu.memory_space<semaphore_mem>>)
    %mul3A_43 = arith.constant 4 : i32
    %mul3A_44 = arith.muli %mul3A_43, %add3A : i32
    %add3A_45 = arith.constant 1 : i32
    %add3A_46 = arith.addi %mul3A_44, %add3A_45 : i32
    %mul3A_47 = arith.constant 262144 : i32
    %mul3A_48 = arith.muli %add3A_46, %mul3A_47 : i32
    %add3A_49 = arith.constant 0 : i32
    %add3A_50 = arith.addi %mul3A_48, %add3A_49 : i32
    %dma_start3A_51 = arith.constant 1 : i32
    %dma_start3A_52 = arith.constant 0 : i32
    %dma_start3A_53 = tpu.memref_slice %arg11[%dma_start3A_51, %dma_start3A_52] : memref<4x2048xf32, #tpu.memory_space<vmem>> -> memref<1x2048xf32, #tpu.memory_space<vmem>>
    %dma_start3A_54 = tpu.memref_squeeze %dma_start3A_53 : memref<1x2048xf32, #tpu.memory_space<vmem>> -> memref<2048xf32, #tpu.memory_space<vmem>>
    %dma_start3A_55 = tpu.memref_slice %arg2[%add3A_50] : memref<33554432xf32, #tpu.memory_space<hbm>> -> memref<2048xf32, #tpu.memory_space<hbm>>
    %dma_start3A_56 = arith.constant 0 : i32
    %dma_start3A_57 = tpu.memref_slice %arg11[%dma_start3A_51, %dma_start3A_56] : memref<4x2048xf32, #tpu.memory_space<vmem>> -> memref<1x2048xf32, #tpu.memory_space<vmem>>
    %dma_start3A_58 = tpu.memref_squeeze %dma_start3A_57 : memref<1x2048xf32, #tpu.memory_space<vmem>> -> memref<2048xf32, #tpu.memory_space<vmem>>
    %dma_start3A_59 = tpu.memref_slice %arg2[%add3A_50] : memref<33554432xf32, #tpu.memory_space<hbm>> -> memref<2048xf32, #tpu.memory_space<hbm>>
    tpu.enqueue_dma source(%dma_start3A_59 : memref<2048xf32, #tpu.memory_space<hbm>>) target(%dma_start3A_58 : memref<2048xf32, #tpu.memory_space<vmem>>) target_semaphore(%arg17 : memref<!tpu.dma_semaphore, #tpu.memory_space<semaphore_mem>>)
    %mul3A_60 = arith.constant 4 : i32
    %mul3A_61 = arith.muli %mul3A_60, %add3A : i32
    %add3A_62 = arith.constant 2 : i32
    %add3A_63 = arith.addi %mul3A_61, %add3A_62 : i32
    %mul3A_64 = arith.constant 262144 : i32
    %mul3A_65 = arith.muli %add3A_63, %mul3A_64 : i32
    %add3A_66 = arith.constant 0 : i32
    %add3A_67 = arith.addi %mul3A_65, %add3A_66 : i32
    %dma_start3A_68 = arith.constant 2 : i32
    %dma_start3A_69 = arith.constant 0 : i32
    %dma_start3A_70 = tpu.memref_slice %arg11[%dma_start3A_68, %dma_start3A_69] : memref<4x2048xf32, #tpu.memory_space<vmem>> -> memref<1x2048xf32, #tpu.memory_space<vmem>>
    %dma_start3A_71 = tpu.memref_squeeze %dma_start3A_70 : memref<1x2048xf32, #tpu.memory_space<vmem>> -> memref<2048xf32, #tpu.memory_space<vmem>>
    %dma_start3A_72 = tpu.memref_slice %arg2[%add3A_67] : memref<33554432xf32, #tpu.memory_space<hbm>> -> memref<2048xf32, #tpu.memory_space<hbm>>
    %dma_start3A_73 = arith.constant 0 : i32
    %dma_start3A_74 = tpu.memref_slice %arg11[%dma_start3A_68, %dma_start3A_73] : memref<4x2048xf32, #tpu.memory_space<vmem>> -> memref<1x2048xf32, #tpu.memory_space<vmem>>
    %dma_start3A_75 = tpu.memref_squeeze %dma_start3A_74 : memref<1x2048xf32, #tpu.memory_space<vmem>> -> memref<2048xf32, #tpu.memory_space<vmem>>
    %dma_start3A_76 = tpu.memref_slice %arg2[%add3A_67] : memref<33554432xf32, #tpu.memory_space<hbm>> -> memref<2048xf32, #tpu.memory_space<hbm>>
    tpu.enqueue_dma source(%dma_start3A_76 : memref<2048xf32, #tpu.memory_space<hbm>>) target(%dma_start3A_75 : memref<2048xf32, #tpu.memory_space<vmem>>) target_semaphore(%arg17 : memref<!tpu.dma_semaphore, #tpu.memory_space<semaphore_mem>>)
    %mul3A_77 = arith.constant 4 : i32
    %mul3A_78 = arith.muli %mul3A_77, %add3A : i32
    %add3A_79 = arith.constant 3 : i32
    %add3A_80 = arith.addi %mul3A_78, %add3A_79 : i32
    %mul3A_81 = arith.constant 262144 : i32
    %mul3A_82 = arith.muli %add3A_80, %mul3A_81 : i32
    %add3A_83 = arith.constant 0 : i32
    %add3A_84 = arith.addi %mul3A_82, %add3A_83 : i32
    %dma_start3A_85 = arith.constant 3 : i32
    %dma_start3A_86 = arith.constant 0 : i32
    %dma_start3A_87 = tpu.memref_slice %arg11[%dma_start3A_85, %dma_start3A_86] : memref<4x2048xf32, #tpu.memory_space<vmem>> -> memref<1x2048xf32, #tpu.memory_space<vmem>>
    %dma_start3A_88 = tpu.memref_squeeze %dma_start3A_87 : memref<1x2048xf32, #tpu.memory_space<vmem>> -> memref<2048xf32, #tpu.memory_space<vmem>>
    %dma_start3A_89 = tpu.memref_slice %arg2[%add3A_84] : memref<33554432xf32, #tpu.memory_space<hbm>> -> memref<2048xf32, #tpu.memory_space<hbm>>
    %dma_start3A_90 = arith.constant 0 : i32
    %dma_start3A_91 = tpu.memref_slice %arg11[%dma_start3A_85, %dma_start3A_90] : memref<4x2048xf32, #tpu.memory_space<vmem>> -> memref<1x2048xf32, #tpu.memory_space<vmem>>
    %dma_start3A_92 = tpu.memref_squeeze %dma_start3A_91 : memref<1x2048xf32, #tpu.memory_space<vmem>> -> memref<2048xf32, #tpu.memory_space<vmem>>
    %dma_start3A_93 = tpu.memref_slice %arg2[%add3A_84] : memref<33554432xf32, #tpu.memory_space<hbm>> -> memref<2048xf32, #tpu.memory_space<hbm>>
    tpu.enqueue_dma source(%dma_start3A_93 : memref<2048xf32, #tpu.memory_space<hbm>>) target(%dma_start3A_92 : memref<2048xf32, #tpu.memory_space<vmem>>) target_semaphore(%arg17 : memref<!tpu.dma_semaphore, #tpu.memory_space<semaphore_mem>>)
    %add3A_94 = arith.constant 0 : i32
    %add3A_95 = arith.addi %mul3A_21, %add3A_94 : i32
    %dma_start3A_96 = tpu.memref_slice %arg3[%add3A_95] : memref<1048576xf32, #tpu.memory_space<hbm>> -> memref<2048xf32, #tpu.memory_space<hbm>>
    %dma_start3A_97 = tpu.memref_slice %arg3[%add3A_95] : memref<1048576xf32, #tpu.memory_space<hbm>> -> memref<2048xf32, #tpu.memory_space<hbm>>
    tpu.enqueue_dma source(%dma_start3A_97 : memref<2048xf32, #tpu.memory_space<hbm>>) target(%arg13 : memref<2048xf32, #tpu.memory_space<vmem>>) target_semaphore(%arg17 : memref<!tpu.dma_semaphore, #tpu.memory_space<semaphore_mem>>)
    %scan3A = arith.constant 0 : i32
    %scan3A_98 = arith.constant 0 : i32
    %scan3A_99 = arith.constant 64 : i32
    %scan3A_100 = arith.addi %scan3A_98, %scan3A_99 : i32
    %scan3A_101 = arith.constant 1 : i32
    scf.for %scan3A_111 = %scan3A_98 to %scan3A_100 step %scan3A_101  : i32 {
      %mul3A_112 = arith.constant 2 : i32
      %mul3A_113 = arith.muli %mul3A_112, %scan3A_111 : i32
      %add3A_114 = arith.constant 1 : i32
      %add3A_115 = arith.addi %mul3A_113, %add3A_114 : i32
      %mul3A_116 = arith.constant 2048 : i32
      %mul3A_117 = arith.muli %add3A_115, %mul3A_116 : i32
      %dma_start3A_118 = tpu.memref_slice %arg4[%mul3A_117] : memref<262144xi32, #tpu.memory_space<hbm>> -> memref<2048xi32, #tpu.memory_space<hbm>>
      %dma_start3A_119 = tpu.memref_slice %arg4[%mul3A_117] : memref<262144xi32, #tpu.memory_space<hbm>> -> memref<2048xi32, #tpu.memory_space<hbm>>
      tpu.enqueue_dma source(%dma_start3A_119 : memref<2048xi32, #tpu.memory_space<hbm>>) target(%arg10 : memref<2048xi32, #tpu.memory_space<vmem>>) target_semaphore(%arg18 : memref<!tpu.dma_semaphore, #tpu.memory_space<semaphore_mem>>)
      %mul3A_120 = arith.constant 4 : i32
      %mul3A_121 = arith.muli %mul3A_120, %add3A : i32
      %add3A_122 = arith.constant 0 : i32
      %add3A_123 = arith.addi %mul3A_121, %add3A_122 : i32
      %mul3A_124 = arith.constant 262144 : i32
      %mul3A_125 = arith.muli %add3A_123, %mul3A_124 : i32
      %add3A_126 = arith.addi %mul3A_125, %mul3A_117 : i32
      %dma_start3A_127 = arith.constant 0 : i32
      %dma_start3A_128 = arith.constant 0 : i32
      %dma_start3A_129 = tpu.memref_slice %arg12[%dma_start3A_127, %dma_start3A_128] : memref<4x2048xf32, #tpu.memory_space<vmem>> -> memref<1x2048xf32, #tpu.memory_space<vmem>>
      %dma_start3A_130 = tpu.memref_squeeze %dma_start3A_129 : memref<1x2048xf32, #tpu.memory_space<vmem>> -> memref<2048xf32, #tpu.memory_space<vmem>>
      %dma_start3A_131 = tpu.memref_slice %arg2[%add3A_126] : memref<33554432xf32, #tpu.memory_space<hbm>> -> memref<2048xf32, #tpu.memory_space<hbm>>
      %dma_start3A_132 = arith.constant 0 : i32
      %dma_start3A_133 = tpu.memref_slice %arg12[%dma_start3A_127, %dma_start3A_132] : memref<4x2048xf32, #tpu.memory_space<vmem>> -> memref<1x2048xf32, #tpu.memory_space<vmem>>
      %dma_start3A_134 = tpu.memref_squeeze %dma_start3A_133 : memref<1x2048xf32, #tpu.memory_space<vmem>> -> memref<2048xf32, #tpu.memory_space<vmem>>
      %dma_start3A_135 = tpu.memref_slice %arg2[%add3A_126] : memref<33554432xf32, #tpu.memory_space<hbm>> -> memref<2048xf32, #tpu.memory_space<hbm>>
      tpu.enqueue_dma source(%dma_start3A_135 : memref<2048xf32, #tpu.memory_space<hbm>>) target(%dma_start3A_134 : memref<2048xf32, #tpu.memory_space<vmem>>) target_semaphore(%arg18 : memref<!tpu.dma_semaphore, #tpu.memory_space<semaphore_mem>>)
      %mul3A_136 = arith.constant 4 : i32
      %mul3A_137 = arith.muli %mul3A_136, %add3A : i32
      %add3A_138 = arith.constant 1 : i32
      %add3A_139 = arith.addi %mul3A_137, %add3A_138 : i32
      %mul3A_140 = arith.constant 262144 : i32
      %mul3A_141 = arith.muli %add3A_139, %mul3A_140 : i32
      %add3A_142 = arith.addi %mul3A_141, %mul3A_117 : i32
      %dma_start3A_143 = arith.constant 1 : i32
      %dma_start3A_144 = arith.constant 0 : i32
      %dma_start3A_145 = tpu.memref_slice %arg12[%dma_start3A_143, %dma_start3A_144] : memref<4x2048xf32, #tpu.memory_space<vmem>> -> memref<1x2048xf32, #tpu.memory_space<vmem>>
      %dma_start3A_146 = tpu.memref_squeeze %dma_start3A_145 : memref<1x2048xf32, #tpu.memory_space<vmem>> -> memref<2048xf32, #tpu.memory_space<vmem>>
      %dma_start3A_147 = tpu.memref_slice %arg2[%add3A_142] : memref<33554432xf32, #tpu.memory_space<hbm>> -> memref<2048xf32, #tpu.memory_space<hbm>>
      %dma_start3A_148 = arith.constant 0 : i32
      %dma_start3A_149 = tpu.memref_slice %arg12[%dma_start3A_143, %dma_start3A_148] : memref<4x2048xf32, #tpu.memory_space<vmem>> -> memref<1x2048xf32, #tpu.memory_space<vmem>>
      %dma_start3A_150 = tpu.memref_squeeze %dma_start3A_149 : memref<1x2048xf32, #tpu.memory_space<vmem>> -> memref<2048xf32, #tpu.memory_space<vmem>>
      %dma_start3A_151 = tpu.memref_slice %arg2[%add3A_142] : memref<33554432xf32, #tpu.memory_space<hbm>> -> memref<2048xf32, #tpu.memory_space<hbm>>
      tpu.enqueue_dma source(%dma_start3A_151 : memref<2048xf32, #tpu.memory_space<hbm>>) target(%dma_start3A_150 : memref<2048xf32, #tpu.memory_space<vmem>>) target_semaphore(%arg18 : memref<!tpu.dma_semaphore, #tpu.memory_space<semaphore_mem>>)
      %mul3A_152 = arith.constant 4 : i32
      %mul3A_153 = arith.muli %mul3A_152, %add3A : i32
      %add3A_154 = arith.constant 2 : i32
      %add3A_155 = arith.addi %mul3A_153, %add3A_154 : i32
      %mul3A_156 = arith.constant 262144 : i32
      %mul3A_157 = arith.muli %add3A_155, %mul3A_156 : i32
      %add3A_158 = arith.addi %mul3A_157, %mul3A_117 : i32
      %dma_start3A_159 = arith.constant 2 : i32
      %dma_start3A_160 = arith.constant 0 : i32
      %dma_start3A_161 = tpu.memref_slice %arg12[%dma_start3A_159, %dma_start3A_160] : memref<4x2048xf32, #tpu.memory_space<vmem>> -> memref<1x2048xf32, #tpu.memory_space<vmem>>
      %dma_start3A_162 = tpu.memref_squeeze %dma_start3A_161 : memref<1x2048xf32, #tpu.memory_space<vmem>> -> memref<2048xf32, #tpu.memory_space<vmem>>
      %dma_start3A_163 = tpu.memref_slice %arg2[%add3A_158] : memref<33554432xf32, #tpu.memory_space<hbm>> -> memref<2048xf32, #tpu.memory_space<hbm>>
      %dma_start3A_164 = arith.constant 0 : i32
      %dma_start3A_165 = tpu.memref_slice %arg12[%dma_start3A_159, %dma_start3A_164] : memref<4x2048xf32, #tpu.memory_space<vmem>> -> memref<1x2048xf32, #tpu.memory_space<vmem>>
      %dma_start3A_166 = tpu.memref_squeeze %dma_start3A_165 : memref<1x2048xf32, #tpu.memory_space<vmem>> -> memref<2048xf32, #tpu.memory_space<vmem>>
      %dma_start3A_167 = tpu.memref_slice %arg2[%add3A_158] : memref<33554432xf32, #tpu.memory_space<hbm>> -> memref<2048xf32, #tpu.memory_space<hbm>>
      tpu.enqueue_dma source(%dma_start3A_167 : memref<2048xf32, #tpu.memory_space<hbm>>) target(%dma_start3A_166 : memref<2048xf32, #tpu.memory_space<vmem>>) target_semaphore(%arg18 : memref<!tpu.dma_semaphore, #tpu.memory_space<semaphore_mem>>)
      %mul3A_168 = arith.constant 4 : i32
      %mul3A_169 = arith.muli %mul3A_168, %add3A : i32
      %add3A_170 = arith.constant 3 : i32
      %add3A_171 = arith.addi %mul3A_169, %add3A_170 : i32
      %mul3A_172 = arith.constant 262144 : i32
      %mul3A_173 = arith.muli %add3A_171, %mul3A_172 : i32
      %add3A_174 = arith.addi %mul3A_173, %mul3A_117 : i32
      %dma_start3A_175 = arith.constant 3 : i32
      %dma_start3A_176 = arith.constant 0 : i32
      %dma_start3A_177 = tpu.memref_slice %arg12[%dma_start3A_175, %dma_start3A_176] : memref<4x2048xf32, #tpu.memory_space<vmem>> -> memref<1x2048xf32, #tpu.memory_space<vmem>>
      %dma_start3A_178 = tpu.memref_squeeze %dma_start3A_177 : memref<1x2048xf32, #tpu.memory_space<vmem>> -> memref<2048xf32, #tpu.memory_space<vmem>>
      %dma_start3A_179 = tpu.memref_slice %arg2[%add3A_174] : memref<33554432xf32, #tpu.memory_space<hbm>> -> memref<2048xf32, #tpu.memory_space<hbm>>
      %dma_start3A_180 = arith.constant 0 : i32
      %dma_start3A_181 = tpu.memref_slice %arg12[%dma_start3A_175, %dma_start3A_180] : memref<4x2048xf32, #tpu.memory_space<vmem>> -> memref<1x2048xf32, #tpu.memory_space<vmem>>
      %dma_start3A_182 = tpu.memref_squeeze %dma_start3A_181 : memref<1x2048xf32, #tpu.memory_space<vmem>> -> memref<2048xf32, #tpu.memory_space<vmem>>
      %dma_start3A_183 = tpu.memref_slice %arg2[%add3A_174] : memref<33554432xf32, #tpu.memory_space<hbm>> -> memref<2048xf32, #tpu.memory_space<hbm>>
      tpu.enqueue_dma source(%dma_start3A_183 : memref<2048xf32, #tpu.memory_space<hbm>>) target(%dma_start3A_182 : memref<2048xf32, #tpu.memory_space<vmem>>) target_semaphore(%arg18 : memref<!tpu.dma_semaphore, #tpu.memory_space<semaphore_mem>>)
      %add3A_184 = arith.addi %mul3A_21, %mul3A_117 : i32
      %dma_start3A_185 = tpu.memref_slice %arg3[%add3A_184] : memref<1048576xf32, #tpu.memory_space<hbm>> -> memref<2048xf32, #tpu.memory_space<hbm>>
      %dma_start3A_186 = tpu.memref_slice %arg3[%add3A_184] : memref<1048576xf32, #tpu.memory_space<hbm>> -> memref<2048xf32, #tpu.memory_space<hbm>>
      tpu.enqueue_dma source(%dma_start3A_186 : memref<2048xf32, #tpu.memory_space<hbm>>) target(%arg14 : memref<2048xf32, #tpu.memory_space<vmem>>) target_semaphore(%arg18 : memref<!tpu.dma_semaphore, #tpu.memory_space<semaphore_mem>>)
      %dma_wait3A = arith.constant 0 : i32
      %dma_wait3A_187 = tpu.memref_slice %arg4[%dma_wait3A] : memref<262144xi32, #tpu.memory_space<hbm>> -> memref<2048xi32, #tpu.memory_space<hbm>>
      %dma_wait3A_188 = arith.constant 0 : i32
      %dma_wait3A_189 = tpu.memref_slice %arg4[%dma_wait3A_188] : memref<262144xi32, #tpu.memory_space<hbm>> -> memref<2048xi32, #tpu.memory_space<hbm>>
      tpu.wait_dma2 semaphore(%arg17 : memref<!tpu.dma_semaphore, #tpu.memory_space<semaphore_mem>>) src(%dma_wait3A_189 : memref<2048xi32, #tpu.memory_space<hbm>>) dst(%arg9 : memref<2048xi32, #tpu.memory_space<vmem>>)
      %dma_wait3A_190 = arith.constant 0 : i32
      %dma_wait3A_191 = arith.constant 0 : i32
      %dma_wait3A_192 = tpu.memref_slice %arg11[%dma_wait3A_190, %dma_wait3A_191] : memref<4x2048xf32, #tpu.memory_space<vmem>> -> memref<1x2048xf32, #tpu.memory_space<vmem>>
      %dma_wait3A_193 = tpu.memref_squeeze %dma_wait3A_192 : memref<1x2048xf32, #tpu.memory_space<vmem>> -> memref<2048xf32, #tpu.memory_space<vmem>>
      %dma_wait3A_194 = arith.constant 0 : i32
      %dma_wait3A_195 = tpu.memref_slice %arg2[%dma_wait3A_194] : memref<33554432xf32, #tpu.memory_space<hbm>> -> memref<2048xf32, #tpu.memory_space<hbm>>
      %dma_wait3A_196 = arith.constant 0 : i32
      %dma_wait3A_197 = tpu.memref_slice %arg11[%dma_wait3A_190, %dma_wait3A_196] : memref<4x2048xf32, #tpu.memory_space<vmem>> -> memref<1x2048xf32, #tpu.memory_space<vmem>>
      %dma_wait3A_198 = tpu.memref_squeeze %dma_wait3A_197 : memref<1x2048xf32, #tpu.memory_space<vmem>> -> memref<2048xf32, #tpu.memory_space<vmem>>
      %dma_wait3A_199 = arith.constant 0 : i32
      %dma_wait3A_200 = tpu.memref_slice %arg2[%dma_wait3A_199] : memref<33554432xf32, #tpu.memory_space<hbm>> -> memref<2048xf32, #tpu.memory_space<hbm>>
      tpu.wait_dma2 semaphore(%arg17 : memref<!tpu.dma_semaphore, #tpu.memory_space<semaphore_mem>>) src(%dma_wait3A_200 : memref<2048xf32, #tpu.memory_space<hbm>>) dst(%dma_wait3A_198 : memref<2048xf32, #tpu.memory_space<vmem>>)
      %dma_wait3A_201 = arith.constant 1 : i32
      %dma_wait3A_202 = arith.constant 0 : i32
      %dma_wait3A_203 = tpu.memref_slice %arg11[%dma_wait3A_201, %dma_wait3A_202] : memref<4x2048xf32, #tpu.memory_space<vmem>> -> memref<1x2048xf32, #tpu.memory_space<vmem>>
      %dma_wait3A_204 = tpu.memref_squeeze %dma_wait3A_203 : memref<1x2048xf32, #tpu.memory_space<vmem>> -> memref<2048xf32, #tpu.memory_space<vmem>>
      %dma_wait3A_205 = arith.constant 0 : i32
      %dma_wait3A_206 = tpu.memref_slice %arg2[%dma_wait3A_205] : memref<33554432xf32, #tpu.memory_space<hbm>> -> memref<2048xf32, #tpu.memory_space<hbm>>
      %dma_wait3A_207 = arith.constant 0 : i32
      %dma_wait3A_208 = tpu.memref_slice %arg11[%dma_wait3A_201, %dma_wait3A_207] : memref<4x2048xf32, #tpu.memory_space<vmem>> -> memref<1x2048xf32, #tpu.memory_space<vmem>>
      %dma_wait3A_209 = tpu.memref_squeeze %dma_wait3A_208 : memref<1x2048xf32, #tpu.memory_space<vmem>> -> memref<2048xf32, #tpu.memory_space<vmem>>
      %dma_wait3A_210 = arith.constant 0 : i32
      %dma_wait3A_211 = tpu.memref_slice %arg2[%dma_wait3A_210] : memref<33554432xf32, #tpu.memory_space<hbm>> -> memref<2048xf32, #tpu.memory_space<hbm>>
      tpu.wait_dma2 semaphore(%arg17 : memref<!tpu.dma_semaphore, #tpu.memory_space<semaphore_mem>>) src(%dma_wait3A_211 : memref<2048xf32, #tpu.memory_space<hbm>>) dst(%dma_wait3A_209 : memref<2048xf32, #tpu.memory_space<vmem>>)
      %dma_wait3A_212 = arith.constant 2 : i32
      %dma_wait3A_213 = arith.constant 0 : i32
      %dma_wait3A_214 = tpu.memref_slice %arg11[%dma_wait3A_212, %dma_wait3A_213] : memref<4x2048xf32, #tpu.memory_space<vmem>> -> memref<1x2048xf32, #tpu.memory_space<vmem>>
      %dma_wait3A_215 = tpu.memref_squeeze %dma_wait3A_214 : memref<1x2048xf32, #tpu.memory_space<vmem>> -> memref<2048xf32, #tpu.memory_space<vmem>>
      %dma_wait3A_216 = arith.constant 0 : i32
      %dma_wait3A_217 = tpu.memref_slice %arg2[%dma_wait3A_216] : memref<33554432xf32, #tpu.memory_space<hbm>> -> memref<2048xf32, #tpu.memory_space<hbm>>
      %dma_wait3A_218 = arith.constant 0 : i32
      %dma_wait3A_219 = tpu.memref_slice %arg11[%dma_wait3A_212, %dma_wait3A_218] : memref<4x2048xf32, #tpu.memory_space<vmem>> -> memref<1x2048xf32, #tpu.memory_space<vmem>>
      %dma_wait3A_220 = tpu.memref_squeeze %dma_wait3A_219 : memref<1x2048xf32, #tpu.memory_space<vmem>> -> memref<2048xf32, #tpu.memory_space<vmem>>
      %dma_wait3A_221 = arith.constant 0 : i32
      %dma_wait3A_222 = tpu.memref_slice %arg2[%dma_wait3A_221] : memref<33554432xf32, #tpu.memory_space<hbm>> -> memref<2048xf32, #tpu.memory_space<hbm>>
      tpu.wait_dma2 semaphore(%arg17 : memref<!tpu.dma_semaphore, #tpu.memory_space<semaphore_mem>>) src(%dma_wait3A_222 : memref<2048xf32, #tpu.memory_space<hbm>>) dst(%dma_wait3A_220 : memref<2048xf32, #tpu.memory_space<vmem>>)
      %dma_wait3A_223 = arith.constant 3 : i32
      %dma_wait3A_224 = arith.constant 0 : i32
      %dma_wait3A_225 = tpu.memref_slice %arg11[%dma_wait3A_223, %dma_wait3A_224] : memref<4x2048xf32, #tpu.memory_space<vmem>> -> memref<1x2048xf32, #tpu.memory_space<vmem>>
      %dma_wait3A_226 = tpu.memref_squeeze %dma_wait3A_225 : memref<1x2048xf32, #tpu.memory_space<vmem>> -> memref<2048xf32, #tpu.memory_space<vmem>>
      %dma_wait3A_227 = arith.constant 0 : i32
      %dma_wait3A_228 = tpu.memref_slice %arg2[%dma_wait3A_227] : memref<33554432xf32, #tpu.memory_space<hbm>> -> memref<2048xf32, #tpu.memory_space<hbm>>
      %dma_wait3A_229 = arith.constant 0 : i32
      %dma_wait3A_230 = tpu.memref_slice %arg11[%dma_wait3A_223, %dma_wait3A_229] : memref<4x2048xf32, #tpu.memory_space<vmem>> -> memref<1x2048xf32, #tpu.memory_space<vmem>>
      %dma_wait3A_231 = tpu.memref_squeeze %dma_wait3A_230 : memref<1x2048xf32, #tpu.memory_space<vmem>> -> memref<2048xf32, #tpu.memory_space<vmem>>
      %dma_wait3A_232 = arith.constant 0 : i32
      %dma_wait3A_233 = tpu.memref_slice %arg2[%dma_wait3A_232] : memref<33554432xf32, #tpu.memory_space<hbm>> -> memref<2048xf32, #tpu.memory_space<hbm>>
      tpu.wait_dma2 semaphore(%arg17 : memref<!tpu.dma_semaphore, #tpu.memory_space<semaphore_mem>>) src(%dma_wait3A_233 : memref<2048xf32, #tpu.memory_space<hbm>>) dst(%dma_wait3A_231 : memref<2048xf32, #tpu.memory_space<vmem>>)
      %dma_wait3A_234 = arith.constant 0 : i32
      %dma_wait3A_235 = tpu.memref_slice %arg3[%dma_wait3A_234] : memref<1048576xf32, #tpu.memory_space<hbm>> -> memref<2048xf32, #tpu.memory_space<hbm>>
      %dma_wait3A_236 = arith.constant 0 : i32
      %dma_wait3A_237 = tpu.memref_slice %arg3[%dma_wait3A_236] : memref<1048576xf32, #tpu.memory_space<hbm>> -> memref<2048xf32, #tpu.memory_space<hbm>>
      tpu.wait_dma2 semaphore(%arg17 : memref<!tpu.dma_semaphore, #tpu.memory_space<semaphore_mem>>) src(%dma_wait3A_237 : memref<2048xf32, #tpu.memory_space<hbm>>) dst(%arg13 : memref<2048xf32, #tpu.memory_space<vmem>>)
      %parallel_loop3A = arith.constant 0 : i32
      %parallel_loop3A_238 = arith.constant 128 : i32
      %parallel_loop3A_239 = arith.constant 1 : i32
      scf.for %parallel_loop3A_302 = %parallel_loop3A to %parallel_loop3A_238 step %parallel_loop3A_239  : i32 {
        %parallel_loop3A_303 = arith.constant 16 : i32
        %parallel_loop3A_304 = arith.muli %parallel_loop3A_302, %parallel_loop3A_303 : i32
        %parallel_loop3A_305 = arith.index_cast %parallel_loop3A_304 : i32 to index
        %parallel_loop3A_306 = tpu.vector_load %arg9[%parallel_loop3A_305] {strides = array<i32>} : memref<2048xi32, #tpu.memory_space<vmem>>, vector<16xi32>,
        %parallel_loop3A_307 = arith.constant 4 : i32
        %parallel_loop3A_308 = vector.broadcast %parallel_loop3A_307 : i32 to vector<16xi32>
        %parallel_loop3A_309 = arith.muli %parallel_loop3A_306, %parallel_loop3A_308 : vector<16xi32>
        %parallel_loop3A_310 = arith.constant 16 : i32
        %parallel_loop3A_311 = arith.muli %parallel_loop3A_302, %parallel_loop3A_310 : i32
        %parallel_loop3A_312 = arith.constant 0 : i32
        %parallel_loop3A_313 = arith.index_cast %parallel_loop3A_312 : i32 to index
        %parallel_loop3A_314 = arith.index_cast %parallel_loop3A_311 : i32 to index
        %parallel_loop3A_315 = tpu.vector_load %arg11[%parallel_loop3A_313, %parallel_loop3A_314] {strides = array<i32>} : memref<4x2048xf32, #tpu.memory_space<vmem>>, vector<16xf32>,
        %parallel_loop3A_316 = arith.constant 0 : i32
        %parallel_loop3A_317 = vector.broadcast %parallel_loop3A_316 : i32 to vector<16xi32>
        %parallel_loop3A_318 = arith.addi %parallel_loop3A_309, %parallel_loop3A_317 : vector<16xi32>
        tpu.vector_store_idx %arg15[%parallel_loop3A_318], %parallel_loop3A_315 {add = true} : memref<65536xf32, #tpu.memory_space<vmem>>[vector<16xi32>], vector<16xf32>,
        %parallel_loop3A_319 = arith.constant 16 : i32
        %parallel_loop3A_320 = arith.muli %parallel_loop3A_302, %parallel_loop3A_319 : i32
        %parallel_loop3A_321 = arith.constant 1 : i32
        %parallel_loop3A_322 = arith.index_cast %parallel_loop3A_321 : i32 to index
        %parallel_loop3A_323 = arith.index_cast %parallel_loop3A_320 : i32 to index
        %parallel_loop3A_324 = tpu.vector_load %arg11[%parallel_loop3A_322, %parallel_loop3A_323] {strides = array<i32>} : memref<4x2048xf32, #tpu.memory_space<vmem>>, vector<16xf32>,
        %parallel_loop3A_325 = arith.constant 1 : i32
        %parallel_loop3A_326 = vector.broadcast %parallel_loop3A_325 : i32 to vector<16xi32>
        %parallel_loop3A_327 = arith.addi %parallel_loop3A_309, %parallel_loop3A_326 : vector<16xi32>
        tpu.vector_store_idx %arg15[%parallel_loop3A_327], %parallel_loop3A_324 {add = true} : memref<65536xf32, #tpu.memory_space<vmem>>[vector<16xi32>], vector<16xf32>,
        %parallel_loop3A_328 = arith.constant 16 : i32
        %parallel_loop3A_329 = arith.muli %parallel_loop3A_302, %parallel_loop3A_328 : i32
        %parallel_loop3A_330 = arith.constant 2 : i32
        %parallel_loop3A_331 = arith.index_cast %parallel_loop3A_330 : i32 to index
        %parallel_loop3A_332 = arith.index_cast %parallel_loop3A_329 : i32 to index
        %parallel_loop3A_333 = tpu.vector_load %arg11[%parallel_loop3A_331, %parallel_loop3A_332] {strides = array<i32>} : memref<4x2048xf32, #tpu.memory_space<vmem>>, vector<16xf32>,
        %parallel_loop3A_334 = arith.constant 2 : i32
        %parallel_loop3A_335 = vector.broadcast %parallel_loop3A_334 : i32 to vector<16xi32>
        %parallel_loop3A_336 = arith.addi %parallel_loop3A_309, %parallel_loop3A_335 : vector<16xi32>
        tpu.vector_store_idx %arg15[%parallel_loop3A_336], %parallel_loop3A_333 {add = true} : memref<65536xf32, #tpu.memory_space<vmem>>[vector<16xi32>], vector<16xf32>,
        %parallel_loop3A_337 = arith.constant 16 : i32
        %parallel_loop3A_338 = arith.muli %parallel_loop3A_302, %parallel_loop3A_337 : i32
        %parallel_loop3A_339 = arith.constant 3 : i32
        %parallel_loop3A_340 = arith.index_cast %parallel_loop3A_339 : i32 to index
        %parallel_loop3A_341 = arith.index_cast %parallel_loop3A_338 : i32 to index
        %parallel_loop3A_342 = tpu.vector_load %arg11[%parallel_loop3A_340, %parallel_loop3A_341] {strides = array<i32>} : memref<4x2048xf32, #tpu.memory_space<vmem>>, vector<16xf32>,
        %parallel_loop3A_343 = arith.constant 3 : i32
        %parallel_loop3A_344 = vector.broadcast %parallel_loop3A_343 : i32 to vector<16xi32>
        %parallel_loop3A_345 = arith.addi %parallel_loop3A_309, %parallel_loop3A_344 : vector<16xi32>
        tpu.vector_store_idx %arg15[%parallel_loop3A_345], %parallel_loop3A_342 {add = true} : memref<65536xf32, #tpu.memory_space<vmem>>[vector<16xi32>], vector<16xf32>,
        %parallel_loop3A_346 = arith.extui %and3A : i1 to i32
        %parallel_loop3A_347 = arith.constant 0 : i32
        %parallel_loop3A_348 = arith.cmpi ne, %parallel_loop3A_346, %parallel_loop3A_347 : i32
        scf.if %parallel_loop3A_348 {
          %parallel_loop3A_352 = arith.constant 16 : i32
          %parallel_loop3A_353 = arith.muli %parallel_loop3A_302, %parallel_loop3A_352 : i32
          %parallel_loop3A_354 = arith.index_cast %parallel_loop3A_353 : i32 to index
          %parallel_loop3A_355 = tpu.vector_load %arg13[%parallel_loop3A_354] {strides = array<i32>} : memref<2048xf32, #tpu.memory_space<vmem>>, vector<16xf32>,
          tpu.vector_store_idx %arg16[%parallel_loop3A_306], %parallel_loop3A_355 {add = true} : memref<16384xf32, #tpu.memory_space<vmem>>[vector<16xi32>], vector<16xf32>,
        } else {
        }
        %parallel_loop3A_349 = arith.extui %and3A_7 : i1 to i32
        %parallel_loop3A_350 = arith.constant 0 : i32
        %parallel_loop3A_351 = arith.cmpi ne, %parallel_loop3A_349, %parallel_loop3A_350 : i32
        scf.if %parallel_loop3A_351 {
          tpu.vector_store_idx %arg16[%parallel_loop3A_306], %broadcast_in_dim3A_22 {add = true} : memref<16384xf32, #tpu.memory_space<vmem>>[vector<16xi32>], vector<16xf32>,
        } else {
        }
      } {sc.loop_unroll_factor = 8 : i64, sc.parallel_access}
      %add3A_240 = arith.constant 2 : i32
      %add3A_241 = arith.addi %mul3A_113, %add3A_240 : i32
      %lt3A_242 = arith.constant 128 : i32
      %lt3A_243 = arith.cmpi slt, %add3A_241, %lt3A_242 : i32
      %convert_element_type3A_244 = arith.extui %lt3A_243 : i1 to i32
      %cond3A_245 = arith.constant 0 : i32
      %cond3A_246 = arith.cmpi ne, %convert_element_type3A_244, %cond3A_245 : i32
      scf.if %cond3A_246 {
        %add3A_302 = arith.constant 2 : i32
        %add3A_303 = arith.addi %mul3A_113, %add3A_302 : i32
        %mul3A_304 = arith.constant 2048 : i32
        %mul3A_305 = arith.muli %add3A_303, %mul3A_304 : i32
        %dma_start3A_306 = tpu.memref_slice %arg4[%mul3A_305] : memref<262144xi32, #tpu.memory_space<hbm>> -> memref<2048xi32, #tpu.memory_space<hbm>>
        %dma_start3A_307 = tpu.memref_slice %arg4[%mul3A_305] : memref<262144xi32, #tpu.memory_space<hbm>> -> memref<2048xi32, #tpu.memory_space<hbm>>
        tpu.enqueue_dma source(%dma_start3A_307 : memref<2048xi32, #tpu.memory_space<hbm>>) target(%arg9 : memref<2048xi32, #tpu.memory_space<vmem>>) target_semaphore(%arg17 : memref<!tpu.dma_semaphore, #tpu.memory_space<semaphore_mem>>)
        %mul3A_308 = arith.constant 4 : i32
        %mul3A_309 = arith.muli %mul3A_308, %add3A : i32
        %add3A_310 = arith.constant 0 : i32
        %add3A_311 = arith.addi %mul3A_309, %add3A_310 : i32
        %mul3A_312 = arith.constant 262144 : i32
        %mul3A_313 = arith.muli %add3A_311, %mul3A_312 : i32
        %add3A_314 = arith.addi %mul3A_313, %mul3A_305 : i32
        %dma_start3A_315 = arith.constant 0 : i32
        %dma_start3A_316 = arith.constant 0 : i32
        %dma_start3A_317 = tpu.memref_slice %arg11[%dma_start3A_315, %dma_start3A_316] : memref<4x2048xf32, #tpu.memory_space<vmem>> -> memref<1x2048xf32, #tpu.memory_space<vmem>>
        %dma_start3A_318 = tpu.memref_squeeze %dma_start3A_317 : memref<1x2048xf32, #tpu.memory_space<vmem>> -> memref<2048xf32, #tpu.memory_space<vmem>>
        %dma_start3A_319 = tpu.memref_slice %arg2[%add3A_314] : memref<33554432xf32, #tpu.memory_space<hbm>> -> memref<2048xf32, #tpu.memory_space<hbm>>
        %dma_start3A_320 = arith.constant 0 : i32
        %dma_start3A_321 = tpu.memref_slice %arg11[%dma_start3A_315, %dma_start3A_320] : memref<4x2048xf32, #tpu.memory_space<vmem>> -> memref<1x2048xf32, #tpu.memory_space<vmem>>
        %dma_start3A_322 = tpu.memref_squeeze %dma_start3A_321 : memref<1x2048xf32, #tpu.memory_space<vmem>> -> memref<2048xf32, #tpu.memory_space<vmem>>
        %dma_start3A_323 = tpu.memref_slice %arg2[%add3A_314] : memref<33554432xf32, #tpu.memory_space<hbm>> -> memref<2048xf32, #tpu.memory_space<hbm>>
        tpu.enqueue_dma source(%dma_start3A_323 : memref<2048xf32, #tpu.memory_space<hbm>>) target(%dma_start3A_322 : memref<2048xf32, #tpu.memory_space<vmem>>) target_semaphore(%arg17 : memref<!tpu.dma_semaphore, #tpu.memory_space<semaphore_mem>>)
        %mul3A_324 = arith.constant 4 : i32
        %mul3A_325 = arith.muli %mul3A_324, %add3A : i32
        %add3A_326 = arith.constant 1 : i32
        %add3A_327 = arith.addi %mul3A_325, %add3A_326 : i32
        %mul3A_328 = arith.constant 262144 : i32
        %mul3A_329 = arith.muli %add3A_327, %mul3A_328 : i32
        %add3A_330 = arith.addi %mul3A_329, %mul3A_305 : i32
        %dma_start3A_331 = arith.constant 1 : i32
        %dma_start3A_332 = arith.constant 0 : i32
        %dma_start3A_333 = tpu.memref_slice %arg11[%dma_start3A_331, %dma_start3A_332] : memref<4x2048xf32, #tpu.memory_space<vmem>> -> memref<1x2048xf32, #tpu.memory_space<vmem>>
        %dma_start3A_334 = tpu.memref_squeeze %dma_start3A_333 : memref<1x2048xf32, #tpu.memory_space<vmem>> -> memref<2048xf32, #tpu.memory_space<vmem>>
        %dma_start3A_335 = tpu.memref_slice %arg2[%add3A_330] : memref<33554432xf32, #tpu.memory_space<hbm>> -> memref<2048xf32, #tpu.memory_space<hbm>>
        %dma_start3A_336 = arith.constant 0 : i32
        %dma_start3A_337 = tpu.memref_slice %arg11[%dma_start3A_331, %dma_start3A_336] : memref<4x2048xf32, #tpu.memory_space<vmem>> -> memref<1x2048xf32, #tpu.memory_space<vmem>>
        %dma_start3A_338 = tpu.memref_squeeze %dma_start3A_337 : memref<1x2048xf32, #tpu.memory_space<vmem>> -> memref<2048xf32, #tpu.memory_space<vmem>>
        %dma_start3A_339 = tpu.memref_slice %arg2[%add3A_330] : memref<33554432xf32, #tpu.memory_space<hbm>> -> memref<2048xf32, #tpu.memory_space<hbm>>
        tpu.enqueue_dma source(%dma_start3A_339 : memref<2048xf32, #tpu.memory_space<hbm>>) target(%dma_start3A_338 : memref<2048xf32, #tpu.memory_space<vmem>>) target_semaphore(%arg17 : memref<!tpu.dma_semaphore, #tpu.memory_space<semaphore_mem>>)
        %mul3A_340 = arith.constant 4 : i32
        %mul3A_341 = arith.muli %mul3A_340, %add3A : i32
        %add3A_342 = arith.constant 2 : i32
        %add3A_343 = arith.addi %mul3A_341, %add3A_342 : i32
        %mul3A_344 = arith.constant 262144 : i32
        %mul3A_345 = arith.muli %add3A_343, %mul3A_344 : i32
        %add3A_346 = arith.addi %mul3A_345, %mul3A_305 : i32
        %dma_start3A_347 = arith.constant 2 : i32
        %dma_start3A_348 = arith.constant 0 : i32
        %dma_start3A_349 = tpu.memref_slice %arg11[%dma_start3A_347, %dma_start3A_348] : memref<4x2048xf32, #tpu.memory_space<vmem>> -> memref<1x2048xf32, #tpu.memory_space<vmem>>
        %dma_start3A_350 = tpu.memref_squeeze %dma_start3A_349 : memref<1x2048xf32, #tpu.memory_space<vmem>> -> memref<2048xf32, #tpu.memory_space<vmem>>
        %dma_start3A_351 = tpu.memref_slice %arg2[%add3A_346] : memref<33554432xf32, #tpu.memory_space<hbm>> -> memref<2048xf32, #tpu.memory_space<hbm>>
        %dma_start3A_352 = arith.constant 0 : i32
        %dma_start3A_353 = tpu.memref_slice %arg11[%dma_start3A_347, %dma_start3A_352] : memref<4x2048xf32, #tpu.memory_space<vmem>> -> memref<1x2048xf32, #tpu.memory_space<vmem>>
        %dma_start3A_354 = tpu.memref_squeeze %dma_start3A_353 : memref<1x2048xf32, #tpu.memory_space<vmem>> -> memref<2048xf32, #tpu.memory_space<vmem>>
        %dma_start3A_355 = tpu.memref_slice %arg2[%add3A_346] : memref<33554432xf32, #tpu.memory_space<hbm>> -> memref<2048xf32, #tpu.memory_space<hbm>>
        tpu.enqueue_dma source(%dma_start3A_355 : memref<2048xf32, #tpu.memory_space<hbm>>) target(%dma_start3A_354 : memref<2048xf32, #tpu.memory_space<vmem>>) target_semaphore(%arg17 : memref<!tpu.dma_semaphore, #tpu.memory_space<semaphore_mem>>)
        %mul3A_356 = arith.constant 4 : i32
        %mul3A_357 = arith.muli %mul3A_356, %add3A : i32
        %add3A_358 = arith.constant 3 : i32
        %add3A_359 = arith.addi %mul3A_357, %add3A_358 : i32
        %mul3A_360 = arith.constant 262144 : i32
        %mul3A_361 = arith.muli %add3A_359, %mul3A_360 : i32
        %add3A_362 = arith.addi %mul3A_361, %mul3A_305 : i32
        %dma_start3A_363 = arith.constant 3 : i32
        %dma_start3A_364 = arith.constant 0 : i32
        %dma_start3A_365 = tpu.memref_slice %arg11[%dma_start3A_363, %dma_start3A_364] : memref<4x2048xf32, #tpu.memory_space<vmem>> -> memref<1x2048xf32, #tpu.memory_space<vmem>>
        %dma_start3A_366 = tpu.memref_squeeze %dma_start3A_365 : memref<1x2048xf32, #tpu.memory_space<vmem>> -> memref<2048xf32, #tpu.memory_space<vmem>>
        %dma_start3A_367 = tpu.memref_slice %arg2[%add3A_362] : memref<33554432xf32, #tpu.memory_space<hbm>> -> memref<2048xf32, #tpu.memory_space<hbm>>
        %dma_start3A_368 = arith.constant 0 : i32
        %dma_start3A_369 = tpu.memref_slice %arg11[%dma_start3A_363, %dma_start3A_368] : memref<4x2048xf32, #tpu.memory_space<vmem>> -> memref<1x2048xf32, #tpu.memory_space<vmem>>
        %dma_start3A_370 = tpu.memref_squeeze %dma_start3A_369 : memref<1x2048xf32, #tpu.memory_space<vmem>> -> memref<2048xf32, #tpu.memory_space<vmem>>
        %dma_start3A_371 = tpu.memref_slice %arg2[%add3A_362] : memref<33554432xf32, #tpu.memory_space<hbm>> -> memref<2048xf32, #tpu.memory_space<hbm>>
        tpu.enqueue_dma source(%dma_start3A_371 : memref<2048xf32, #tpu.memory_space<hbm>>) target(%dma_start3A_370 : memref<2048xf32, #tpu.memory_space<vmem>>) target_semaphore(%arg17 : memref<!tpu.dma_semaphore, #tpu.memory_space<semaphore_mem>>)
        %add3A_372 = arith.addi %mul3A_21, %mul3A_305 : i32
        %dma_start3A_373 = tpu.memref_slice %arg3[%add3A_372] : memref<1048576xf32, #tpu.memory_space<hbm>> -> memref<2048xf32, #tpu.memory_space<hbm>>
        %dma_start3A_374 = tpu.memref_slice %arg3[%add3A_372] : memref<1048576xf32, #tpu.memory_space<hbm>> -> memref<2048xf32, #tpu.memory_space<hbm>>
        tpu.enqueue_dma source(%dma_start3A_374 : memref<2048xf32, #tpu.memory_space<hbm>>) target(%arg13 : memref<2048xf32, #tpu.memory_space<vmem>>) target_semaphore(%arg17 : memref<!tpu.dma_semaphore, #tpu.memory_space<semaphore_mem>>)
      } else {
      }
      %dma_wait3A_247 = arith.constant 0 : i32
      %dma_wait3A_248 = tpu.memref_slice %arg4[%dma_wait3A_247] : memref<262144xi32, #tpu.memory_space<hbm>> -> memref<2048xi32, #tpu.memory_space<hbm>>
      %dma_wait3A_249 = arith.constant 0 : i32
      %dma_wait3A_250 = tpu.memref_slice %arg4[%dma_wait3A_249] : memref<262144xi32, #tpu.memory_space<hbm>> -> memref<2048xi32, #tpu.memory_space<hbm>>
      tpu.wait_dma2 semaphore(%arg18 : memref<!tpu.dma_semaphore, #tpu.memory_space<semaphore_mem>>) src(%dma_wait3A_250 : memref<2048xi32, #tpu.memory_space<hbm>>) dst(%arg10 : memref<2048xi32, #tpu.memory_space<vmem>>)
      %dma_wait3A_251 = arith.constant 0 : i32
      %dma_wait3A_252 = arith.constant 0 : i32
      %dma_wait3A_253 = tpu.memref_slice %arg12[%dma_wait3A_251, %dma_wait3A_252] : memref<4x2048xf32, #tpu.memory_space<vmem>> -> memref<1x2048xf32, #tpu.memory_space<vmem>>
      %dma_wait3A_254 = tpu.memref_squeeze %dma_wait3A_253 : memref<1x2048xf32, #tpu.memory_space<vmem>> -> memref<2048xf32, #tpu.memory_space<vmem>>
      %dma_wait3A_255 = arith.constant 0 : i32
      %dma_wait3A_256 = tpu.memref_slice %arg2[%dma_wait3A_255] : memref<33554432xf32, #tpu.memory_space<hbm>> -> memref<2048xf32, #tpu.memory_space<hbm>>
      %dma_wait3A_257 = arith.constant 0 : i32
      %dma_wait3A_258 = tpu.memref_slice %arg12[%dma_wait3A_251, %dma_wait3A_257] : memref<4x2048xf32, #tpu.memory_space<vmem>> -> memref<1x2048xf32, #tpu.memory_space<vmem>>
      %dma_wait3A_259 = tpu.memref_squeeze %dma_wait3A_258 : memref<1x2048xf32, #tpu.memory_space<vmem>> -> memref<2048xf32, #tpu.memory_space<vmem>>
      %dma_wait3A_260 = arith.constant 0 : i32
      %dma_wait3A_261 = tpu.memref_slice %arg2[%dma_wait3A_260] : memref<33554432xf32, #tpu.memory_space<hbm>> -> memref<2048xf32, #tpu.memory_space<hbm>>
      tpu.wait_dma2 semaphore(%arg18 : memref<!tpu.dma_semaphore, #tpu.memory_space<semaphore_mem>>) src(%dma_wait3A_261 : memref<2048xf32, #tpu.memory_space<hbm>>) dst(%dma_wait3A_259 : memref<2048xf32, #tpu.memory_space<vmem>>)
      %dma_wait3A_262 = arith.constant 1 : i32
      %dma_wait3A_263 = arith.constant 0 : i32
      %dma_wait3A_264 = tpu.memref_slice %arg12[%dma_wait3A_262, %dma_wait3A_263] : memref<4x2048xf32, #tpu.memory_space<vmem>> -> memref<1x2048xf32, #tpu.memory_space<vmem>>
      %dma_wait3A_265 = tpu.memref_squeeze %dma_wait3A_264 : memref<1x2048xf32, #tpu.memory_space<vmem>> -> memref<2048xf32, #tpu.memory_space<vmem>>
      %dma_wait3A_266 = arith.constant 0 : i32
      %dma_wait3A_267 = tpu.memref_slice %arg2[%dma_wait3A_266] : memref<33554432xf32, #tpu.memory_space<hbm>> -> memref<2048xf32, #tpu.memory_space<hbm>>
      %dma_wait3A_268 = arith.constant 0 : i32
      %dma_wait3A_269 = tpu.memref_slice %arg12[%dma_wait3A_262, %dma_wait3A_268] : memref<4x2048xf32, #tpu.memory_space<vmem>> -> memref<1x2048xf32, #tpu.memory_space<vmem>>
      %dma_wait3A_270 = tpu.memref_squeeze %dma_wait3A_269 : memref<1x2048xf32, #tpu.memory_space<vmem>> -> memref<2048xf32, #tpu.memory_space<vmem>>
      %dma_wait3A_271 = arith.constant 0 : i32
      %dma_wait3A_272 = tpu.memref_slice %arg2[%dma_wait3A_271] : memref<33554432xf32, #tpu.memory_space<hbm>> -> memref<2048xf32, #tpu.memory_space<hbm>>
      tpu.wait_dma2 semaphore(%arg18 : memref<!tpu.dma_semaphore, #tpu.memory_space<semaphore_mem>>) src(%dma_wait3A_272 : memref<2048xf32, #tpu.memory_space<hbm>>) dst(%dma_wait3A_270 : memref<2048xf32, #tpu.memory_space<vmem>>)
      %dma_wait3A_273 = arith.constant 2 : i32
      %dma_wait3A_274 = arith.constant 0 : i32
      %dma_wait3A_275 = tpu.memref_slice %arg12[%dma_wait3A_273, %dma_wait3A_274] : memref<4x2048xf32, #tpu.memory_space<vmem>> -> memref<1x2048xf32, #tpu.memory_space<vmem>>
      %dma_wait3A_276 = tpu.memref_squeeze %dma_wait3A_275 : memref<1x2048xf32, #tpu.memory_space<vmem>> -> memref<2048xf32, #tpu.memory_space<vmem>>
      %dma_wait3A_277 = arith.constant 0 : i32
      %dma_wait3A_278 = tpu.memref_slice %arg2[%dma_wait3A_277] : memref<33554432xf32, #tpu.memory_space<hbm>> -> memref<2048xf32, #tpu.memory_space<hbm>>
      %dma_wait3A_279 = arith.constant 0 : i32
      %dma_wait3A_280 = tpu.memref_slice %arg12[%dma_wait3A_273, %dma_wait3A_279] : memref<4x2048xf32, #tpu.memory_space<vmem>> -> memref<1x2048xf32, #tpu.memory_space<vmem>>
      %dma_wait3A_281 = tpu.memref_squeeze %dma_wait3A_280 : memref<1x2048xf32, #tpu.memory_space<vmem>> -> memref<2048xf32, #tpu.memory_space<vmem>>
      %dma_wait3A_282 = arith.constant 0 : i32
      %dma_wait3A_283 = tpu.memref_slice %arg2[%dma_wait3A_282] : memref<33554432xf32, #tpu.memory_space<hbm>> -> memref<2048xf32, #tpu.memory_space<hbm>>
      tpu.wait_dma2 semaphore(%arg18 : memref<!tpu.dma_semaphore, #tpu.memory_space<semaphore_mem>>) src(%dma_wait3A_283 : memref<2048xf32, #tpu.memory_space<hbm>>) dst(%dma_wait3A_281 : memref<2048xf32, #tpu.memory_space<vmem>>)
      %dma_wait3A_284 = arith.constant 3 : i32
      %dma_wait3A_285 = arith.constant 0 : i32
      %dma_wait3A_286 = tpu.memref_slice %arg12[%dma_wait3A_284, %dma_wait3A_285] : memref<4x2048xf32, #tpu.memory_space<vmem>> -> memref<1x2048xf32, #tpu.memory_space<vmem>>
      %dma_wait3A_287 = tpu.memref_squeeze %dma_wait3A_286 : memref<1x2048xf32, #tpu.memory_space<vmem>> -> memref<2048xf32, #tpu.memory_space<vmem>>
      %dma_wait3A_288 = arith.constant 0 : i32
      %dma_wait3A_289 = tpu.memref_slice %arg2[%dma_wait3A_288] : memref<33554432xf32, #tpu.memory_space<hbm>> -> memref<2048xf32, #tpu.memory_space<hbm>>
      %dma_wait3A_290 = arith.constant 0 : i32
      %dma_wait3A_291 = tpu.memref_slice %arg12[%dma_wait3A_284, %dma_wait3A_290] : memref<4x2048xf32, #tpu.memory_space<vmem>> -> memref<1x2048xf32, #tpu.memory_space<vmem>>
      %dma_wait3A_292 = tpu.memref_squeeze %dma_wait3A_291 : memref<1x2048xf32, #tpu.memory_space<vmem>> -> memref<2048xf32, #tpu.memory_space<vmem>>
      %dma_wait3A_293 = arith.constant 0 : i32
      %dma_wait3A_294 = tpu.memref_slice %arg2[%dma_wait3A_293] : memref<33554432xf32, #tpu.memory_space<hbm>> -> memref<2048xf32, #tpu.memory_space<hbm>>
      tpu.wait_dma2 semaphore(%arg18 : memref<!tpu.dma_semaphore, #tpu.memory_space<semaphore_mem>>) src(%dma_wait3A_294 : memref<2048xf32, #tpu.memory_space<hbm>>) dst(%dma_wait3A_292 : memref<2048xf32, #tpu.memory_space<vmem>>)
      %dma_wait3A_295 = arith.constant 0 : i32
      %dma_wait3A_296 = tpu.memref_slice %arg3[%dma_wait3A_295] : memref<1048576xf32, #tpu.memory_space<hbm>> -> memref<2048xf32, #tpu.memory_space<hbm>>
      %dma_wait3A_297 = arith.constant 0 : i32
      %dma_wait3A_298 = tpu.memref_slice %arg3[%dma_wait3A_297] : memref<1048576xf32, #tpu.memory_space<hbm>> -> memref<2048xf32, #tpu.memory_space<hbm>>
      tpu.wait_dma2 semaphore(%arg18 : memref<!tpu.dma_semaphore, #tpu.memory_space<semaphore_mem>>) src(%dma_wait3A_298 : memref<2048xf32, #tpu.memory_space<hbm>>) dst(%arg14 : memref<2048xf32, #tpu.memory_space<vmem>>)
      %parallel_loop3A_299 = arith.constant 0 : i32
      %parallel_loop3A_300 = arith.constant 128 : i32
      %parallel_loop3A_301 = arith.constant 1 : i32
      scf.for %parallel_loop3A_302 = %parallel_loop3A_299 to %parallel_loop3A_300 step %parallel_loop3A_301  : i32 {
        %parallel_loop3A_303 = arith.constant 16 : i32
        %parallel_loop3A_304 = arith.muli %parallel_loop3A_302, %parallel_loop3A_303 : i32
        %parallel_loop3A_305 = arith.index_cast %parallel_loop3A_304 : i32 to index
        %parallel_loop3A_306 = tpu.vector_load %arg10[%parallel_loop3A_305] {strides = array<i32>} : memref<2048xi32, #tpu.memory_space<vmem>>, vector<16xi32>,
        %parallel_loop3A_307 = arith.constant 4 : i32
        %parallel_loop3A_308 = vector.broadcast %parallel_loop3A_307 : i32 to vector<16xi32>
        %parallel_loop3A_309 = arith.muli %parallel_loop3A_306, %parallel_loop3A_308 : vector<16xi32>
        %parallel_loop3A_310 = arith.constant 16 : i32
        %parallel_loop3A_311 = arith.muli %parallel_loop3A_302, %parallel_loop3A_310 : i32
        %parallel_loop3A_312 = arith.constant 0 : i32
        %parallel_loop3A_313 = arith.index_cast %parallel_loop3A_312 : i32 to index
        %parallel_loop3A_314 = arith.index_cast %parallel_loop3A_311 : i32 to index
        %parallel_loop3A_315 = tpu.vector_load %arg12[%parallel_loop3A_313, %parallel_loop3A_314] {strides = array<i32>} : memref<4x2048xf32, #tpu.memory_space<vmem>>, vector<16xf32>,
        %parallel_loop3A_316 = arith.constant 0 : i32
        %parallel_loop3A_317 = vector.broadcast %parallel_loop3A_316 : i32 to vector<16xi32>
        %parallel_loop3A_318 = arith.addi %parallel_loop3A_309, %parallel_loop3A_317 : vector<16xi32>
        tpu.vector_store_idx %arg15[%parallel_loop3A_318], %parallel_loop3A_315 {add = true} : memref<65536xf32, #tpu.memory_space<vmem>>[vector<16xi32>], vector<16xf32>,
        %parallel_loop3A_319 = arith.constant 16 : i32
        %parallel_loop3A_320 = arith.muli %parallel_loop3A_302, %parallel_loop3A_319 : i32
        %parallel_loop3A_321 = arith.constant 1 : i32
        %parallel_loop3A_322 = arith.index_cast %parallel_loop3A_321 : i32 to index
        %parallel_loop3A_323 = arith.index_cast %parallel_loop3A_320 : i32 to index
        %parallel_loop3A_324 = tpu.vector_load %arg12[%parallel_loop3A_322, %parallel_loop3A_323] {strides = array<i32>} : memref<4x2048xf32, #tpu.memory_space<vmem>>, vector<16xf32>,
        %parallel_loop3A_325 = arith.constant 1 : i32
        %parallel_loop3A_326 = vector.broadcast %parallel_loop3A_325 : i32 to vector<16xi32>
        %parallel_loop3A_327 = arith.addi %parallel_loop3A_309, %parallel_loop3A_326 : vector<16xi32>
        tpu.vector_store_idx %arg15[%parallel_loop3A_327], %parallel_loop3A_324 {add = true} : memref<65536xf32, #tpu.memory_space<vmem>>[vector<16xi32>], vector<16xf32>,
        %parallel_loop3A_328 = arith.constant 16 : i32
        %parallel_loop3A_329 = arith.muli %parallel_loop3A_302, %parallel_loop3A_328 : i32
        %parallel_loop3A_330 = arith.constant 2 : i32
        %parallel_loop3A_331 = arith.index_cast %parallel_loop3A_330 : i32 to index
        %parallel_loop3A_332 = arith.index_cast %parallel_loop3A_329 : i32 to index
        %parallel_loop3A_333 = tpu.vector_load %arg12[%parallel_loop3A_331, %parallel_loop3A_332] {strides = array<i32>} : memref<4x2048xf32, #tpu.memory_space<vmem>>, vector<16xf32>,
        %parallel_loop3A_334 = arith.constant 2 : i32
        %parallel_loop3A_335 = vector.broadcast %parallel_loop3A_334 : i32 to vector<16xi32>
        %parallel_loop3A_336 = arith.addi %parallel_loop3A_309, %parallel_loop3A_335 : vector<16xi32>
        tpu.vector_store_idx %arg15[%parallel_loop3A_336], %parallel_loop3A_333 {add = true} : memref<65536xf32, #tpu.memory_space<vmem>>[vector<16xi32>], vector<16xf32>,
        %parallel_loop3A_337 = arith.constant 16 : i32
        %parallel_loop3A_338 = arith.muli %parallel_loop3A_302, %parallel_loop3A_337 : i32
        %parallel_loop3A_339 = arith.constant 3 : i32
        %parallel_loop3A_340 = arith.index_cast %parallel_loop3A_339 : i32 to index
        %parallel_loop3A_341 = arith.index_cast %parallel_loop3A_338 : i32 to index
        %parallel_loop3A_342 = tpu.vector_load %arg12[%parallel_loop3A_340, %parallel_loop3A_341] {strides = array<i32>} : memref<4x2048xf32, #tpu.memory_space<vmem>>, vector<16xf32>,
        %parallel_loop3A_343 = arith.constant 3 : i32
        %parallel_loop3A_344 = vector.broadcast %parallel_loop3A_343 : i32 to vector<16xi32>
        %parallel_loop3A_345 = arith.addi %parallel_loop3A_309, %parallel_loop3A_344 : vector<16xi32>
        tpu.vector_store_idx %arg15[%parallel_loop3A_345], %parallel_loop3A_342 {add = true} : memref<65536xf32, #tpu.memory_space<vmem>>[vector<16xi32>], vector<16xf32>,
        %parallel_loop3A_346 = arith.extui %and3A : i1 to i32
        %parallel_loop3A_347 = arith.constant 0 : i32
        %parallel_loop3A_348 = arith.cmpi ne, %parallel_loop3A_346, %parallel_loop3A_347 : i32
        scf.if %parallel_loop3A_348 {
          %parallel_loop3A_352 = arith.constant 16 : i32
          %parallel_loop3A_353 = arith.muli %parallel_loop3A_302, %parallel_loop3A_352 : i32
          %parallel_loop3A_354 = arith.index_cast %parallel_loop3A_353 : i32 to index
          %parallel_loop3A_355 = tpu.vector_load %arg14[%parallel_loop3A_354] {strides = array<i32>} : memref<2048xf32, #tpu.memory_space<vmem>>, vector<16xf32>,
          tpu.vector_store_idx %arg16[%parallel_loop3A_306], %parallel_loop3A_355 {add = true} : memref<16384xf32, #tpu.memory_space<vmem>>[vector<16xi32>], vector<16xf32>,
        } else {
        }
        %parallel_loop3A_349 = arith.extui %and3A_7 : i1 to i32
        %parallel_loop3A_350 = arith.constant 0 : i32
        %parallel_loop3A_351 = arith.cmpi ne, %parallel_loop3A_349, %parallel_loop3A_350 : i32
        scf.if %parallel_loop3A_351 {
          tpu.vector_store_idx %arg16[%parallel_loop3A_306], %broadcast_in_dim3A_22 {add = true} : memref<16384xf32, #tpu.memory_space<vmem>>[vector<16xi32>], vector<16xf32>,
        } else {
        }
      } {sc.loop_unroll_factor = 8 : i64, sc.parallel_access}
    }
    %scan3A_102 = arith.constant 64 : i32
    %mul3A_103 = arith.constant 16384 : i32
    %mul3A_104 = arith.muli %add3A, %mul3A_103 : i32
    %mul3A_105 = arith.constant 4 : i32
    %mul3A_106 = arith.muli %mul3A_104, %mul3A_105 : i32
    "tpu.region"() ({
      %run_scoped3A = tpu.sem_alloc : memref<!tpu.dma_semaphore, #tpu.memory_space<semaphore_mem>>
      %dma_start3A_111 = tpu.memref_slice %arg7[%mul3A_106] : memref<2097152xf32, #tpu.memory_space<hbm>> -> memref<65536xf32, #tpu.memory_space<hbm>>
      %dma_start3A_112 = tpu.memref_slice %arg7[%mul3A_106] : memref<2097152xf32, #tpu.memory_space<hbm>> -> memref<65536xf32, #tpu.memory_space<hbm>>
      tpu.enqueue_dma source(%arg15 : memref<65536xf32, #tpu.memory_space<vmem>>) target(%dma_start3A_112 : memref<65536xf32, #tpu.memory_space<hbm>>) target_semaphore(%run_scoped3A : memref<!tpu.dma_semaphore, #tpu.memory_space<semaphore_mem>>)
      %dma_wait3A = tpu.memref_slice %arg7[%mul3A_106] : memref<2097152xf32, #tpu.memory_space<hbm>> -> memref<65536xf32, #tpu.memory_space<hbm>>
      %dma_wait3A_113 = tpu.memref_slice %arg7[%mul3A_106] : memref<2097152xf32, #tpu.memory_space<hbm>> -> memref<65536xf32, #tpu.memory_space<hbm>>
      tpu.wait_dma2 semaphore(%run_scoped3A : memref<!tpu.dma_semaphore, #tpu.memory_space<semaphore_mem>>) src(%arg15 : memref<65536xf32, #tpu.memory_space<vmem>>) dst(%dma_wait3A_113 : memref<65536xf32, #tpu.memory_space<hbm>>)
      tpu.yield
    }) : () -> ()
    %convert_element_type3A = arith.extui %and3A : i1 to i32
    %cond3A = arith.constant 0 : i32
    %cond3A_107 = arith.cmpi ne, %convert_element_type3A, %cond3A : i32
    scf.if %cond3A_107 {
      %mul3A_111 = arith.constant 16384 : i32
      %mul3A_112 = arith.muli %arg1, %mul3A_111 : i32
      "tpu.region"() ({
        %run_scoped3A = tpu.sem_alloc : memref<!tpu.dma_semaphore, #tpu.memory_space<semaphore_mem>>
        %dma_start3A_113 = tpu.memref_slice %arg8[%mul3A_112] : memref<131072xf32, #tpu.memory_space<hbm>> -> memref<16384xf32, #tpu.memory_space<hbm>>
        %dma_start3A_114 = tpu.memref_slice %arg8[%mul3A_112] : memref<131072xf32, #tpu.memory_space<hbm>> -> memref<16384xf32, #tpu.memory_space<hbm>>
        tpu.enqueue_dma source(%arg16 : memref<16384xf32, #tpu.memory_space<vmem>>) target(%dma_start3A_114 : memref<16384xf32, #tpu.memory_space<hbm>>) target_semaphore(%run_scoped3A : memref<!tpu.dma_semaphore, #tpu.memory_space<semaphore_mem>>)
        %dma_wait3A = tpu.memref_slice %arg8[%mul3A_112] : memref<131072xf32, #tpu.memory_space<hbm>> -> memref<16384xf32, #tpu.memory_space<hbm>>
        %dma_wait3A_115 = tpu.memref_slice %arg8[%mul3A_112] : memref<131072xf32, #tpu.memory_space<hbm>> -> memref<16384xf32, #tpu.memory_space<hbm>>
        tpu.wait_dma2 semaphore(%run_scoped3A : memref<!tpu.dma_semaphore, #tpu.memory_space<semaphore_mem>>) src(%arg16 : memref<16384xf32, #tpu.memory_space<vmem>>) dst(%dma_wait3A_115 : memref<16384xf32, #tpu.memory_space<hbm>>)
        tpu.yield
      }) : () -> ()
    } else {
    }
    %convert_element_type3A_108 = arith.extui %and3A_7 : i1 to i32
    %cond3A_109 = arith.constant 0 : i32
    %cond3A_110 = arith.cmpi ne, %convert_element_type3A_108, %cond3A_109 : i32
    scf.if %cond3A_110 {
      "tpu.region"() ({
        %run_scoped3A = tpu.sem_alloc : memref<!tpu.dma_semaphore, #tpu.memory_space<semaphore_mem>>
        %dma_start3A_111 = arith.constant 65536 : i32
        %dma_start3A_112 = tpu.memref_slice %arg8[%dma_start3A_111] : memref<131072xf32, #tpu.memory_space<hbm>> -> memref<16384xf32, #tpu.memory_space<hbm>>
        %dma_start3A_113 = arith.constant 65536 : i32
        %dma_start3A_114 = tpu.memref_slice %arg8[%dma_start3A_113] : memref<131072xf32, #tpu.memory_space<hbm>> -> memref<16384xf32, #tpu.memory_space<hbm>>
        tpu.enqueue_dma source(%arg16 : memref<16384xf32, #tpu.memory_space<vmem>>) target(%dma_start3A_114 : memref<16384xf32, #tpu.memory_space<hbm>>) target_semaphore(%run_scoped3A : memref<!tpu.dma_semaphore, #tpu.memory_space<semaphore_mem>>)
        %dma_wait3A = arith.constant 65536 : i32
        %dma_wait3A_115 = tpu.memref_slice %arg8[%dma_wait3A] : memref<131072xf32, #tpu.memory_space<hbm>> -> memref<16384xf32, #tpu.memory_space<hbm>>
        %dma_wait3A_116 = arith.constant 65536 : i32
        %dma_wait3A_117 = tpu.memref_slice %arg8[%dma_wait3A_116] : memref<131072xf32, #tpu.memory_space<hbm>> -> memref<16384xf32, #tpu.memory_space<hbm>>
        tpu.wait_dma2 semaphore(%run_scoped3A : memref<!tpu.dma_semaphore, #tpu.memory_space<semaphore_mem>>) src(%arg16 : memref<16384xf32, #tpu.memory_space<vmem>>) dst(%dma_wait3A_117 : memref<16384xf32, #tpu.memory_space<hbm>>)
        tpu.yield
      }) : () -> ()
    } else {
    }
    return
  }
}

#map = affine_map<(d0, d1) -> (0, 0)>
#map1 = affine_map<(d0, d1) -> (0)>
module attributes {stable_mosaic.version = 14 : i64} {
  func.func @_sc_gather(%arg0: i32, %arg1: i32, %arg2: memref<16384x128xf32, #tpu.memory_space<hbm>>, %arg3: memref<16384x128xf32, #tpu.memory_space<hbm>>, %arg4: memref<262144xi32, #tpu.memory_space<hbm>>, %arg5: memref<262144xi32, #tpu.memory_space<hbm>>, %arg6: memref<262144x128xf32, #tpu.memory_space<hbm>>, %arg7: memref<262144x128xf32, #tpu.memory_space<hbm>>, %arg8: memref<8192xi32, #tpu.memory_space<vmem>>, %arg9: memref<8192xi32, #tpu.memory_space<vmem>>, %arg10: memref<128x128xf32, #tpu.memory_space<vmem>>, %arg11: memref<128x128xf32, #tpu.memory_space<vmem>>, %arg12: memref<128x128xf32, #tpu.memory_space<vmem>>, %arg13: memref<128x128xf32, #tpu.memory_space<vmem>>, %arg14: memref<!tpu.dma_semaphore, #tpu.memory_space<semaphore_mem>>, %arg15: memref<!tpu.dma_semaphore, #tpu.memory_space<semaphore_mem>>, %arg16: memref<!tpu.dma_semaphore, #tpu.memory_space<semaphore_mem>>, %arg17: memref<!tpu.dma_semaphore, #tpu.memory_space<semaphore_mem>>) attributes {dimension_semantics = [#tpu.dimension_semantics<core_parallel>, #tpu.dimension_semantics<subcore_parallel>], iteration_bounds = array<i64: 2, 16>, scalar_prefetch = 0 : i64, scratch_operands = 10 : i64, tpu.core_type = #tpu.core_type<sc_vector_subcore>, window_params = [{transform_indices = #map}, {transform_indices = #map}, {transform_indices = #map1}, {transform_indices = #map1}, {transform_indices = #map}, {transform_indices = #map}]} {
    %mul3A = arith.constant 2 : i32
    %mul3A_0 = arith.muli %arg1, %mul3A : i32
    %add3A = arith.addi %mul3A_0, %arg0 : i32
    %mul3A_1 = arith.constant 8192 : i32
    %mul3A_2 = arith.muli %add3A, %mul3A_1 : i32
    "tpu.region"() ({
      %run_scoped3A = tpu.sem_alloc : memref<!tpu.dma_semaphore, #tpu.memory_space<semaphore_mem>>
      %dma_start3A_50 = tpu.memref_slice %arg4[%mul3A_2] : memref<262144xi32, #tpu.memory_space<hbm>> -> memref<8192xi32, #tpu.memory_space<hbm>>
      %dma_start3A_51 = tpu.memref_slice %arg4[%mul3A_2] : memref<262144xi32, #tpu.memory_space<hbm>> -> memref<8192xi32, #tpu.memory_space<hbm>>
      tpu.enqueue_dma source(%dma_start3A_51 : memref<8192xi32, #tpu.memory_space<hbm>>) target(%arg8 : memref<8192xi32, #tpu.memory_space<vmem>>) target_semaphore(%run_scoped3A : memref<!tpu.dma_semaphore, #tpu.memory_space<semaphore_mem>>)
      %dma_wait3A_52 = tpu.memref_slice %arg4[%mul3A_2] : memref<262144xi32, #tpu.memory_space<hbm>> -> memref<8192xi32, #tpu.memory_space<hbm>>
      %dma_wait3A_53 = tpu.memref_slice %arg4[%mul3A_2] : memref<262144xi32, #tpu.memory_space<hbm>> -> memref<8192xi32, #tpu.memory_space<hbm>>
      tpu.wait_dma2 semaphore(%run_scoped3A : memref<!tpu.dma_semaphore, #tpu.memory_space<semaphore_mem>>) src(%dma_wait3A_53 : memref<8192xi32, #tpu.memory_space<hbm>>) dst(%arg8 : memref<8192xi32, #tpu.memory_space<vmem>>)
      tpu.yield
    }) : () -> ()
    "tpu.region"() ({
      %run_scoped3A = tpu.sem_alloc : memref<!tpu.dma_semaphore, #tpu.memory_space<semaphore_mem>>
      %dma_start3A_50 = tpu.memref_slice %arg5[%mul3A_2] : memref<262144xi32, #tpu.memory_space<hbm>> -> memref<8192xi32, #tpu.memory_space<hbm>>
      %dma_start3A_51 = tpu.memref_slice %arg5[%mul3A_2] : memref<262144xi32, #tpu.memory_space<hbm>> -> memref<8192xi32, #tpu.memory_space<hbm>>
      tpu.enqueue_dma source(%dma_start3A_51 : memref<8192xi32, #tpu.memory_space<hbm>>) target(%arg9 : memref<8192xi32, #tpu.memory_space<vmem>>) target_semaphore(%run_scoped3A : memref<!tpu.dma_semaphore, #tpu.memory_space<semaphore_mem>>)
      %dma_wait3A_52 = tpu.memref_slice %arg5[%mul3A_2] : memref<262144xi32, #tpu.memory_space<hbm>> -> memref<8192xi32, #tpu.memory_space<hbm>>
      %dma_wait3A_53 = tpu.memref_slice %arg5[%mul3A_2] : memref<262144xi32, #tpu.memory_space<hbm>> -> memref<8192xi32, #tpu.memory_space<hbm>>
      tpu.wait_dma2 semaphore(%run_scoped3A : memref<!tpu.dma_semaphore, #tpu.memory_space<semaphore_mem>>) src(%dma_wait3A_53 : memref<8192xi32, #tpu.memory_space<hbm>>) dst(%arg9 : memref<8192xi32, #tpu.memory_space<vmem>>)
      tpu.yield
    }) : () -> ()
    %dma_start3A = arith.constant 0 : i32
    %dma_start3A_3 = tpu.memref_slice %arg8[%dma_start3A] : memref<8192xi32, #tpu.memory_space<vmem>> -> memref<128xi32, #tpu.memory_space<vmem>>
    %dma_start3A_4 = arith.constant 0 : i32
    %dma_start3A_5 = arith.constant 0 : i32
    %dma_start3A_6 = tpu.memref_slice %arg2[%dma_start3A_4, %dma_start3A_5] : memref<16384x128xf32, #tpu.memory_space<hbm>> -> memref<16384x128xf32, #tpu.memory_space<hbm>>
    tpu.enqueue_indirect_dma source(%dma_start3A_6 : memref<16384x128xf32, #tpu.memory_space<hbm>>) target(%arg10 : memref<128x128xf32, #tpu.memory_space<vmem>>) offsets(%dma_start3A_3 : memref<128xi32, #tpu.memory_space<vmem>>) semaphore(%arg14 : memref<!tpu.dma_semaphore, #tpu.memory_space<semaphore_mem>>)
    %dma_start3A_7 = arith.constant 0 : i32
    %dma_start3A_8 = tpu.memref_slice %arg9[%dma_start3A_7] : memref<8192xi32, #tpu.memory_space<vmem>> -> memref<128xi32, #tpu.memory_space<vmem>>
    %dma_start3A_9 = arith.constant 0 : i32
    %dma_start3A_10 = arith.constant 0 : i32
    %dma_start3A_11 = tpu.memref_slice %arg3[%dma_start3A_9, %dma_start3A_10] : memref<16384x128xf32, #tpu.memory_space<hbm>> -> memref<16384x128xf32, #tpu.memory_space<hbm>>
    tpu.enqueue_indirect_dma source(%dma_start3A_11 : memref<16384x128xf32, #tpu.memory_space<hbm>>) target(%arg11 : memref<128x128xf32, #tpu.memory_space<vmem>>) offsets(%dma_start3A_8 : memref<128xi32, #tpu.memory_space<vmem>>) semaphore(%arg14 : memref<!tpu.dma_semaphore, #tpu.memory_space<semaphore_mem>>)
    %dma_start3A_12 = arith.constant 128 : i32
    %dma_start3A_13 = tpu.memref_slice %arg8[%dma_start3A_12] : memref<8192xi32, #tpu.memory_space<vmem>> -> memref<128xi32, #tpu.memory_space<vmem>>
    %dma_start3A_14 = arith.constant 0 : i32
    %dma_start3A_15 = arith.constant 0 : i32
    %dma_start3A_16 = tpu.memref_slice %arg2[%dma_start3A_14, %dma_start3A_15] : memref<16384x128xf32, #tpu.memory_space<hbm>> -> memref<16384x128xf32, #tpu.memory_space<hbm>>
    tpu.enqueue_indirect_dma source(%dma_start3A_16 : memref<16384x128xf32, #tpu.memory_space<hbm>>) target(%arg12 : memref<128x128xf32, #tpu.memory_space<vmem>>) offsets(%dma_start3A_13 : memref<128xi32, #tpu.memory_space<vmem>>) semaphore(%arg15 : memref<!tpu.dma_semaphore, #tpu.memory_space<semaphore_mem>>)
    %dma_start3A_17 = arith.constant 128 : i32
    %dma_start3A_18 = tpu.memref_slice %arg9[%dma_start3A_17] : memref<8192xi32, #tpu.memory_space<vmem>> -> memref<128xi32, #tpu.memory_space<vmem>>
    %dma_start3A_19 = arith.constant 0 : i32
    %dma_start3A_20 = arith.constant 0 : i32
    %dma_start3A_21 = tpu.memref_slice %arg3[%dma_start3A_19, %dma_start3A_20] : memref<16384x128xf32, #tpu.memory_space<hbm>> -> memref<16384x128xf32, #tpu.memory_space<hbm>>
    tpu.enqueue_indirect_dma source(%dma_start3A_21 : memref<16384x128xf32, #tpu.memory_space<hbm>>) target(%arg13 : memref<128x128xf32, #tpu.memory_space<vmem>>) offsets(%dma_start3A_18 : memref<128xi32, #tpu.memory_space<vmem>>) semaphore(%arg15 : memref<!tpu.dma_semaphore, #tpu.memory_space<semaphore_mem>>)
    %scan3A = arith.constant 0 : i32
    %scan3A_22 = arith.constant 0 : i32
    %scan3A_23 = arith.constant 32 : i32
    %scan3A_24 = arith.addi %scan3A_22, %scan3A_23 : i32
    %scan3A_25 = arith.constant 1 : i32
    scf.for %scan3A_50 = %scan3A_22 to %scan3A_24 step %scan3A_25  : i32 {
      %mul3A_51 = arith.constant 2 : i32
      %mul3A_52 = arith.muli %mul3A_51, %scan3A_50 : i32
      %dma_wait3A_53 = arith.constant 0 : i32
      %dma_wait3A_54 = arith.constant 0 : i32
      %dma_wait3A_55 = tpu.memref_slice %arg2[%dma_wait3A_53, %dma_wait3A_54] : memref<16384x128xf32, #tpu.memory_space<hbm>> -> memref<128x128xf32, #tpu.memory_space<hbm>>
      %dma_wait3A_56 = arith.constant 0 : i32
      %dma_wait3A_57 = arith.constant 0 : i32
      %dma_wait3A_58 = tpu.memref_slice %arg2[%dma_wait3A_56, %dma_wait3A_57] : memref<16384x128xf32, #tpu.memory_space<hbm>> -> memref<128x128xf32, #tpu.memory_space<hbm>>
      tpu.wait_dma2 semaphore(%arg14 : memref<!tpu.dma_semaphore, #tpu.memory_space<semaphore_mem>>) src(%dma_wait3A_58 : memref<128x128xf32, #tpu.memory_space<hbm>>) dst(%arg10 : memref<128x128xf32, #tpu.memory_space<vmem>>)
      %dma_wait3A_59 = arith.constant 0 : i32
      %dma_wait3A_60 = arith.constant 0 : i32
      %dma_wait3A_61 = tpu.memref_slice %arg3[%dma_wait3A_59, %dma_wait3A_60] : memref<16384x128xf32, #tpu.memory_space<hbm>> -> memref<128x128xf32, #tpu.memory_space<hbm>>
      %dma_wait3A_62 = arith.constant 0 : i32
      %dma_wait3A_63 = arith.constant 0 : i32
      %dma_wait3A_64 = tpu.memref_slice %arg3[%dma_wait3A_62, %dma_wait3A_63] : memref<16384x128xf32, #tpu.memory_space<hbm>> -> memref<128x128xf32, #tpu.memory_space<hbm>>
      tpu.wait_dma2 semaphore(%arg14 : memref<!tpu.dma_semaphore, #tpu.memory_space<semaphore_mem>>) src(%dma_wait3A_64 : memref<128x128xf32, #tpu.memory_space<hbm>>) dst(%arg11 : memref<128x128xf32, #tpu.memory_space<vmem>>)
      %mul3A_65 = arith.constant 128 : i32
      %mul3A_66 = arith.muli %mul3A_52, %mul3A_65 : i32
      %add3A_67 = arith.addi %mul3A_2, %mul3A_66 : i32
      %dma_start3A_68 = arith.constant 0 : i32
      %dma_start3A_69 = tpu.memref_slice %arg6[%add3A_67, %dma_start3A_68] : memref<262144x128xf32, #tpu.memory_space<hbm>> -> memref<128x128xf32, #tpu.memory_space<hbm>>
      %dma_start3A_70 = arith.constant 0 : i32
      %dma_start3A_71 = tpu.memref_slice %arg6[%add3A_67, %dma_start3A_70] : memref<262144x128xf32, #tpu.memory_space<hbm>> -> memref<128x128xf32, #tpu.memory_space<hbm>>
      tpu.enqueue_dma source(%arg10 : memref<128x128xf32, #tpu.memory_space<vmem>>) target(%dma_start3A_71 : memref<128x128xf32, #tpu.memory_space<hbm>>) target_semaphore(%arg16 : memref<!tpu.dma_semaphore, #tpu.memory_space<semaphore_mem>>)
      %dma_start3A_72 = arith.constant 0 : i32
      %dma_start3A_73 = tpu.memref_slice %arg7[%add3A_67, %dma_start3A_72] : memref<262144x128xf32, #tpu.memory_space<hbm>> -> memref<128x128xf32, #tpu.memory_space<hbm>>
      %dma_start3A_74 = arith.constant 0 : i32
      %dma_start3A_75 = tpu.memref_slice %arg7[%add3A_67, %dma_start3A_74] : memref<262144x128xf32, #tpu.memory_space<hbm>> -> memref<128x128xf32, #tpu.memory_space<hbm>>
      tpu.enqueue_dma source(%arg11 : memref<128x128xf32, #tpu.memory_space<vmem>>) target(%dma_start3A_75 : memref<128x128xf32, #tpu.memory_space<hbm>>) target_semaphore(%arg16 : memref<!tpu.dma_semaphore, #tpu.memory_space<semaphore_mem>>)
      %dma_wait3A_76 = arith.constant 0 : i32
      %dma_wait3A_77 = arith.constant 0 : i32
      %dma_wait3A_78 = tpu.memref_slice %arg2[%dma_wait3A_76, %dma_wait3A_77] : memref<16384x128xf32, #tpu.memory_space<hbm>> -> memref<128x128xf32, #tpu.memory_space<hbm>>
      %dma_wait3A_79 = arith.constant 0 : i32
      %dma_wait3A_80 = arith.constant 0 : i32
      %dma_wait3A_81 = tpu.memref_slice %arg2[%dma_wait3A_79, %dma_wait3A_80] : memref<16384x128xf32, #tpu.memory_space<hbm>> -> memref<128x128xf32, #tpu.memory_space<hbm>>
      tpu.wait_dma2 semaphore(%arg15 : memref<!tpu.dma_semaphore, #tpu.memory_space<semaphore_mem>>) src(%dma_wait3A_81 : memref<128x128xf32, #tpu.memory_space<hbm>>) dst(%arg12 : memref<128x128xf32, #tpu.memory_space<vmem>>)
      %dma_wait3A_82 = arith.constant 0 : i32
      %dma_wait3A_83 = arith.constant 0 : i32
      %dma_wait3A_84 = tpu.memref_slice %arg3[%dma_wait3A_82, %dma_wait3A_83] : memref<16384x128xf32, #tpu.memory_space<hbm>> -> memref<128x128xf32, #tpu.memory_space<hbm>>
      %dma_wait3A_85 = arith.constant 0 : i32
      %dma_wait3A_86 = arith.constant 0 : i32
      %dma_wait3A_87 = tpu.memref_slice %arg3[%dma_wait3A_85, %dma_wait3A_86] : memref<16384x128xf32, #tpu.memory_space<hbm>> -> memref<128x128xf32, #tpu.memory_space<hbm>>
      tpu.wait_dma2 semaphore(%arg15 : memref<!tpu.dma_semaphore, #tpu.memory_space<semaphore_mem>>) src(%dma_wait3A_87 : memref<128x128xf32, #tpu.memory_space<hbm>>) dst(%arg13 : memref<128x128xf32, #tpu.memory_space<vmem>>)
      %add3A_88 = arith.constant 1 : i32
      %add3A_89 = arith.addi %mul3A_52, %add3A_88 : i32
      %mul3A_90 = arith.constant 128 : i32
      %mul3A_91 = arith.muli %add3A_89, %mul3A_90 : i32
      %add3A_92 = arith.addi %mul3A_2, %mul3A_91 : i32
      %dma_start3A_93 = arith.constant 0 : i32
      %dma_start3A_94 = tpu.memref_slice %arg6[%add3A_92, %dma_start3A_93] : memref<262144x128xf32, #tpu.memory_space<hbm>> -> memref<128x128xf32, #tpu.memory_space<hbm>>
      %dma_start3A_95 = arith.constant 0 : i32
      %dma_start3A_96 = tpu.memref_slice %arg6[%add3A_92, %dma_start3A_95] : memref<262144x128xf32, #tpu.memory_space<hbm>> -> memref<128x128xf32, #tpu.memory_space<hbm>>
      tpu.enqueue_dma source(%arg12 : memref<128x128xf32, #tpu.memory_space<vmem>>) target(%dma_start3A_96 : memref<128x128xf32, #tpu.memory_space<hbm>>) target_semaphore(%arg17 : memref<!tpu.dma_semaphore, #tpu.memory_space<semaphore_mem>>)
      %dma_start3A_97 = arith.constant 0 : i32
      %dma_start3A_98 = tpu.memref_slice %arg7[%add3A_92, %dma_start3A_97] : memref<262144x128xf32, #tpu.memory_space<hbm>> -> memref<128x128xf32, #tpu.memory_space<hbm>>
      %dma_start3A_99 = arith.constant 0 : i32
      %dma_start3A_100 = tpu.memref_slice %arg7[%add3A_92, %dma_start3A_99] : memref<262144x128xf32, #tpu.memory_space<hbm>> -> memref<128x128xf32, #tpu.memory_space<hbm>>
      tpu.enqueue_dma source(%arg13 : memref<128x128xf32, #tpu.memory_space<vmem>>) target(%dma_start3A_100 : memref<128x128xf32, #tpu.memory_space<hbm>>) target_semaphore(%arg17 : memref<!tpu.dma_semaphore, #tpu.memory_space<semaphore_mem>>)
      %add3A_101 = arith.constant 1 : i32
      %add3A_102 = arith.addi %scan3A_50, %add3A_101 : i32
      %lt3A = arith.constant 32 : i32
      %lt3A_103 = arith.cmpi slt, %add3A_102, %lt3A : i32
      %convert_element_type3A = arith.extui %lt3A_103 : i1 to i32
      %cond3A = arith.constant 0 : i32
      %cond3A_104 = arith.cmpi ne, %convert_element_type3A, %cond3A : i32
      scf.if %cond3A_104 {
        %dma_wait3A_105 = arith.constant 0 : i32
        %dma_wait3A_106 = arith.constant 0 : i32
        %dma_wait3A_107 = tpu.memref_slice %arg2[%dma_wait3A_105, %dma_wait3A_106] : memref<16384x128xf32, #tpu.memory_space<hbm>> -> memref<128x128xf32, #tpu.memory_space<hbm>>
        %dma_wait3A_108 = arith.constant 0 : i32
        %dma_wait3A_109 = arith.constant 0 : i32
        %dma_wait3A_110 = tpu.memref_slice %arg2[%dma_wait3A_108, %dma_wait3A_109] : memref<16384x128xf32, #tpu.memory_space<hbm>> -> memref<128x128xf32, #tpu.memory_space<hbm>>
        tpu.wait_dma2 semaphore(%arg16 : memref<!tpu.dma_semaphore, #tpu.memory_space<semaphore_mem>>) src(%dma_wait3A_110 : memref<128x128xf32, #tpu.memory_space<hbm>>) dst(%arg10 : memref<128x128xf32, #tpu.memory_space<vmem>>)
        %dma_wait3A_111 = arith.constant 0 : i32
        %dma_wait3A_112 = arith.constant 0 : i32
        %dma_wait3A_113 = tpu.memref_slice %arg3[%dma_wait3A_111, %dma_wait3A_112] : memref<16384x128xf32, #tpu.memory_space<hbm>> -> memref<128x128xf32, #tpu.memory_space<hbm>>
        %dma_wait3A_114 = arith.constant 0 : i32
        %dma_wait3A_115 = arith.constant 0 : i32
        %dma_wait3A_116 = tpu.memref_slice %arg3[%dma_wait3A_114, %dma_wait3A_115] : memref<16384x128xf32, #tpu.memory_space<hbm>> -> memref<128x128xf32, #tpu.memory_space<hbm>>
        tpu.wait_dma2 semaphore(%arg16 : memref<!tpu.dma_semaphore, #tpu.memory_space<semaphore_mem>>) src(%dma_wait3A_116 : memref<128x128xf32, #tpu.memory_space<hbm>>) dst(%arg11 : memref<128x128xf32, #tpu.memory_space<vmem>>)
        %add3A_117 = arith.constant 2 : i32
        %add3A_118 = arith.addi %mul3A_52, %add3A_117 : i32
        %mul3A_119 = arith.constant 128 : i32
        %mul3A_120 = arith.muli %add3A_118, %mul3A_119 : i32
        %dma_start3A_121 = tpu.memref_slice %arg8[%mul3A_120] : memref<8192xi32, #tpu.memory_space<vmem>> -> memref<128xi32, #tpu.memory_space<vmem>>
        %dma_start3A_122 = arith.constant 0 : i32
        %dma_start3A_123 = arith.constant 0 : i32
        %dma_start3A_124 = tpu.memref_slice %arg2[%dma_start3A_122, %dma_start3A_123] : memref<16384x128xf32, #tpu.memory_space<hbm>> -> memref<16384x128xf32, #tpu.memory_space<hbm>>
        tpu.enqueue_indirect_dma source(%dma_start3A_124 : memref<16384x128xf32, #tpu.memory_space<hbm>>) target(%arg10 : memref<128x128xf32, #tpu.memory_space<vmem>>) offsets(%dma_start3A_121 : memref<128xi32, #tpu.memory_space<vmem>>) semaphore(%arg14 : memref<!tpu.dma_semaphore, #tpu.memory_space<semaphore_mem>>)
        %dma_start3A_125 = tpu.memref_slice %arg9[%mul3A_120] : memref<8192xi32, #tpu.memory_space<vmem>> -> memref<128xi32, #tpu.memory_space<vmem>>
        %dma_start3A_126 = arith.constant 0 : i32
        %dma_start3A_127 = arith.constant 0 : i32
        %dma_start3A_128 = tpu.memref_slice %arg3[%dma_start3A_126, %dma_start3A_127] : memref<16384x128xf32, #tpu.memory_space<hbm>> -> memref<16384x128xf32, #tpu.memory_space<hbm>>
        tpu.enqueue_indirect_dma source(%dma_start3A_128 : memref<16384x128xf32, #tpu.memory_space<hbm>>) target(%arg11 : memref<128x128xf32, #tpu.memory_space<vmem>>) offsets(%dma_start3A_125 : memref<128xi32, #tpu.memory_space<vmem>>) semaphore(%arg14 : memref<!tpu.dma_semaphore, #tpu.memory_space<semaphore_mem>>)
        %dma_wait3A_129 = arith.constant 0 : i32
        %dma_wait3A_130 = arith.constant 0 : i32
        %dma_wait3A_131 = tpu.memref_slice %arg2[%dma_wait3A_129, %dma_wait3A_130] : memref<16384x128xf32, #tpu.memory_space<hbm>> -> memref<128x128xf32, #tpu.memory_space<hbm>>
        %dma_wait3A_132 = arith.constant 0 : i32
        %dma_wait3A_133 = arith.constant 0 : i32
        %dma_wait3A_134 = tpu.memref_slice %arg2[%dma_wait3A_132, %dma_wait3A_133] : memref<16384x128xf32, #tpu.memory_space<hbm>> -> memref<128x128xf32, #tpu.memory_space<hbm>>
        tpu.wait_dma2 semaphore(%arg17 : memref<!tpu.dma_semaphore, #tpu.memory_space<semaphore_mem>>) src(%dma_wait3A_134 : memref<128x128xf32, #tpu.memory_space<hbm>>) dst(%arg12 : memref<128x128xf32, #tpu.memory_space<vmem>>)
        %dma_wait3A_135 = arith.constant 0 : i32
        %dma_wait3A_136 = arith.constant 0 : i32
        %dma_wait3A_137 = tpu.memref_slice %arg3[%dma_wait3A_135, %dma_wait3A_136] : memref<16384x128xf32, #tpu.memory_space<hbm>> -> memref<128x128xf32, #tpu.memory_space<hbm>>
        %dma_wait3A_138 = arith.constant 0 : i32
        %dma_wait3A_139 = arith.constant 0 : i32
        %dma_wait3A_140 = tpu.memref_slice %arg3[%dma_wait3A_138, %dma_wait3A_139] : memref<16384x128xf32, #tpu.memory_space<hbm>> -> memref<128x128xf32, #tpu.memory_space<hbm>>
        tpu.wait_dma2 semaphore(%arg17 : memref<!tpu.dma_semaphore, #tpu.memory_space<semaphore_mem>>) src(%dma_wait3A_140 : memref<128x128xf32, #tpu.memory_space<hbm>>) dst(%arg13 : memref<128x128xf32, #tpu.memory_space<vmem>>)
        %add3A_141 = arith.constant 3 : i32
        %add3A_142 = arith.addi %mul3A_52, %add3A_141 : i32
        %mul3A_143 = arith.constant 128 : i32
        %mul3A_144 = arith.muli %add3A_142, %mul3A_143 : i32
        %dma_start3A_145 = tpu.memref_slice %arg8[%mul3A_144] : memref<8192xi32, #tpu.memory_space<vmem>> -> memref<128xi32, #tpu.memory_space<vmem>>
        %dma_start3A_146 = arith.constant 0 : i32
        %dma_start3A_147 = arith.constant 0 : i32
        %dma_start3A_148 = tpu.memref_slice %arg2[%dma_start3A_146, %dma_start3A_147] : memref<16384x128xf32, #tpu.memory_space<hbm>> -> memref<16384x128xf32, #tpu.memory_space<hbm>>
        tpu.enqueue_indirect_dma source(%dma_start3A_148 : memref<16384x128xf32, #tpu.memory_space<hbm>>) target(%arg12 : memref<128x128xf32, #tpu.memory_space<vmem>>) offsets(%dma_start3A_145 : memref<128xi32, #tpu.memory_space<vmem>>) semaphore(%arg15 : memref<!tpu.dma_semaphore, #tpu.memory_space<semaphore_mem>>)
        %dma_start3A_149 = tpu.memref_slice %arg9[%mul3A_144] : memref<8192xi32, #tpu.memory_space<vmem>> -> memref<128xi32, #tpu.memory_space<vmem>>
        %dma_start3A_150 = arith.constant 0 : i32
        %dma_start3A_151 = arith.constant 0 : i32
        %dma_start3A_152 = tpu.memref_slice %arg3[%dma_start3A_150, %dma_start3A_151] : memref<16384x128xf32, #tpu.memory_space<hbm>> -> memref<16384x128xf32, #tpu.memory_space<hbm>>
        tpu.enqueue_indirect_dma source(%dma_start3A_152 : memref<16384x128xf32, #tpu.memory_space<hbm>>) target(%arg13 : memref<128x128xf32, #tpu.memory_space<vmem>>) offsets(%dma_start3A_149 : memref<128xi32, #tpu.memory_space<vmem>>) semaphore(%arg15 : memref<!tpu.dma_semaphore, #tpu.memory_space<semaphore_mem>>)
      } else {
      }
    }
    %scan3A_26 = arith.constant 32 : i32
    %dma_wait3A = arith.constant 0 : i32
    %dma_wait3A_27 = arith.constant 0 : i32
    %dma_wait3A_28 = tpu.memref_slice %arg2[%dma_wait3A, %dma_wait3A_27] : memref<16384x128xf32, #tpu.memory_space<hbm>> -> memref<128x128xf32, #tpu.memory_space<hbm>>
    %dma_wait3A_29 = arith.constant 0 : i32
    %dma_wait3A_30 = arith.constant 0 : i32
    %dma_wait3A_31 = tpu.memref_slice %arg2[%dma_wait3A_29, %dma_wait3A_30] : memref<16384x128xf32, #tpu.memory_space<hbm>> -> memref<128x128xf32, #tpu.memory_space<hbm>>
    tpu.wait_dma2 semaphore(%arg16 : memref<!tpu.dma_semaphore, #tpu.memory_space<semaphore_mem>>) src(%dma_wait3A_31 : memref<128x128xf32, #tpu.memory_space<hbm>>) dst(%arg10 : memref<128x128xf32, #tpu.memory_space<vmem>>)
    %dma_wait3A_32 = arith.constant 0 : i32
    %dma_wait3A_33 = arith.constant 0 : i32
    %dma_wait3A_34 = tpu.memref_slice %arg3[%dma_wait3A_32, %dma_wait3A_33] : memref<16384x128xf32, #tpu.memory_space<hbm>> -> memref<128x128xf32, #tpu.memory_space<hbm>>
    %dma_wait3A_35 = arith.constant 0 : i32
    %dma_wait3A_36 = arith.constant 0 : i32
    %dma_wait3A_37 = tpu.memref_slice %arg3[%dma_wait3A_35, %dma_wait3A_36] : memref<16384x128xf32, #tpu.memory_space<hbm>> -> memref<128x128xf32, #tpu.memory_space<hbm>>
    tpu.wait_dma2 semaphore(%arg16 : memref<!tpu.dma_semaphore, #tpu.memory_space<semaphore_mem>>) src(%dma_wait3A_37 : memref<128x128xf32, #tpu.memory_space<hbm>>) dst(%arg11 : memref<128x128xf32, #tpu.memory_space<vmem>>)
    %dma_wait3A_38 = arith.constant 0 : i32
    %dma_wait3A_39 = arith.constant 0 : i32
    %dma_wait3A_40 = tpu.memref_slice %arg2[%dma_wait3A_38, %dma_wait3A_39] : memref<16384x128xf32, #tpu.memory_space<hbm>> -> memref<128x128xf32, #tpu.memory_space<hbm>>
    %dma_wait3A_41 = arith.constant 0 : i32
    %dma_wait3A_42 = arith.constant 0 : i32
    %dma_wait3A_43 = tpu.memref_slice %arg2[%dma_wait3A_41, %dma_wait3A_42] : memref<16384x128xf32, #tpu.memory_space<hbm>> -> memref<128x128xf32, #tpu.memory_space<hbm>>
    tpu.wait_dma2 semaphore(%arg17 : memref<!tpu.dma_semaphore, #tpu.memory_space<semaphore_mem>>) src(%dma_wait3A_43 : memref<128x128xf32, #tpu.memory_space<hbm>>) dst(%arg12 : memref<128x128xf32, #tpu.memory_space<vmem>>)
    %dma_wait3A_44 = arith.constant 0 : i32
    %dma_wait3A_45 = arith.constant 0 : i32
    %dma_wait3A_46 = tpu.memref_slice %arg3[%dma_wait3A_44, %dma_wait3A_45] : memref<16384x128xf32, #tpu.memory_space<hbm>> -> memref<128x128xf32, #tpu.memory_space<hbm>>
    %dma_wait3A_47 = arith.constant 0 : i32
    %dma_wait3A_48 = arith.constant 0 : i32
    %dma_wait3A_49 = tpu.memref_slice %arg3[%dma_wait3A_47, %dma_wait3A_48] : memref<16384x128xf32, #tpu.memory_space<hbm>> -> memref<128x128xf32, #tpu.memory_space<hbm>>
    tpu.wait_dma2 semaphore(%arg17 : memref<!tpu.dma_semaphore, #tpu.memory_space<semaphore_mem>>) src(%dma_wait3A_49 : memref<128x128xf32, #tpu.memory_space<hbm>>) dst(%arg13 : memref<128x128xf32, #tpu.memory_space<vmem>>)
    return
  }
}

module attributes {stable_mosaic.version = 14 : i64} {
  func.func @_proj_body(%arg0: i32, %arg1: memref<1024x128xf32, #tpu.memory_space<vmem>>, %arg2: memref<128x128xf32, #tpu.memory_space<vmem>>, %arg3: memref<1x128xf32, #tpu.memory_space<vmem>>, %arg4: memref<128x128xf32, #tpu.memory_space<vmem>>, %arg5: memref<1x128xf32, #tpu.memory_space<vmem>>, %arg6: memref<1024x128xf32, #tpu.memory_space<vmem>>, %arg7: memref<1024x128xf32, #tpu.memory_space<vmem>>) attributes {dimension_semantics = [#tpu.dimension_semantics<arbitrary>], iteration_bounds = array<i64: 16>, scalar_prefetch = 0 : i64, scratch_operands = 0 : i64, tpu.core_type = #tpu.core_type<tc>, window_params = [{transform_indices = @transform_0, window_bounds = array<i64: 1024, 128>}, {pipeline_mode = #tpu.pipeline_mode<synchronous>, transform_indices = @transform_1, window_bounds = array<i64: 128, 128>}, {pipeline_mode = #tpu.pipeline_mode<synchronous>, transform_indices = @transform_2, window_bounds = array<i64: 1, 128>}, {pipeline_mode = #tpu.pipeline_mode<synchronous>, transform_indices = @transform_3, window_bounds = array<i64: 128, 128>}, {pipeline_mode = #tpu.pipeline_mode<synchronous>, transform_indices = @transform_4, window_bounds = array<i64: 1, 128>}, {transform_indices = @transform_5, window_bounds = array<i64: 1024, 128>}, {transform_indices = @transform_6, window_bounds = array<i64: 1024, 128>}]} {
    %get3A = arith.constant 0 : index
    %get3A_0 = arith.constant 0 : index
    %get3A_1 = vector.load %arg1[%get3A, %get3A_0] : memref<1024x128xf32, #tpu.memory_space<vmem>>, vector<1024x128xf32>
    %get3A_2 = arith.constant 0 : index
    %get3A_3 = arith.constant 0 : index
    %get3A_4 = vector.load %arg2[%get3A_2, %get3A_3] : memref<128x128xf32, #tpu.memory_space<vmem>>, vector<128x128xf32>
    %dot_general3A = arith.constant dense<0.000000e+00> : vector<1024x128xf32>
    %dot_general3A_5 = tpu.matmul %get3A_1, %get3A_4, %dot_general3A {dimension_numbers = #tpu.dot_dimension_numbers<[1], [0], [0], [1], [0, 0, 1, 1], [], []>, transpose_lhs_hint = false} : vector<1024x128xf32>, vector<128x128xf32>, vector<1024x128xf32> -> vector<1024x128xf32>
    %get3A_6 = arith.constant 0 : index
    %get3A_7 = arith.constant 0 : index
    %get3A_8 = vector.load %arg3[%get3A_6, %get3A_7] : memref<1x128xf32, #tpu.memory_space<vmem>>, vector<1x128xf32>
    %add3A = vector.broadcast %get3A_8 : vector<1x128xf32> to vector<1024x128xf32>
    %add3A_9 = arith.addf %dot_general3A_5, %add3A : vector<1024x128xf32>
    %swap3A = arith.constant 0 : index
    %swap3A_10 = arith.constant 0 : index
    %swap3A_11 = vector.load %arg6[%swap3A, %swap3A_10] : memref<1024x128xf32, #tpu.memory_space<vmem>>, vector<1024x128xf32>
    tpu.vector_store %arg6[%swap3A, %swap3A_10], %add3A_9 {strides = array<i32>} : memref<1024x128xf32, #tpu.memory_space<vmem>>, vector<1024x128xf32>,
    %get3A_12 = arith.constant 0 : index
    %get3A_13 = arith.constant 0 : index
    %get3A_14 = vector.load %arg4[%get3A_12, %get3A_13] : memref<128x128xf32, #tpu.memory_space<vmem>>, vector<128x128xf32>
    %dot_general3A_15 = arith.constant dense<0.000000e+00> : vector<1024x128xf32>
    %dot_general3A_16 = tpu.matmul %get3A_1, %get3A_14, %dot_general3A_15 {dimension_numbers = #tpu.dot_dimension_numbers<[1], [0], [0], [1], [0, 0, 1, 1], [], []>, transpose_lhs_hint = false} : vector<1024x128xf32>, vector<128x128xf32>, vector<1024x128xf32> -> vector<1024x128xf32>
    %get3A_17 = arith.constant 0 : index
    %get3A_18 = arith.constant 0 : index
    %get3A_19 = vector.load %arg5[%get3A_17, %get3A_18] : memref<1x128xf32, #tpu.memory_space<vmem>>, vector<1x128xf32>
    %add3A_20 = vector.broadcast %get3A_19 : vector<1x128xf32> to vector<1024x128xf32>
    %add3A_21 = arith.addf %dot_general3A_16, %add3A_20 : vector<1024x128xf32>
    %swap3A_22 = arith.constant 0 : index
    %swap3A_23 = arith.constant 0 : index
    %swap3A_24 = vector.load %arg7[%swap3A_22, %swap3A_23] : memref<1024x128xf32, #tpu.memory_space<vmem>>, vector<1024x128xf32>
    tpu.vector_store %arg7[%swap3A_22, %swap3A_23], %add3A_21 {strides = array<i32>} : memref<1024x128xf32, #tpu.memory_space<vmem>>, vector<1024x128xf32>,
    return
  }
  func.func @transform_0(%arg0: i32) -> (i32, i32) {
    %c0_i32 = arith.constant 0 : i32
    %c0_i32_0 = arith.constant 0 : i32
    return %arg0, %c0_i32 : i32, i32
  }
  func.func @transform_1(%arg0: i32) -> (i32, i32) {
    %c0_i32 = arith.constant 0 : i32
    %c0_i32_0 = arith.constant 0 : i32
    %c0_i32_1 = arith.constant 0 : i32
    return %c0_i32, %c0_i32_0 : i32, i32
  }
  func.func @transform_2(%arg0: i32) -> (i32, i32) {
    %c0_i32 = arith.constant 0 : i32
    %c0_i32_0 = arith.constant 0 : i32
    %c0_i32_1 = arith.constant 0 : i32
    return %c0_i32, %c0_i32_0 : i32, i32
  }
  func.func @transform_3(%arg0: i32) -> (i32, i32) {
    %c0_i32 = arith.constant 0 : i32
    %c0_i32_0 = arith.constant 0 : i32
    %c0_i32_1 = arith.constant 0 : i32
    return %c0_i32, %c0_i32_0 : i32, i32
  }
  func.func @transform_4(%arg0: i32) -> (i32, i32) {
    %c0_i32 = arith.constant 0 : i32
    %c0_i32_0 = arith.constant 0 : i32
    %c0_i32_1 = arith.constant 0 : i32
    return %c0_i32, %c0_i32_0 : i32, i32
  }
  func.func @transform_5(%arg0: i32) -> (i32, i32) {
    %c0_i32 = arith.constant 0 : i32
    %c0_i32_0 = arith.constant 0 : i32
    return %arg0, %c0_i32 : i32, i32
  }
  func.func @transform_6(%arg0: i32) -> (i32, i32) {
    %c0_i32 = arith.constant 0 : i32
    %c0_i32_0 = arith.constant 0 : i32
    return %arg0, %c0_i32 : i32, i32
  }
}

module attributes {stable_mosaic.version = 14 : i64} {
  func.func @_edge_body(%arg0: i32, %arg1: memref<2048x128xf32, #tpu.memory_space<vmem>>, %arg2: memref<2048x128xf32, #tpu.memory_space<vmem>>, %arg3: memref<2048x16xf32, #tpu.memory_space<vmem>>, %arg4: memref<16x128xf32, #tpu.memory_space<vmem>>, %arg5: memref<128x4xf32, #tpu.memory_space<vmem>>, %arg6: memref<4x128xf32, #tpu.memory_space<vmem>>, %arg7: memref<128x16x128xf32, #tpu.memory_space<vmem>>, %arg8: memref<4x16x128xf32, #tpu.memory_space<vmem>>) attributes {dimension_semantics = [#tpu.dimension_semantics<arbitrary>], iteration_bounds = array<i64: 128>, scalar_prefetch = 0 : i64, scratch_operands = 0 : i64, tpu.core_type = #tpu.core_type<tc>, window_params = [{transform_indices = @transform_0, window_bounds = array<i64: 2048, 128>}, {transform_indices = @transform_1, window_bounds = array<i64: 2048, 128>}, {transform_indices = @transform_2, window_bounds = array<i64: 2048, 16>}, {pipeline_mode = #tpu.pipeline_mode<synchronous>, transform_indices = @transform_3, window_bounds = array<i64: 16, 128>}, {pipeline_mode = #tpu.pipeline_mode<synchronous>, transform_indices = @transform_4, window_bounds = array<i64: 128, 4>}, {pipeline_mode = #tpu.pipeline_mode<synchronous>, transform_indices = @transform_5, window_bounds = array<i64: 4, 128>}, {transform_indices = @transform_6, window_bounds = array<i64: 128, 16, 128>}, {transform_indices = @transform_7, window_bounds = array<i64: 4, 16, 128>}]} {
    %get3A = arith.constant 0 : index
    %get3A_0 = arith.constant 0 : index
    %get3A_1 = vector.load %arg1[%get3A, %get3A_0] : memref<2048x128xf32, #tpu.memory_space<vmem>>, vector<2048x128xf32>
    %get3A_2 = arith.constant 0 : index
    %get3A_3 = arith.constant 0 : index
    %get3A_4 = vector.load %arg2[%get3A_2, %get3A_3] : memref<2048x128xf32, #tpu.memory_space<vmem>>, vector<2048x128xf32>
    %add3A = arith.addf %get3A_1, %get3A_4 : vector<2048x128xf32>
    %get3A_5 = arith.constant 0 : index
    %get3A_6 = arith.constant 0 : index
    %get3A_7 = vector.load %arg3[%get3A_5, %get3A_6] : memref<2048x16xf32, #tpu.memory_space<vmem>>, vector<2048x16xf32>
    %get3A_8 = arith.constant 0 : index
    %get3A_9 = arith.constant 0 : index
    %get3A_10 = vector.load %arg4[%get3A_8, %get3A_9] : memref<16x128xf32, #tpu.memory_space<vmem>>, vector<16x128xf32>
    %dot_general3A = arith.constant dense<0.000000e+00> : vector<2048x128xf32>
    %dot_general3A_11 = tpu.matmul %get3A_7, %get3A_10, %dot_general3A {dimension_numbers = #tpu.dot_dimension_numbers<[1], [0], [0], [1], [0, 0, 1, 1], [], []>, transpose_lhs_hint = false} : vector<2048x16xf32>, vector<16x128xf32>, vector<2048x128xf32> -> vector<2048x128xf32>
    %add3A_12 = arith.addf %add3A, %dot_general3A_11 : vector<2048x128xf32>
    %gt3A = arith.constant 0.000000e+00 : f32
    %gt3A_13 = vector.broadcast %gt3A : f32 to vector<2048x128xf32>
    %gt3A_14 = arith.cmpf ogt, %add3A_12, %gt3A_13 : vector<2048x128xf32>
    %mul3A = arith.constant 2.000000e-01 : f32
    %mul3A_15 = vector.broadcast %mul3A : f32 to vector<2048x128xf32>
    %mul3A_16 = arith.mulf %mul3A_15, %add3A_12 : vector<2048x128xf32>
    %select_n3A = arith.select %gt3A_14, %add3A_12, %mul3A_16 : vector<2048x128xi1>, vector<2048x128xf32>
    %get3A_17 = arith.constant 0 : index
    %get3A_18 = arith.constant 0 : index
    %get3A_19 = vector.load %arg5[%get3A_17, %get3A_18] : memref<128x4xf32, #tpu.memory_space<vmem>>, vector<128x4xf32>
    %dot_general3A_20 = arith.constant dense<0.000000e+00> : vector<2048x4xf32>
    %dot_general3A_21 = tpu.matmul %select_n3A, %get3A_19, %dot_general3A_20 {dimension_numbers = #tpu.dot_dimension_numbers<[1], [0], [0], [1], [0, 0, 1, 1], [], []>, transpose_lhs_hint = false} : vector<2048x128xf32>, vector<128x4xf32>, vector<2048x4xf32> -> vector<2048x4xf32>
    %exp3A = math.exp %dot_general3A_21 : vector<2048x4xf32>
    %get3A_22 = arith.constant 0 : index
    %get3A_23 = arith.constant 0 : index
    %get3A_24 = vector.load %arg6[%get3A_22, %get3A_23] : memref<4x128xf32, #tpu.memory_space<vmem>>, vector<4x128xf32>
    %dot_general3A_25 = arith.constant dense<0.000000e+00> : vector<2048x128xf32>
    %dot_general3A_26 = tpu.matmul %exp3A, %get3A_24, %dot_general3A_25 {dimension_numbers = #tpu.dot_dimension_numbers<[1], [0], [0], [1], [0, 0, 1, 1], [], []>, transpose_lhs_hint = false} : vector<2048x4xf32>, vector<4x128xf32>, vector<2048x128xf32> -> vector<2048x128xf32>
    %mul3A_27 = arith.mulf %dot_general3A_26, %get3A_1 : vector<2048x128xf32>
    %transpose3A = tpu.transpose %mul3A_27, [1, 0] : vector<2048x128xf32> -> vector<128x2048xf32>
    %reshape3A = vector.shape_cast %transpose3A : vector<128x2048xf32> to vector<128x16x128xf32>
    %swap3A = arith.constant 0 : index
    %swap3A_28 = arith.constant 0 : index
    %swap3A_29 = arith.constant 0 : index
    %swap3A_30 = vector.load %arg7[%swap3A, %swap3A_28, %swap3A_29] : memref<128x16x128xf32, #tpu.memory_space<vmem>>, vector<128x16x128xf32>
    tpu.vector_store %arg7[%swap3A, %swap3A_28, %swap3A_29], %reshape3A {strides = array<i32>} : memref<128x16x128xf32, #tpu.memory_space<vmem>>, vector<128x16x128xf32>,
    %transpose3A_31 = tpu.transpose %exp3A, [1, 0] : vector<2048x4xf32> -> vector<4x2048xf32>
    %reshape3A_32 = vector.shape_cast %transpose3A_31 : vector<4x2048xf32> to vector<4x16x128xf32>
    %swap3A_33 = arith.constant 0 : index
    %swap3A_34 = arith.constant 0 : index
    %swap3A_35 = arith.constant 0 : index
    %swap3A_36 = vector.load %arg8[%swap3A_33, %swap3A_34, %swap3A_35] : memref<4x16x128xf32, #tpu.memory_space<vmem>>, vector<4x16x128xf32>
    tpu.vector_store %arg8[%swap3A_33, %swap3A_34, %swap3A_35], %reshape3A_32 {strides = array<i32>} : memref<4x16x128xf32, #tpu.memory_space<vmem>>, vector<4x16x128xf32>,
    return
  }
  func.func @transform_0(%arg0: i32) -> (i32, i32) {
    %c0_i32 = arith.constant 0 : i32
    %c0_i32_0 = arith.constant 0 : i32
    return %arg0, %c0_i32 : i32, i32
  }
  func.func @transform_1(%arg0: i32) -> (i32, i32) {
    %c0_i32 = arith.constant 0 : i32
    %c0_i32_0 = arith.constant 0 : i32
    return %arg0, %c0_i32 : i32, i32
  }
  func.func @transform_2(%arg0: i32) -> (i32, i32) {
    %c0_i32 = arith.constant 0 : i32
    %c0_i32_0 = arith.constant 0 : i32
    return %arg0, %c0_i32 : i32, i32
  }
  func.func @transform_3(%arg0: i32) -> (i32, i32) {
    %c0_i32 = arith.constant 0 : i32
    %c0_i32_0 = arith.constant 0 : i32
    %c0_i32_1 = arith.constant 0 : i32
    return %c0_i32, %c0_i32_0 : i32, i32
  }
  func.func @transform_4(%arg0: i32) -> (i32, i32) {
    %c0_i32 = arith.constant 0 : i32
    %c0_i32_0 = arith.constant 0 : i32
    %c0_i32_1 = arith.constant 0 : i32
    return %c0_i32, %c0_i32_0 : i32, i32
  }
  func.func @transform_5(%arg0: i32) -> (i32, i32) {
    %c0_i32 = arith.constant 0 : i32
    %c0_i32_0 = arith.constant 0 : i32
    %c0_i32_1 = arith.constant 0 : i32
    return %c0_i32, %c0_i32_0 : i32, i32
  }
  func.func @transform_6(%arg0: i32) -> (i32, i32, i32) {
    %c0_i32 = arith.constant 0 : i32
    %c0_i32_0 = arith.constant 0 : i32
    %c0_i32_1 = arith.constant 0 : i32
    return %c0_i32, %arg0, %c0_i32_0 : i32, i32, i32
  }
  func.func @transform_7(%arg0: i32) -> (i32, i32, i32) {
    %c0_i32 = arith.constant 0 : i32
    %c0_i32_0 = arith.constant 0 : i32
    %c0_i32_1 = arith.constant 0 : i32
    return %c0_i32, %arg0, %c0_i32_0 : i32, i32, i32
  }
}

module attributes {stable_mosaic.version = 14 : i64} {
  func.func @_norm_body(%arg0: i32, %arg1: memref<1024x128xf32, #tpu.memory_space<vmem>>, %arg2: memref<8x1024xf32, #tpu.memory_space<vmem>>, %arg3: memref<4x128xf32, #tpu.memory_space<vmem>>, %arg4: memref<1x128xf32, #tpu.memory_space<vmem>>, %arg5: memref<1024x128xf32, #tpu.memory_space<vmem>>) attributes {dimension_semantics = [#tpu.dimension_semantics<arbitrary>], iteration_bounds = array<i64: 16>, scalar_prefetch = 0 : i64, scratch_operands = 0 : i64, tpu.core_type = #tpu.core_type<tc>, window_params = [{transform_indices = @transform_0, window_bounds = array<i64: 1024, 128>}, {transform_indices = @transform_1, window_bounds = array<i64: 8, 1024>}, {pipeline_mode = #tpu.pipeline_mode<synchronous>, transform_indices = @transform_2, window_bounds = array<i64: 4, 128>}, {pipeline_mode = #tpu.pipeline_mode<synchronous>, transform_indices = @transform_3, window_bounds = array<i64: 1, 128>}, {transform_indices = @transform_4, window_bounds = array<i64: 1024, 128>}]} {
    %get3A = arith.constant 0 : index
    %get3A_0 = arith.constant 0 : index
    %get3A_1 = vector.load %arg1[%get3A, %get3A_0] : memref<1024x128xf32, #tpu.memory_space<vmem>>, vector<1024x128xf32>
    %get3A_2 = arith.constant 0 : index
    %get3A_3 = arith.constant 0 : index
    %get3A_4 = vector.load %arg2[%get3A_2, %get3A_3] : memref<8x1024xf32, #tpu.memory_space<vmem>>, vector<8x1024xf32>
    %transpose3A = tpu.transpose %get3A_4, [1, 0] : vector<8x1024xf32> -> vector<1024x8xf32>
    %slice3A = vector.extract_strided_slice %transpose3A {offsets = [0, 0], sizes = [1024, 4], strides = [1, 1]} : vector<1024x8xf32> to vector<1024x4xf32>
    %slice3A_5 = vector.extract_strided_slice %transpose3A {offsets = [0, 4], sizes = [1024, 1], strides = [1, 1]} : vector<1024x8xf32> to vector<1024x1xf32>
    %max3A = arith.constant 1.000000e+00 : f32
    %max3A_6 = vector.broadcast %max3A : f32 to vector<1024x1xf32>
    %max3A_7 = arith.maximumf %slice3A_5, %max3A_6 : vector<1024x1xf32>
    %add3A = arith.constant 1.000000e-16 : f32
    %add3A_8 = vector.broadcast %add3A : f32 to vector<1024x4xf32>
    %add3A_9 = arith.addf %slice3A, %add3A_8 : vector<1024x4xf32>
    %div3A = arith.constant 1.000000e+00 : f32
    %div3A_10 = vector.broadcast %div3A : f32 to vector<1024x4xf32>
    %div3A_11 = arith.divf %div3A_10, %add3A_9 : vector<1024x4xf32>
    %get3A_12 = arith.constant 0 : index
    %get3A_13 = arith.constant 0 : index
    %get3A_14 = vector.load %arg3[%get3A_12, %get3A_13] : memref<4x128xf32, #tpu.memory_space<vmem>>, vector<4x128xf32>
    %dot_general3A = arith.constant dense<0.000000e+00> : vector<1024x128xf32>
    %dot_general3A_15 = tpu.matmul %div3A_11, %get3A_14, %dot_general3A {dimension_numbers = #tpu.dot_dimension_numbers<[1], [0], [0], [1], [0, 0, 1, 1], [], []>, transpose_lhs_hint = false} : vector<1024x4xf32>, vector<4x128xf32>, vector<1024x128xf32> -> vector<1024x128xf32>
    %mul3A = arith.mulf %get3A_1, %dot_general3A_15 : vector<1024x128xf32>
    %div3A_16 = vector.broadcast %max3A_7 : vector<1024x1xf32> to vector<1024x128xf32>
    %div3A_17 = arith.divf %mul3A, %div3A_16 : vector<1024x128xf32>
    %get3A_18 = arith.constant 0 : index
    %get3A_19 = arith.constant 0 : index
    %get3A_20 = vector.load %arg4[%get3A_18, %get3A_19] : memref<1x128xf32, #tpu.memory_space<vmem>>, vector<1x128xf32>
    %add3A_21 = vector.broadcast %get3A_20 : vector<1x128xf32> to vector<1024x128xf32>
    %add3A_22 = arith.addf %div3A_17, %add3A_21 : vector<1024x128xf32>
    %swap3A = arith.constant 0 : index
    %swap3A_23 = arith.constant 0 : index
    %swap3A_24 = vector.load %arg5[%swap3A, %swap3A_23] : memref<1024x128xf32, #tpu.memory_space<vmem>>, vector<1024x128xf32>
    tpu.vector_store %arg5[%swap3A, %swap3A_23], %add3A_22 {strides = array<i32>} : memref<1024x128xf32, #tpu.memory_space<vmem>>, vector<1024x128xf32>,
    return
  }
  func.func @transform_0(%arg0: i32) -> (i32, i32) {
    %c0_i32 = arith.constant 0 : i32
    %c0_i32_0 = arith.constant 0 : i32
    return %arg0, %c0_i32 : i32, i32
  }
  func.func @transform_1(%arg0: i32) -> (i32, i32) {
    %c0_i32 = arith.constant 0 : i32
    %c0_i32_0 = arith.constant 0 : i32
    return %c0_i32, %arg0 : i32, i32
  }
  func.func @transform_2(%arg0: i32) -> (i32, i32) {
    %c0_i32 = arith.constant 0 : i32
    %c0_i32_0 = arith.constant 0 : i32
    %c0_i32_1 = arith.constant 0 : i32
    return %c0_i32, %c0_i32_0 : i32, i32
  }
  func.func @transform_3(%arg0: i32) -> (i32, i32) {
    %c0_i32 = arith.constant 0 : i32
    %c0_i32_0 = arith.constant 0 : i32
    %c0_i32_1 = arith.constant 0 : i32
    return %c0_i32, %c0_i32_0 : i32, i32
  }
  func.func @transform_4(%arg0: i32) -> (i32, i32) {
    %c0_i32 = arith.constant 0 : i32
    %c0_i32_0 = arith.constant 0 : i32
    return %arg0, %c0_i32 : i32, i32
  }
}

module attributes {stable_mosaic.version = 14 : i64} {
  func.func @_lin_body(%arg0: i32, %arg1: i32, %arg2: memref<128x2048xf32, #tpu.memory_space<vmem>>, %arg3: memref<2048x512xf32, #tpu.memory_space<vmem>>, %arg4: memref<1x512xf32, #tpu.memory_space<vmem>>, %arg5: memref<128x512xf32, #tpu.memory_space<vmem>>) attributes {dimension_semantics = [#tpu.dimension_semantics<arbitrary>, #tpu.dimension_semantics<arbitrary>], iteration_bounds = array<i64: 8, 8>, scalar_prefetch = 0 : i64, scratch_operands = 0 : i64, tpu.core_type = #tpu.core_type<tc>, window_params = [{transform_indices = @transform_0, window_bounds = array<i64: 128, 2048>}, {transform_indices = @transform_1, window_bounds = array<i64: 2048, 512>}, {transform_indices = @transform_2, window_bounds = array<i64: 1, 512>}, {transform_indices = @transform_3, window_bounds = array<i64: 128, 512>}]} {
    %get3A = arith.constant 0 : index
    %get3A_0 = arith.constant 0 : index
    %get3A_1 = vector.load %arg2[%get3A, %get3A_0] : memref<128x2048xf32, #tpu.memory_space<vmem>>, vector<128x2048xf32>
    %get3A_2 = arith.constant 0 : index
    %get3A_3 = arith.constant 0 : index
    %get3A_4 = vector.load %arg3[%get3A_2, %get3A_3] : memref<2048x512xf32, #tpu.memory_space<vmem>>, vector<2048x512xf32>
    %dot_general3A = arith.constant dense<0.000000e+00> : vector<128x512xf32>
    %dot_general3A_5 = tpu.matmul %get3A_1, %get3A_4, %dot_general3A {dimension_numbers = #tpu.dot_dimension_numbers<[1], [0], [0], [1], [0, 0, 1, 1], [], []>, transpose_lhs_hint = false} : vector<128x2048xf32>, vector<2048x512xf32>, vector<128x512xf32> -> vector<128x512xf32>
    %eq3A = arith.constant 0 : i32
    %eq3A_6 = arith.cmpi eq, %arg1, %eq3A : i32
    %convert_element_type3A = arith.extui %eq3A_6 : i1 to i32
    %cond3A = arith.constant 0 : i32
    %cond3A_7 = arith.cmpi ne, %convert_element_type3A, %cond3A : i32
    scf.if %cond3A_7 {
      %get3A_12 = arith.constant 0 : index
      %get3A_13 = arith.constant 0 : index
      %get3A_14 = vector.load %arg4[%get3A_12, %get3A_13] : memref<1x512xf32, #tpu.memory_space<vmem>>, vector<1x512xf32>
      %add3A = vector.broadcast %get3A_14 : vector<1x512xf32> to vector<128x512xf32>
      %add3A_15 = arith.addf %dot_general3A_5, %add3A : vector<128x512xf32>
      %swap3A = arith.constant 0 : index
      %swap3A_16 = arith.constant 0 : index
      %swap3A_17 = vector.load %arg5[%swap3A, %swap3A_16] : memref<128x512xf32, #tpu.memory_space<vmem>>, vector<128x512xf32>
      tpu.vector_store %arg5[%swap3A, %swap3A_16], %add3A_15 {strides = array<i32>} : memref<128x512xf32, #tpu.memory_space<vmem>>, vector<128x512xf32>,
    } else {
    }
    %gt3A = arith.constant 0 : i32
    %gt3A_8 = arith.cmpi sgt, %arg1, %gt3A : i32
    %convert_element_type3A_9 = arith.extui %gt3A_8 : i1 to i32
    %cond3A_10 = arith.constant 0 : i32
    %cond3A_11 = arith.cmpi ne, %convert_element_type3A_9, %cond3A_10 : i32
    scf.if %cond3A_11 {
      %get3A_12 = arith.constant 0 : index
      %get3A_13 = arith.constant 0 : index
      %get3A_14 = vector.load %arg5[%get3A_12, %get3A_13] : memref<128x512xf32, #tpu.memory_space<vmem>>, vector<128x512xf32>
      %add3A = arith.addf %get3A_14, %dot_general3A_5 : vector<128x512xf32>
      %swap3A = arith.constant 0 : index
      %swap3A_15 = arith.constant 0 : index
      %swap3A_16 = vector.load %arg5[%swap3A, %swap3A_15] : memref<128x512xf32, #tpu.memory_space<vmem>>, vector<128x512xf32>
      tpu.vector_store %arg5[%swap3A, %swap3A_15], %add3A {strides = array<i32>} : memref<128x512xf32, #tpu.memory_space<vmem>>, vector<128x512xf32>,
    } else {
    }
    return
  }
  func.func @transform_0(%arg0: i32, %arg1: i32) -> (i32, i32) {
    %c0_i32 = arith.constant 0 : i32
    %c0_i32_0 = arith.constant 0 : i32
    return %c0_i32, %arg1 : i32, i32
  }
  func.func @transform_1(%arg0: i32, %arg1: i32) -> (i32, i32) {
    %c0_i32 = arith.constant 0 : i32
    return %arg1, %arg0 : i32, i32
  }
  func.func @transform_2(%arg0: i32, %arg1: i32) -> (i32, i32) {
    %c0_i32 = arith.constant 0 : i32
    %c0_i32_0 = arith.constant 0 : i32
    return %c0_i32, %arg0 : i32, i32
  }
  func.func @transform_3(%arg0: i32, %arg1: i32) -> (i32, i32) {
    %c0_i32 = arith.constant 0 : i32
    %c0_i32_0 = arith.constant 0 : i32
    return %c0_i32, %arg0 : i32, i32
  }
}

</mosaic_0001>

<sc_bundles>
// kernel: kernel.11.cloned.1.call-start
scs
__scs_entry_jumppad:
0x0: {  	(pc) =	sbr.rel $0x88, $3  }
0x1: {  	(tag) =	ssettag $0x0;
	lr =	simm.s32 $0x1  }
0x2: {  	[smem:$0x3F95] =	sst lr;
	_ =	strace $0xD0000000  }
0x3: {  	_ = 	snop  }
0x4: {  	_ = 	snop  }
0x5: {  	_ = 	snop  }
0x6: {  	_ = 	snop  }
0x7: {  	_ = 	snop  }
__scs_overlays_trampoline_lowered:
0x8: {  	[smem:$0x3FA4] =	sst s0  }
0x9: {  	[smem:$0x3FA5] =	sst s1  }
0xa: {  	[smem:$0x3FA6] =	sst s2  }
0xb: {  	[smem:$0x3FA7] =	sst s3  }
0xc: {  	[smem:$0x3FA8] =	sst s4  }
0xd: {  	[smem:$0x3FA9] =	sst s5  }
0xe: {  	[smem:$0x3FAA] =	sst s6  }
0xf: {  	[smem:$0x3FAB] =	sst s7  }
0x10: {  	[smem:$0x3FAC] =	sst s8  }
0x11: {  	[smem:$0x3FAD] =	sst s9;
	s0 =	simm.s32 @!p0 $0x0  }
0x12: {  	s1 =	sld [smem:$0x3F93];
	s0 =	simm.s32 @p0 $0x1  }
0x13: {  	[smem:$0x3FAE] =	sst s0;
	s0 =	simm.s32 @!p1 $0x0  }
0x14: {  	s2 =	sld [smem:$0x3F92];
	s0 =	simm.s32 @p1 $0x1  }
0x15: {  	[smem:$0x3FAF] =	sst s0;
	s0 =	simm.s32 @!p2 $0x0  }
0x16: {  	s3 =	sld [smem:$0x3FDB];
	s0 =	simm.s32 @p2 $0x1  }
0x17: {  	s4 =	simm.s32 $0x1BF5;
	[smem:$0x3FB1] =	sst s0  }
0x18: {  	s0 =	sld [smem:$0x3F94];
	_ =	swait.ge [sflag:s4], $0x0  }
0x19: {  	s7 =	sld [smem:$0x3F95]  }
0x1a: {  	s8 =	sadd.s32 $0xFFFFE003, lr  }
0x1b: {  	s9 =	sadd.s32 $0xFFFFFEF7, lr;
	s5 =	simm.s32 $0xFFFFFFFF;
	p2 =	slt.u32 s8, $0xFFFFF086  }
0x1c: {  	p1 =	slt.u32 s9, $0xF7A;
	s5 =	simm.s32 @!p2 $0x0  }
0x1d: {  	s5 =	simm.s32 @p1 $0x1;
	p0 =	seq.s32 s7, s2  }
0x1e: {  	s7 =	smul.u32 @!p0 $0xF7A, s2;
	p2 =	seq.s32 @!p0 s5, $0x0  }
0x1f: {  	s9 =	smul.u32 $0xF7A, s1;
	s8 =	simm.s32 @!p0 $0x1BF5;
	p2 =	por !p2, p0  }
0x20: {  	[sflag:s8] =	ssyncset.s32 @!p0 $0xFFFFF086;
	s6 =	sadd.s32 @!p0 s3, s7;
	s7 =	simm.s32 @!p0 $0x108  }
0x21: {  	s3 =	sadd.s32 s3, s9;
	s6 =	sadd.s32 @!p0 $0x88, s6;
	s7 =	simm.s32 @p2 $0x1082  }
0x22: {  	[simem:s7], [sflag:s8] =	dma.local @!p0 [hbm:s6], $0xF7A  }
0x23: {  	s9 =	sor.u32 $0xD0000000, s2;
	s6 =	simm.s32 $0x108;
	_ =	swait.ge @!p0 [sflag:s8], $0x0  }
0x24: {  	s3 =	sadd.s32 $0x88, s3;
	s6 =	simm.s32 @!p1 $0x1082;
	[sflag:s4] =	ssyncset.s32 $0xFFFFF086  }
0x25: {  	[simem:s6], [sflag:s4] =	dma.local [hbm:s3], $0xF7A  }
0x26: {  	[smem:$0x3F95] =	sst s1;
	(tag) =	ssettag s2;
	_ =	strace s9  }
0x27: {  	s1 =	sld [smem:$0x3FA5]  }
0x28: {  	s2 =	sld [smem:$0x3FA6]  }
0x29: {  	s4 =	sld [smem:$0x3FA8]  }
0x2a: {  	p0 =	seq.s32 s5, $0x0;
	s5 =	sld [smem:$0x3FA9]  }
0x2b: {  	s6 =	sld [smem:$0x3FAA]  }
0x2c: {  	s7 =	sld [smem:$0x3FAB]  }
0x2d: {  	s3 =	simm.s32 $0x108;
	s8 =	sld [smem:$0x3FAC]  }
0x2e: {  	s3 =	simm.s32 @!p0 $0x1082;
	s9 =	sld [smem:$0x3FAD]  }
0x2f: {  	lr =	sadd.s32 s0, s3;
	s0 =	sld [smem:$0x3FA4]  }
0x30: {  	s3 =	sld [smem:$0x3FA7]  }
0x31: {  	[smem:$0x3FB0] =	sst s10  }
0x32: {  	s10 =	sld [smem:$0x3FAE];
	_ =	sdelay $0x3  }
0x33: {  	p0 =	seq.s32 s10, $0x1;
	s10 =	sld [smem:$0x3FB0];
	_ =	sdelay $0x3  }
0x34: {  	[smem:$0x3FB0] =	sst s10  }
0x35: {  	s10 =	sld [smem:$0x3FAF];
	_ =	sdelay $0x3  }
0x36: {  	p1 =	seq.s32 s10, $0x1;
	s10 =	sld [smem:$0x3FB0];
	_ =	sdelay $0x3  }
0x37: {  	[smem:$0x3FB0] =	sst s10  }
0x38: {  	s10 =	sld [smem:$0x3FB1]  }
0x39: {  	_ = 	snop;
	(pc) =	sbr.ind lr, $3  }
0x3a: {  	_ = 	snop  }
0x3b: {  	_ = 	snop  }
0x3c: {  	p2 =	seq.s32 s10, $0x1;
	s10 =	sld [smem:$0x3FB0]  }
0x3d: {  	_ =	shalt  }
0x3e: {  	_ =	shalt  }
0x3f: {  	_ =	shalt  }
0x40: {  	_ =	shalt  }
0x41: {  	_ =	shalt  }
0x42: {  	_ =	shalt  }
0x43: {  	_ =	shalt  }
0x44: {  	_ =	shalt  }
0x45: {  	_ =	shalt  }
0x46: {  	_ =	shalt  }
0x47: {  	_ =	shalt  }
0x48: {  	_ =	shalt  }
0x49: {  	_ =	shalt  }
0x4a: {  	_ =	shalt  }
0x4b: {  	_ =	shalt  }
0x4c: {  	_ =	shalt  }
0x4d: {  	_ =	shalt  }
0x4e: {  	_ =	shalt  }
0x4f: {  	_ =	shalt  }
0x50: {  	_ =	shalt  }
0x51: {  	_ =	shalt  }
0x52: {  	_ =	shalt  }
0x53: {  	_ =	shalt  }
0x54: {  	_ =	shalt  }
0x55: {  	_ =	shalt  }
0x56: {  	_ =	shalt  }
0x57: {  	_ =	shalt  }
0x58: {  	_ =	shalt  }
0x59: {  	_ =	shalt  }
0x5a: {  	_ =	shalt  }
0x5b: {  	_ =	shalt  }
0x5c: {  	_ =	shalt  }
0x5d: {  	_ =	shalt  }
0x5e: {  	_ =	shalt  }
0x5f: {  	_ =	shalt  }
0x60: {  	_ =	shalt  }
0x61: {  	_ =	shalt  }
0x62: {  	_ =	shalt  }
0x63: {  	_ =	shalt  }
0x64: {  	_ =	shalt  }
0x65: {  	_ =	shalt  }
0x66: {  	_ =	shalt  }
0x67: {  	_ =	shalt  }
0x68: {  	_ =	shalt  }
0x69: {  	_ =	shalt  }
0x6a: {  	_ =	shalt  }
0x6b: {  	_ =	shalt  }
0x6c: {  	_ =	shalt  }
0x6d: {  	_ =	shalt  }
0x6e: {  	_ =	shalt  }
0x6f: {  	_ =	shalt  }
0x70: {  	_ =	shalt  }
0x71: {  	_ =	shalt  }
0x72: {  	_ =	shalt  }
0x73: {  	_ =	shalt  }
0x74: {  	_ =	shalt  }
0x75: {  	_ =	shalt  }
0x76: {  	_ =	shalt  }
0x77: {  	_ =	shalt  }
0x78: {  	_ =	shalt  }
0x79: {  	_ =	shalt  }
0x7a: {  	_ =	shalt  }
0x7b: {  	_ =	shalt  }
0x7c: {  	_ =	shalt  }
0x7d: {  	_ =	shalt  }
0x7e: {  	_ =	shalt  }
0x7f: {  	_ =	shalt  }
0x80: {  	_ =	shalt  }
0x81: {  	_ =	shalt  }
0x82: {  	_ =	shalt  }
0x83: {  	_ =	shalt  }
0x84: {  	_ =	shalt  }
0x85: {  	_ =	shalt  }
0x86: {  	_ =	shalt  }
0x87: {  	_ =	shalt  }
.Lfunc_end0:
.L_simem_size_0:
called_computation.1_lowered:
.L_overlay_start_0:
0x88: {  	s2 =	sld [smem:$0x3FD9]  }
0x89: {  	s3 =	sld [smem:$0x3FFE];
	_ =	sdelay $0x1  }
0x8a: {  	s1 =	srdreg.scid  }
0x8b: {  	s0 =	sand.u32 $0x1, s1  }
0x8c: {  	s17 =	sshll.u32 s0, $0xA;
	s2 =	sadd.s32 s3, s2  }
0x8d: {  	s2 =	sadd.s32 s2, s17  }
0x8e: {  	[smem:$0x3FBC] =	sst s2  }
0x8f: {  	_ = 	snop  }
0x90: {  	s2 =	sld [smem:$0x3FD0];
	(tm) =	ssettm $0x1  }
0x91: {  	s18 =	sld [smem:$0x3FFB];
	_ =	sdelay $0x3  }
0x92: {  	_ =	strace s18  }
0x93: {  	s3 =	sld [smem:$0x3FFC];
	_ =	sdelay $0x3  }
0x94: {  	_ =	strace s3  }
0x95: {  	s3 =	sld [smem:$0x3FFD];
	_ =	sdelay $0x3  }
0x96: {  	_ =	strace s3  }
0x97: {  	_ =	strace $0x8FFFFFFF  }
0x98: {  	s19 =	sld [smem:$0x3FDB];
	_ =	sdelay $0x1  }
0x99: {  	s4 =	simm.s32 $_scs_section_size  }
0x9a: {  	s5 =	simm.s32 $_size__tile_overlayer_lowered;
	s6 =	simm.s32 $_tile_overlayer_lowered  }
0x9b: {  	s22 =	simm.s32 $0x1BFF;
	s21 =	sshll.u32 s6, $0x1;
	s3 =	sadd.s32 s4, s19  }
0x9c: {  	s7 =	simm.s32 $0x0;
	s20 =	sshll.u32 s5, $0x1;
	s5 =	sadd.s32 s21, s3  }
0x9d: {  	[timem:s7], [sflag:s22] =	dma.local [hbm:s5], s20  }
0x9e: {  	_ =	swait.ge [sflag:s22], s20  }
0x9f: {  	s4 =	ssub.s32 $0x0, s20;
	[sflag:s22] =	ssyncset.done $0x0  }
0xa0: {  	[sflag:s22] =	ssyncadd.s32 s4;
	_ =	sdelay $0x1  }
0xa1: {  	s23 =	simm.s32 $0x1B8B  }
0xa2: {  	_ =	swait.ge [sflag:s23], $0x1  }
0xa3: {  	[sflag:s23] =	ssyncset.done $0x0  }
0xa4: {  	s25 =	simm.s32 $0x1B8E;
	s24 =	sld [smem:$0x3FFE];
	[sflag:s23] =	ssyncadd.s32 $0xFFFFFFFF  }
0xa5: {  	s26 =	simm.s32 $execute0_lowered;
	[smem:$0x3FD2] =	sst s25  }
0xa6: {  	s5 =	sshll.u32 s26, $0x1;
	_ =	strace $0x80000049;
	[dreg:$0x1] =	wrdreg $0xFFFFFFFF  }
0xa7: {  	s28 =	simm.s32 $_size_execute0_lowered;
	s3 =	sadd.s32 s3, s5;
	[dreg:$0x0] =	wrdreg $0x0  }
0xa8: {  	s5 =	sshll.u32 s28, $0x1;
	[dreg:$0x2] =	wrdreg s3  }
0xa9: {  	[dreg:$0x3] =	wrdreg s5  }
0xaa: {  	[dreg:$0x4] =	wrdreg $0xC0  }
0xab: {  	_ =	task [dreg:s7], $0x5FFFF  }
0xac: {  	[dreg:$0x1] =	wrdreg $0xFFFFFFFF  }
0xad: {  	[dreg:$0x0] =	wrdreg $0x60  }
0xae: {  	[dreg:$0x2] =	wrdreg s24  }
0xaf: {  	[dreg:$0x3] =	wrdreg s2  }
0xb0: {  	[dreg:$0x4] =	wrdreg $0x9  }
0xb1: {  	_ =	task.clear_ibuf [dreg:s7], $0x5FFFF;
	_ =	strace $0x90000049  }
0xb2: {  	s29 =	simm.s32 $0x9;
	_ =	strace $0x8000004B  }
0xb3: {  	_ =	swait.ge [sflag:s29], $0x1  }
0xb4: {  	[sflag:s29] =	ssyncadd.s32 $0xFFFFFFFF  }
0xb5: {  	_ =	strace $0x9000004B  }
0xb6: {  	_ =	sfence  }
0xb7: {  	s30 =	sld [smem:$0x0];
	_ =	sdelay $0x2  }
0xb8: {  	s31 =	sshll.u32 s1, $0xD;
	s1 =	sshrl.u32 s1, $0x2  }
0xb9: {  	s3 =	sand.u32 $0x4000, s31;
	s1 =	sadd.s32 s1, s30  }
0xba: {  	s0 =	sor.u32 s3, s0;
	s1 =	sshll.u32 s1, $0x11  }
0xbb: {  	s0 =	sor.u32 s1, s0  }
0xbc: {  	s0 =	sadd.s32 $0x8F2B, s0  }
0xbd: {  	[sflag:s0] =	ssyncadd.remote.s32 $0x1  }
0xbe: {  	_ =	sfence.sel $0xFFFF  }
0xbf: {  	[dreg:$0x0] =	wrdreg $0xFFFFFFFF;
	(pc) =	sbr.abs _section_cstart, $3  }
0xc0: {  	[dreg:$0x1] =	wrdreg $0xFFFFFFFF  }
0xc1: {  	_ =	task.clear_ibuf [dreg:s7], $0x2FFFF;
	_ =	strace $0x9FFFFFFF  }
0xc2: {  	(tm) =	ssettm $0x7FFFFFFF  }
0xc3: {  	_ =	shalt  }
tec
execute0_lowered:
.L_overlay_start_1:
0x0: {  	(tag) =	ssettag $0x1  }
0x1: {  	s0 =	rddreg [dreg:$0x0]  }
0x2: {  	s1 =	rddreg [dreg:$0x1]  }
0x3: {  	s2 =	srdreg.scid;
	s3 =	simm.s32 $0x0;
	s12 =	stileid.u32  }
0x4: {  	s17 =	simm.s32 $0x3F80;
	s18 =	simm.s32 $0x4180;
	s19 =	simm.s32 $0x4380  }
0x5: {  	s16 =	simm.s32 $0x4B80;
	s20 =	simm.s32 $0x4D80;
	s2 =	sand.u32 $0x1, s2  }
0x6: {  	[smem:$0x7FF] =	sst s3;
	s5 =	sadd.s32 $0x4200, s0;
	s8 =	sadd.s32 $0x24200, s0  }
0x7: {  	s21 =	sadd.s32 $0x26200, s0;
	p1 =	slt.u32 s12, $0x4;
	s9 =	sshll.u32 s12, $0xB  }
0x8: {  	s23 =	sshll.u32 s12, $0x12;
	_ =	strace $0x8000004A;
	[dreg:$0x3] =	wrdreg s8  }
0x9: {  	s4 =	sshll.u32 s2, $0x4;
	[dreg:$0x4] =	wrdreg s21;
	s22 =	ssub.s32 $0x2, s2  }
0xa: {  	p0 =	seq.s32 s2, $0x1;
	s11 =	sadd.s32 s9, s0;
	s2 =	sor.u32 s12, s2  }
0xb: {  	s9 =	sand.u32 $0xC0000, s23;
	s21 =	simm.s32 $0x4F80;
	s23 =	simm.s32 $0x5800  }
0xc: {  	s6 =	sor.u32 s12, s4;
	s4 =	sadd.s32 $0xC8C400, s0;
	s10 =	sshrl.u32 s22, $0x1  }
0xd: {  	p0 =	por !p1, !p0;
	s15 =	sshrl.u32 s9, $0x3;
	s30 =	sadd.s32 $0x66A00, s11  }
0xe: {  	p1 =	sne.s32 s2, $0x0;
	s11 =	simm.s32 $0x4580;
	s7 =	sshll.u32 s6, $0xD  }
0xf: {  	s13 =	ssub.s32 s22, s10;
	p0 =	por !p0, !p0;
	s8 =	sshll.u32 s6, $0x14  }
0x10: {  	s6 =	sshll.u32 s6, $0x11;
	s28 =	sadd.s32 s5, s15;
	[dreg:$0xb] =	wrdreg s30  }
0x11: {  	s22 =	simm.s32 $0x6000;
	s15 =	simm.s32 $0x4980;
	s7 =	sadd.s32 s7, s0  }
0x12: {  	s10 =	sor.u32 $0x40000, s8;
	s6 =	sadd.s32 s4, s6;
	s12 =	sor.u32 $0x80000, s8  }
0x13: {  	s14 =	sor.u32 $0xC0000, s8;
	[dreg:$0x9] =	wrdreg s28;
	s0 =	sadd.s32 $0x68A00, s0  }
0x14: {  	s31 =	smax.u32 s13, $0x1;
	s13 =	simm.s32 $0x4780;
	[dreg:$0x5] =	wrdreg s6  }
0x15: {  	s24 =	sshrl.u32 s10, $0x3;
	s25 =	sshrl.u32 s12, $0x3;
	[dreg:$0xc] =	wrdreg s0  }
0x16: {  	s26 =	sshrl.u32 s14, $0x3;
	s29 =	sadd.s32 $0x26A00, s7;
	[dreg:$0xd] =	wrdreg s31  }
0x17: {  	s7 =	simm.s32 $0x3D80;
	s6 =	sadd.s32 s4, s24;
	[dreg:$0xa] =	wrdreg s29  }
0x18: {  	s24 =	simm.s32 $0x3;
	[dreg:$0x6] =	wrdreg s6;
	s6 =	sadd.s32 s4, s25  }
0x19: {  	s25 =	simm.s32 $0x1;
	[dreg:$0x7] =	wrdreg s6;
	s6 =	sadd.s32 s4, s26  }
0x1a: {  	s26 =	simm.s32 $0x2;
	[dreg:$0x8] =	wrdreg s6;
	s6 =	simm.s32 $0x0  }
.LBB2_1:
0x1b: {  	[dreg:$0xe] =	wrdreg s6  }
0x1c: {  	s0 =	rddreg [dreg:$0x3]  }
0x1d: {  	[tilespmem:s22], [sflag:$0x3] =	stream.linear.gather [hbm4b:s0+s3], $0x10000, $0x38;
	[tilespmem:$0x1A000] =	vst v63  }
0x1e: {  	_ =	swait.ge [sflag:s24], $0x10000  }
0x1f: {  	[sflag:s24] =	ssyncset.done $0x0  }
0x20: {  	s2 =	simm.s32 $0x16000;
	s6 =	rddreg [dreg:$0x4];
	[sflag:s24] =	ssyncadd.s32 $0xFFFF0000  }
0x21: {  	[tilespmem:s2], [sflag:$0x3] =	stream.linear.gather [hbm4b:s6+s3], $0x4000, $0x38;
	[tilespmem:$0x1A000] =	vst v63  }
0x22: {  	_ =	swait.ge [sflag:s24], $0x4000  }
0x23: {  	[sflag:s24] =	ssyncset.done $0x0  }
0x24: {  	[sflag:s24] =	ssyncadd.s32 $0xFFFFC000  }
0x25: {  	[tilespmem:s3], [sflag:$0x1] =	stream.linear.gather [hbm4b:s1+s3], $0x800, $0x38;
	[tilespmem:$0x1A000] =	vst v63  }
0x26: {  	s29 =	simm.s32 $0x1000;
	s2 =	rddreg [dreg:$0x5]  }
0x27: {  	[tilespmem:s29], [sflag:$0x1] =	stream.linear.gather [hbm4b:s2+s3], $0x80, $0x38;
	[tilespmem:$0x1A000] =	vst v63  }
0x28: {  	s31 =	simm.s32 $0x1200;
	s30 =	sadd.s32 $0x10, s2  }
0x29: {  	[tilespmem:s31], [sflag:$0x1] =	stream.linear.gather [hbm4b:s30+s3], $0x80, $0x38;
	[tilespmem:$0x1A000] =	vst v63  }
0x2a: {  	s24 =	sadd.s32 $0x20, s2;
	s29 =	simm.s32 $0x1400  }
0x2b: {  	[tilespmem:s29], [sflag:$0x1] =	stream.linear.gather [hbm4b:s24+s3], $0x80, $0x38;
	[tilespmem:$0x1A000] =	vst v63  }
0x2c: {  	s30 =	sadd.s32 $0x30, s2;
	s31 =	simm.s32 $0x1600  }
0x2d: {  	[tilespmem:s31], [sflag:$0x1] =	stream.linear.gather [hbm4b:s30+s3], $0x80, $0x38;
	[tilespmem:$0x1A000] =	vst v63  }
0x2e: {  	s24 =	sadd.s32 $0x40, s2;
	s29 =	simm.s32 $0x1800  }
0x2f: {  	[tilespmem:s29], [sflag:$0x1] =	stream.linear.gather [hbm4b:s24+s3], $0x80, $0x38;
	[tilespmem:$0x1A000] =	vst v63  }
0x30: {  	s30 =	sadd.s32 $0x50, s2;
	s31 =	simm.s32 $0x1A00  }
0x31: {  	[tilespmem:s31], [sflag:$0x1] =	stream.linear.gather [hbm4b:s30+s3], $0x80, $0x38;
	[tilespmem:$0x1A000] =	vst v63  }
0x32: {  	s24 =	sadd.s32 $0x60, s2;
	s29 =	simm.s32 $0x1C00  }
0x33: {  	[tilespmem:s29], [sflag:$0x1] =	stream.linear.gather [hbm4b:s24+s3], $0x80, $0x38;
	[tilespmem:$0x1A000] =	vst v63  }
0x34: {  	s30 =	sadd.s32 $0x70, s2;
	s31 =	simm.s32 $0x1E00  }
0x35: {  	[tilespmem:s31], [sflag:$0x1] =	stream.linear.gather [hbm4b:s30+s3], $0x80, $0x38;
	[tilespmem:$0x1A000] =	vst v63  }
0x36: {  	s24 =	sadd.s32 $0x80, s2;
	s29 =	simm.s32 $0x2000  }
0x37: {  	[tilespmem:s29], [sflag:$0x1] =	stream.linear.gather [hbm4b:s24+s3], $0x80, $0x38;
	[tilespmem:$0x1A000] =	vst v63  }
0x38: {  	s30 =	sadd.s32 $0x90, s2;
	s31 =	simm.s32 $0x2200  }
0x39: {  	[tilespmem:s31], [sflag:$0x1] =	stream.linear.gather [hbm4b:s30+s3], $0x80, $0x38;
	[tilespmem:$0x1A000] =	vst v63  }
0x3a: {  	s24 =	sadd.s32 $0xA0, s2;
	s29 =	simm.s32 $0x2400  }
0x3b: {  	[tilespmem:s29], [sflag:$0x1] =	stream.linear.gather [hbm4b:s24+s3], $0x80, $0x38;
	[tilespmem:$0x1A000] =	vst v63  }
0x3c: {  	s30 =	sadd.s32 $0xB0, s2;
	s31 =	simm.s32 $0x2600  }
0x3d: {  	[tilespmem:s31], [sflag:$0x1] =	stream.linear.gather [hbm4b:s30+s3], $0x80, $0x38;
	[tilespmem:$0x1A000] =	vst v63  }
0x3e: {  	s24 =	sadd.s32 $0xC0, s2;
	s29 =	simm.s32 $0x2800  }
0x3f: {  	[tilespmem:s29], [sflag:$0x1] =	stream.linear.gather [hbm4b:s24+s3], $0x80, $0x38;
	[tilespmem:$0x1A000] =	vst v63  }
0x40: {  	s30 =	sadd.s32 $0xD0, s2;
	s31 =	simm.s32 $0x2A00  }
0x41: {  	[tilespmem:s31], [sflag:$0x1] =	stream.linear.gather [hbm4b:s30+s3], $0x80, $0x38;
	[tilespmem:$0x1A000] =	vst v63  }
0x42: {  	s24 =	sadd.s32 $0xE0, s2;
	s29 =	simm.s32 $0x2C00  }
0x43: {  	[tilespmem:s29], [sflag:$0x1] =	stream.linear.gather [hbm4b:s24+s3], $0x80, $0x38;
	[tilespmem:$0x1A000] =	vst v63  }
0x44: {  	s30 =	sadd.s32 $0xF0, s2;
	s31 =	simm.s32 $0x2E00  }
0x45: {  	[tilespmem:s31], [sflag:$0x1] =	stream.linear.gather [hbm4b:s30+s3], $0x80, $0x38;
	[tilespmem:$0x1A000] =	vst v63  }
0x46: {  	s6 =	simm.s32 $0x1080;
	s2 =	rddreg [dreg:$0x6]  }
0x47: {  	[tilespmem:s6], [sflag:$0x1] =	stream.linear.gather [hbm4b:s2+s3], $0x80, $0x38;
	[tilespmem:$0x1A000] =	vst v63  }
0x48: {  	s24 =	sadd.s32 $0x10, s2;
	s29 =	simm.s32 $0x1280  }
0x49: {  	[tilespmem:s29], [sflag:$0x1] =	stream.linear.gather [hbm4b:s24+s3], $0x80, $0x38;
	[tilespmem:$0x1A000] =	vst v63  }
0x4a: {  	s30 =	sadd.s32 $0x20, s2;
	s31 =	simm.s32 $0x1480  }
0x4b: {  	[tilespmem:s31], [sflag:$0x1] =	stream.linear.gather [hbm4b:s30+s3], $0x80, $0x38;
	[tilespmem:$0x1A000] =	vst v63  }
0x4c: {  	s24 =	sadd.s32 $0x30, s2;
	s29 =	simm.s32 $0x1680  }
0x4d: {  	[tilespmem:s29], [sflag:$0x1] =	stream.linear.gather [hbm4b:s24+s3], $0x80, $0x38;
	[tilespmem:$0x1A000] =	vst v63  }
0x4e: {  	s30 =	sadd.s32 $0x40, s2;
	s31 =	simm.s32 $0x1880  }
0x4f: {  	[tilespmem:s31], [sflag:$0x1] =	stream.linear.gather [hbm4b:s30+s3], $0x80, $0x38;
	[tilespmem:$0x1A000] =	vst v63  }
0x50: {  	s24 =	sadd.s32 $0x50, s2;
	s29 =	simm.s32 $0x1A80  }
0x51: {  	[tilespmem:s29], [sflag:$0x1] =	stream.linear.gather [hbm4b:s24+s3], $0x80, $0x38;
	[tilespmem:$0x1A000] =	vst v63  }
0x52: {  	s30 =	sadd.s32 $0x60, s2;
	s31 =	simm.s32 $0x1C80  }
0x53: {  	[tilespmem:s31], [sflag:$0x1] =	stream.linear.gather [hbm4b:s30+s3], $0x80, $0x38;
	[tilespmem:$0x1A000] =	vst v63  }
0x54: {  	s24 =	sadd.s32 $0x70, s2;
	s29 =	simm.s32 $0x1E80  }
0x55: {  	[tilespmem:s29], [sflag:$0x1] =	stream.linear.gather [hbm4b:s24+s3], $0x80, $0x38;
	[tilespmem:$0x1A000] =	vst v63  }
0x56: {  	s30 =	sadd.s32 $0x80, s2;
	s31 =	simm.s32 $0x2080  }
0x57: {  	[tilespmem:s31], [sflag:$0x1] =	stream.linear.gather [hbm4b:s30+s3], $0x80, $0x38;
	[tilespmem:$0x1A000] =	vst v63  }
0x58: {  	s24 =	sadd.s32 $0x90, s2;
	s29 =	simm.s32 $0x2280  }
0x59: {  	[tilespmem:s29], [sflag:$0x1] =	stream.linear.gather [hbm4b:s24+s3], $0x80, $0x38;
	[tilespmem:$0x1A000] =	vst v63  }
0x5a: {  	s30 =	sadd.s32 $0xA0, s2;
	s31 =	simm.s32 $0x2480  }
0x5b: {  	[tilespmem:s31], [sflag:$0x1] =	stream.linear.gather [hbm4b:s30+s3], $0x80, $0x38;
	[tilespmem:$0x1A000] =	vst v63  }
0x5c: {  	s24 =	sadd.s32 $0xB0, s2;
	s29 =	simm.s32 $0x2680  }
0x5d: {  	[tilespmem:s29], [sflag:$0x1] =	stream.linear.gather [hbm4b:s24+s3], $0x80, $0x38;
	[tilespmem:$0x1A000] =	vst v63  }
0x5e: {  	s30 =	sadd.s32 $0xC0, s2;
	s31 =	simm.s32 $0x2880  }
0x5f: {  	[tilespmem:s31], [sflag:$0x1] =	stream.linear.gather [hbm4b:s30+s3], $0x80, $0x38;
	[tilespmem:$0x1A000] =	vst v63  }
0x60: {  	s24 =	sadd.s32 $0xD0, s2;
	s29 =	simm.s32 $0x2A80  }
0x61: {  	[tilespmem:s29], [sflag:$0x1] =	stream.linear.gather [hbm4b:s24+s3], $0x80, $0x38;
	[tilespmem:$0x1A000] =	vst v63  }
0x62: {  	s30 =	sadd.s32 $0xE0, s2;
	s31 =	simm.s32 $0x2C80  }
0x63: {  	[tilespmem:s31], [sflag:$0x1] =	stream.linear.gather [hbm4b:s30+s3], $0x80, $0x38;
	[tilespmem:$0x1A000] =	vst v63  }
0x64: {  	s6 =	sadd.s32 $0xF0, s2;
	s24 =	simm.s32 $0x2E80  }
0x65: {  	[tilespmem:s24], [sflag:$0x1] =	stream.linear.gather [hbm4b:s6+s3], $0x80, $0x38;
	[tilespmem:$0x1A000] =	vst v63  }
0x66: {  	s2 =	rddreg [dreg:$0x7];
	s29 =	simm.s32 $0x1100  }
0x67: {  	[tilespmem:s29], [sflag:$0x1] =	stream.linear.gather [hbm4b:s2+s3], $0x80, $0x38;
	[tilespmem:$0x1A000] =	vst v63  }
0x68: {  	s30 =	sadd.s32 $0x10, s2;
	s31 =	simm.s32 $0x1300  }
0x69: {  	[tilespmem:s31], [sflag:$0x1] =	stream.linear.gather [hbm4b:s30+s3], $0x80, $0x38;
	[tilespmem:$0x1A000] =	vst v63  }
0x6a: {  	s24 =	sadd.s32 $0x20, s2;
	s29 =	simm.s32 $0x1500  }
0x6b: {  	[tilespmem:s29], [sflag:$0x1] =	stream.linear.gather [hbm4b:s24+s3], $0x80, $0x38;
	[tilespmem:$0x1A000] =	vst v63  }
0x6c: {  	s30 =	sadd.s32 $0x30, s2;
	s31 =	simm.s32 $0x1700  }
0x6d: {  	[tilespmem:s31], [sflag:$0x1] =	stream.linear.gather [hbm4b:s30+s3], $0x80, $0x38;
	[tilespmem:$0x1A000] =	vst v63  }
0x6e: {  	s24 =	sadd.s32 $0x40, s2;
	s29 =	simm.s32 $0x1900  }
0x6f: {  	[tilespmem:s29], [sflag:$0x1] =	stream.linear.gather [hbm4b:s24+s3], $0x80, $0x38;
	[tilespmem:$0x1A000] =	vst v63  }
0x70: {  	s30 =	sadd.s32 $0x50, s2;
	s31 =	simm.s32 $0x1B00  }
0x71: {  	[tilespmem:s31], [sflag:$0x1] =	stream.linear.gather [hbm4b:s30+s3], $0x80, $0x38;
	[tilespmem:$0x1A000] =	vst v63  }
0x72: {  	s24 =	sadd.s32 $0x60, s2;
	s29 =	simm.s32 $0x1D00  }
0x73: {  	[tilespmem:s29], [sflag:$0x1] =	stream.linear.gather [hbm4b:s24+s3], $0x80, $0x38;
	[tilespmem:$0x1A000] =	vst v63  }
0x74: {  	s30 =	sadd.s32 $0x70, s2;
	s31 =	simm.s32 $0x1F00  }
0x75: {  	[tilespmem:s31], [sflag:$0x1] =	stream.linear.gather [hbm4b:s30+s3], $0x80, $0x38;
	[tilespmem:$0x1A000] =	vst v63  }
0x76: {  	s24 =	sadd.s32 $0x80, s2;
	s29 =	simm.s32 $0x2100  }
0x77: {  	[tilespmem:s29], [sflag:$0x1] =	stream.linear.gather [hbm4b:s24+s3], $0x80, $0x38;
	[tilespmem:$0x1A000] =	vst v63  }
0x78: {  	s30 =	sadd.s32 $0x90, s2;
	s31 =	simm.s32 $0x2300  }
0x79: {  	[tilespmem:s31], [sflag:$0x1] =	stream.linear.gather [hbm4b:s30+s3], $0x80, $0x38;
	[tilespmem:$0x1A000] =	vst v63  }
0x7a: {  	s24 =	sadd.s32 $0xA0, s2;
	s29 =	simm.s32 $0x2500  }
0x7b: {  	[tilespmem:s29], [sflag:$0x1] =	stream.linear.gather [hbm4b:s24+s3], $0x80, $0x38;
	[tilespmem:$0x1A000] =	vst v63  }
0x7c: {  	s30 =	sadd.s32 $0xB0, s2;
	s31 =	simm.s32 $0x2700  }
0x7d: {  	[tilespmem:s31], [sflag:$0x1] =	stream.linear.gather [hbm4b:s30+s3], $0x80, $0x38;
	[tilespmem:$0x1A000] =	vst v63  }
0x7e: {  	s24 =	sadd.s32 $0xC0, s2;
	s29 =	simm.s32 $0x2900  }
0x7f: {  	[tilespmem:s29], [sflag:$0x1] =	stream.linear.gather [hbm4b:s24+s3], $0x80, $0x38;
	[tilespmem:$0x1A000] =	vst v63  }
0x80: {  	s30 =	sadd.s32 $0xD0, s2;
	s31 =	simm.s32 $0x2B00  }
0x81: {  	[tilespmem:s31], [sflag:$0x1] =	stream.linear.gather [hbm4b:s30+s3], $0x80, $0x38;
	[tilespmem:$0x1A000] =	vst v63  }
0x82: {  	s24 =	sadd.s32 $0xE0, s2;
	s29 =	simm.s32 $0x2D00  }
0x83: {  	[tilespmem:s29], [sflag:$0x1] =	stream.linear.gather [hbm4b:s24+s3], $0x80, $0x38;
	[tilespmem:$0x1A000] =	vst v63  }
0x84: {  	s30 =	sadd.s32 $0xF0, s2;
	s31 =	simm.s32 $0x2F00  }
0x85: {  	[tilespmem:s31], [sflag:$0x1] =	stream.linear.gather [hbm4b:s30+s3], $0x80, $0x38;
	[tilespmem:$0x1A000] =	vst v63  }
0x86: {  	s6 =	simm.s32 $0x1180;
	s2 =	rddreg [dreg:$0x8]  }
0x87: {  	[tilespmem:s6], [sflag:$0x1] =	stream.linear.gather [hbm4b:s2+s3], $0x80, $0x38;
	[tilespmem:$0x1A000] =	vst v63  }
0x88: {  	s24 =	sadd.s32 $0x10, s2;
	s29 =	simm.s32 $0x1380  }
0x89: {  	[tilespmem:s29], [sflag:$0x1] =	stream.linear.gather [hbm4b:s24+s3], $0x80, $0x38;
	[tilespmem:$0x1A000] =	vst v63  }
0x8a: {  	s30 =	sadd.s32 $0x20, s2;
	s31 =	simm.s32 $0x1580  }
0x8b: {  	[tilespmem:s31], [sflag:$0x1] =	stream.linear.gather [hbm4b:s30+s3], $0x80, $0x38;
	[tilespmem:$0x1A000] =	vst v63  }
0x8c: {  	s24 =	sadd.s32 $0x30, s2;
	s29 =	simm.s32 $0x1780  }
0x8d: {  	[tilespmem:s29], [sflag:$0x1] =	stream.linear.gather [hbm4b:s24+s3], $0x80, $0x38;
	[tilespmem:$0x1A000] =	vst v63  }
0x8e: {  	s30 =	sadd.s32 $0x40, s2;
	s31 =	simm.s32 $0x1980  }
0x8f: {  	[tilespmem:s31], [sflag:$0x1] =	stream.linear.gather [hbm4b:s30+s3], $0x80, $0x38;
	[tilespmem:$0x1A000] =	vst v63  }
0x90: {  	s24 =	sadd.s32 $0x50, s2;
	s29 =	simm.s32 $0x1B80  }
0x91: {  	[tilespmem:s29], [sflag:$0x1] =	stream.linear.gather [hbm4b:s24+s3], $0x80, $0x38;
	[tilespmem:$0x1A000] =	vst v63  }
0x92: {  	s30 =	sadd.s32 $0x60, s2;
	s31 =	simm.s32 $0x1D80  }
0x93: {  	[tilespmem:s31], [sflag:$0x1] =	stream.linear.gather [hbm4b:s30+s3], $0x80, $0x38;
	[tilespmem:$0x1A000] =	vst v63  }
0x94: {  	s24 =	sadd.s32 $0x70, s2;
	s29 =	simm.s32 $0x1F80  }
0x95: {  	[tilespmem:s29], [sflag:$0x1] =	stream.linear.gather [hbm4b:s24+s3], $0x80, $0x38;
	[tilespmem:$0x1A000] =	vst v63  }
0x96: {  	s30 =	sadd.s32 $0x80, s2;
	s31 =	simm.s32 $0x2180  }
0x97: {  	[tilespmem:s31], [sflag:$0x1] =	stream.linear.gather [hbm4b:s30+s3], $0x80, $0x38;
	[tilespmem:$0x1A000] =	vst v63  }
0x98: {  	s24 =	sadd.s32 $0x90, s2;
	s29 =	simm.s32 $0x2380  }
0x99: {  	[tilespmem:s29], [sflag:$0x1] =	stream.linear.gather [hbm4b:s24+s3], $0x80, $0x38;
	[tilespmem:$0x1A000] =	vst v63  }
0x9a: {  	s30 =	sadd.s32 $0xA0, s2;
	s31 =	simm.s32 $0x2580  }
0x9b: {  	[tilespmem:s31], [sflag:$0x1] =	stream.linear.gather [hbm4b:s30+s3], $0x80, $0x38;
	[tilespmem:$0x1A000] =	vst v63  }
0x9c: {  	s24 =	sadd.s32 $0xB0, s2;
	s29 =	simm.s32 $0x2780  }
0x9d: {  	[tilespmem:s29], [sflag:$0x1] =	stream.linear.gather [hbm4b:s24+s3], $0x80, $0x38;
	[tilespmem:$0x1A000] =	vst v63  }
0x9e: {  	s30 =	sadd.s32 $0xC0, s2;
	s31 =	simm.s32 $0x2980  }
0x9f: {  	[tilespmem:s31], [sflag:$0x1] =	stream.linear.gather [hbm4b:s30+s3], $0x80, $0x38;
	[tilespmem:$0x1A000] =	vst v63  }
0xa0: {  	s24 =	sadd.s32 $0xD0, s2;
	s29 =	simm.s32 $0x2B80  }
0xa1: {  	[tilespmem:s29], [sflag:$0x1] =	stream.linear.gather [hbm4b:s24+s3], $0x80, $0x38;
	[tilespmem:$0x1A000] =	vst v63  }
0xa2: {  	s30 =	sadd.s32 $0xE0, s2;
	s31 =	simm.s32 $0x2D80  }
0xa3: {  	[tilespmem:s31], [sflag:$0x1] =	stream.linear.gather [hbm4b:s30+s3], $0x80, $0x38;
	[tilespmem:$0x1A000] =	vst v63  }
0xa4: {  	s24 =	sadd.s32 $0xF0, s2;
	s29 =	simm.s32 $0x2F80  }
0xa5: {  	[tilespmem:s29], [sflag:$0x1] =	stream.linear.gather [hbm4b:s24+s3], $0x80, $0x38;
	[tilespmem:$0x1A000] =	vst v63  }
0xa6: {  	s28 =	simm.s32 $0x0;
	s30 =	rddreg [dreg:$0x9];
	s31 =	simm.s32 $0x5000  }
0xa7: {  	[tilespmem:s31], [sflag:$0x1] =	stream.linear.gather [hbm4b:s30+s3], $0x800, $0x38;
	[tilespmem:$0x1A000] =	vst v63  }
.LBB2_2:
0xa8: {  	s29 =	sshll.u32 s28, $0xC  }
0xa9: {  	s0 =	sor.u32 $0x800, s29  }
0xaa: {  	s2 =	sshrl.u32 s0, $0x3  }
0xab: {  	s6 =	simm.s32 $0x800;
	s2 =	sadd.s32 s1, s2  }
0xac: {  	[tilespmem:s6], [sflag:$0x2] =	stream.linear.gather [hbm4b:s2+s3], $0x800, $0x38;
	[tilespmem:$0x1A000] =	vst v63  }
0xad: {  	s6 =	sor.u32 s8, s0  }
0xae: {  	s2 =	sshrl.u32 s6, $0x3  }
0xaf: {  	s24 =	simm.s32 $0x3000;
	s2 =	sadd.s32 s4, s2  }
0xb0: {  	[tilespmem:s24], [sflag:$0x2] =	stream.linear.gather [hbm4b:s2+s3], $0x80, $0x38;
	[tilespmem:$0x1A000] =	vst v63  }
0xb1: {  	s6 =	sadd.s32 $0x10, s2;
	s24 =	simm.s32 $0x3200  }
0xb2: {  	[tilespmem:s24], [sflag:$0x2] =	stream.linear.gather [hbm4b:s6+s3], $0x80, $0x38;
	[tilespmem:$0x1A000] =	vst v63  }
0xb3: {  	s6 =	sadd.s32 $0x20, s2;
	s24 =	simm.s32 $0x3400  }
0xb4: {  	[tilespmem:s24], [sflag:$0x2] =	stream.linear.gather [hbm4b:s6+s3], $0x80, $0x38;
	[tilespmem:$0x1A000] =	vst v63  }
0xb5: {  	s6 =	sadd.s32 $0x30, s2;
	s24 =	simm.s32 $0x3600  }
0xb6: {  	[tilespmem:s24], [sflag:$0x2] =	stream.linear.gather [hbm4b:s6+s3], $0x80, $0x38;
	[tilespmem:$0x1A000] =	vst v63  }
0xb7: {  	s6 =	sadd.s32 $0x40, s2;
	s24 =	simm.s32 $0x3800  }
0xb8: {  	[tilespmem:s24], [sflag:$0x2] =	stream.linear.gather [hbm4b:s6+s3], $0x80, $0x38;
	[tilespmem:$0x1A000] =	vst v63  }
0xb9: {  	s6 =	sadd.s32 $0x50, s2;
	s24 =	simm.s32 $0x3A00  }
0xba: {  	[tilespmem:s24], [sflag:$0x2] =	stream.linear.gather [hbm4b:s6+s3], $0x80, $0x38;
	[tilespmem:$0x1A000] =	vst v63  }
0xbb: {  	s6 =	sadd.s32 $0x60, s2;
	s24 =	simm.s32 $0x3C00  }
0xbc: {  	[tilespmem:s24], [sflag:$0x2] =	stream.linear.gather [hbm4b:s6+s3], $0x80, $0x38;
	[tilespmem:$0x1A000] =	vst v63  }
0xbd: {  	s6 =	sadd.s32 $0x70, s2;
	s24 =	simm.s32 $0x3E00  }
0xbe: {  	[tilespmem:s24], [sflag:$0x2] =	stream.linear.gather [hbm4b:s6+s3], $0x80, $0x38;
	[tilespmem:$0x1A000] =	vst v63  }
0xbf: {  	s6 =	sadd.s32 $0x80, s2;
	s24 =	simm.s32 $0x4000  }
0xc0: {  	[tilespmem:s24], [sflag:$0x2] =	stream.linear.gather [hbm4b:s6+s3], $0x80, $0x38;
	[tilespmem:$0x1A000] =	vst v63  }
0xc1: {  	s6 =	sadd.s32 $0x90, s2;
	s24 =	simm.s32 $0x4200  }
0xc2: {  	[tilespmem:s24], [sflag:$0x2] =	stream.linear.gather [hbm4b:s6+s3], $0x80, $0x38;
	[tilespmem:$0x1A000] =	vst v63  }
0xc3: {  	s6 =	sadd.s32 $0xA0, s2;
	s24 =	simm.s32 $0x4400  }
0xc4: {  	[tilespmem:s24], [sflag:$0x2] =	stream.linear.gather [hbm4b:s6+s3], $0x80, $0x38;
	[tilespmem:$0x1A000] =	vst v63  }
0xc5: {  	s6 =	sadd.s32 $0xB0, s2;
	s24 =	simm.s32 $0x4600  }
0xc6: {  	[tilespmem:s24], [sflag:$0x2] =	stream.linear.gather [hbm4b:s6+s3], $0x80, $0x38;
	[tilespmem:$0x1A000] =	vst v63  }
0xc7: {  	s6 =	sadd.s32 $0xC0, s2;
	s24 =	simm.s32 $0x4800  }
0xc8: {  	[tilespmem:s24], [sflag:$0x2] =	stream.linear.gather [hbm4b:s6+s3], $0x80, $0x38;
	[tilespmem:$0x1A000] =	vst v63  }
0xc9: {  	s6 =	sadd.s32 $0xD0, s2;
	s24 =	simm.s32 $0x4A00  }
0xca: {  	[tilespmem:s24], [sflag:$0x2] =	stream.linear.gather [hbm4b:s6+s3], $0x80, $0x38;
	[tilespmem:$0x1A000] =	vst v63  }
0xcb: {  	s6 =	sadd.s32 $0xE0, s2;
	s24 =	simm.s32 $0x4C00  }
0xcc: {  	[tilespmem:s24], [sflag:$0x2] =	stream.linear.gather [hbm4b:s6+s3], $0x80, $0x38;
	[tilespmem:$0x1A000] =	vst v63  }
0xcd: {  	s2 =	sadd.s32 $0xF0, s2;
	s24 =	simm.s32 $0x4E00;
	s6 =	sor.u32 s10, s0  }
0xce: {  	[tilespmem:s24], [sflag:$0x2] =	stream.linear.gather [hbm4b:s2+s3], $0x80, $0x38;
	[tilespmem:$0x1A000] =	vst v63  }
0xcf: {  	s2 =	sshrl.u32 s6, $0x3  }
0xd0: {  	s24 =	simm.s32 $0x3080;
	s2 =	sadd.s32 s4, s2  }
0xd1: {  	[tilespmem:s24], [sflag:$0x2] =	stream.linear.gather [hbm4b:s2+s3], $0x80, $0x38;
	[tilespmem:$0x1A000] =	vst v63  }
0xd2: {  	s6 =	sadd.s32 $0x10, s2;
	s24 =	simm.s32 $0x3280  }
0xd3: {  	[tilespmem:s24], [sflag:$0x2] =	stream.linear.gather [hbm4b:s6+s3], $0x80, $0x38;
	[tilespmem:$0x1A000] =	vst v63  }
0xd4: {  	s6 =	sadd.s32 $0x20, s2;
	s24 =	simm.s32 $0x3480  }
0xd5: {  	[tilespmem:s24], [sflag:$0x2] =	stream.linear.gather [hbm4b:s6+s3], $0x80, $0x38;
	[tilespmem:$0x1A000] =	vst v63  }
0xd6: {  	s6 =	sadd.s32 $0x30, s2;
	s24 =	simm.s32 $0x3680  }
0xd7: {  	[tilespmem:s24], [sflag:$0x2] =	stream.linear.gather [hbm4b:s6+s3], $0x80, $0x38;
	[tilespmem:$0x1A000] =	vst v63  }
0xd8: {  	s6 =	sadd.s32 $0x40, s2;
	s24 =	simm.s32 $0x3880  }
0xd9: {  	[tilespmem:s24], [sflag:$0x2] =	stream.linear.gather [hbm4b:s6+s3], $0x80, $0x38;
	[tilespmem:$0x1A000] =	vst v63  }
0xda: {  	s6 =	sadd.s32 $0x50, s2;
	s24 =	simm.s32 $0x3A80  }
0xdb: {  	[tilespmem:s24], [sflag:$0x2] =	stream.linear.gather [hbm4b:s6+s3], $0x80, $0x38;
	[tilespmem:$0x1A000] =	vst v63  }
0xdc: {  	s6 =	sadd.s32 $0x60, s2;
	s24 =	simm.s32 $0x3C80  }
0xdd: {  	[tilespmem:s24], [sflag:$0x2] =	stream.linear.gather [hbm4b:s6+s3], $0x80, $0x38;
	[tilespmem:$0x1A000] =	vst v63  }
0xde: {  	s6 =	sadd.s32 $0x70, s2;
	s24 =	simm.s32 $0x3E80  }
0xdf: {  	[tilespmem:s24], [sflag:$0x2] =	stream.linear.gather [hbm4b:s6+s3], $0x80, $0x38;
	[tilespmem:$0x1A000] =	vst v63  }
0xe0: {  	s6 =	sadd.s32 $0x80, s2;
	s24 =	simm.s32 $0x4080  }
0xe1: {  	[tilespmem:s24], [sflag:$0x2] =	stream.linear.gather [hbm4b:s6+s3], $0x80, $0x38;
	[tilespmem:$0x1A000] =	vst v63  }
0xe2: {  	s6 =	sadd.s32 $0x90, s2;
	s24 =	simm.s32 $0x4280  }
0xe3: {  	[tilespmem:s24], [sflag:$0x2] =	stream.linear.gather [hbm4b:s6+s3], $0x80, $0x38;
	[tilespmem:$0x1A000] =	vst v63  }
0xe4: {  	s6 =	sadd.s32 $0xA0, s2;
	s24 =	simm.s32 $0x4480  }
0xe5: {  	[tilespmem:s24], [sflag:$0x2] =	stream.linear.gather [hbm4b:s6+s3], $0x80, $0x38;
	[tilespmem:$0x1A000] =	vst v63  }
0xe6: {  	s6 =	sadd.s32 $0xB0, s2;
	s24 =	simm.s32 $0x4680  }
0xe7: {  	[tilespmem:s24], [sflag:$0x2] =	stream.linear.gather [hbm4b:s6+s3], $0x80, $0x38;
	[tilespmem:$0x1A000] =	vst v63  }
0xe8: {  	s6 =	sadd.s32 $0xC0, s2;
	s24 =	simm.s32 $0x4880  }
0xe9: {  	[tilespmem:s24], [sflag:$0x2] =	stream.linear.gather [hbm4b:s6+s3], $0x80, $0x38;
	[tilespmem:$0x1A000] =	vst v63  }
0xea: {  	s6 =	sadd.s32 $0xD0, s2;
	s24 =	simm.s32 $0x4A80  }
0xeb: {  	[tilespmem:s24], [sflag:$0x2] =	stream.linear.gather [hbm4b:s6+s3], $0x80, $0x38;
	[tilespmem:$0x1A000] =	vst v63  }
0xec: {  	s6 =	sadd.s32 $0xE0, s2;
	s24 =	simm.s32 $0x4C80  }
0xed: {  	[tilespmem:s24], [sflag:$0x2] =	stream.linear.gather [hbm4b:s6+s3], $0x80, $0x38;
	[tilespmem:$0x1A000] =	vst v63  }
0xee: {  	s2 =	sadd.s32 $0xF0, s2;
	s24 =	simm.s32 $0x4E80;
	s6 =	sor.u32 s12, s0  }
0xef: {  	[tilespmem:s24], [sflag:$0x2] =	stream.linear.gather [hbm4b:s2+s3], $0x80, $0x38;
	[tilespmem:$0x1A000] =	vst v63  }
0xf0: {  	s2 =	sshrl.u32 s6, $0x3  }
0xf1: {  	s24 =	simm.s32 $0x3100;
	s2 =	sadd.s32 s4, s2  }
0xf2: {  	[tilespmem:s24], [sflag:$0x2] =	stream.linear.gather [hbm4b:s2+s3], $0x80, $0x38;
	[tilespmem:$0x1A000] =	vst v63  }
0xf3: {  	s6 =	sadd.s32 $0x10, s2;
	s24 =	simm.s32 $0x3300  }
0xf4: {  	[tilespmem:s24], [sflag:$0x2] =	stream.linear.gather [hbm4b:s6+s3], $0x80, $0x38;
	[tilespmem:$0x1A000] =	vst v63  }
0xf5: {  	s6 =	sadd.s32 $0x20, s2;
	s24 =	simm.s32 $0x3500  }
0xf6: {  	[tilespmem:s24], [sflag:$0x2] =	stream.linear.gather [hbm4b:s6+s3], $0x80, $0x38;
	[tilespmem:$0x1A000] =	vst v63  }
0xf7: {  	s6 =	sadd.s32 $0x30, s2;
	s24 =	simm.s32 $0x3700  }
0xf8: {  	[tilespmem:s24], [sflag:$0x2] =	stream.linear.gather [hbm4b:s6+s3], $0x80, $0x38;
	[tilespmem:$0x1A000] =	vst v63  }
0xf9: {  	s6 =	sadd.s32 $0x40, s2;
	s24 =	simm.s32 $0x3900  }
0xfa: {  	[tilespmem:s24], [sflag:$0x2] =	stream.linear.gather [hbm4b:s6+s3], $0x80, $0x38;
	[tilespmem:$0x1A000] =	vst v63  }
0xfb: {  	s6 =	sadd.s32 $0x50, s2;
	s24 =	simm.s32 $0x3B00  }
0xfc: {  	[tilespmem:s24], [sflag:$0x2] =	stream.linear.gather [hbm4b:s6+s3], $0x80, $0x38;
	[tilespmem:$0x1A000] =	vst v63  }
0xfd: {  	s6 =	sadd.s32 $0x60, s2;
	s24 =	simm.s32 $0x3D00  }
0xfe: {  	[tilespmem:s24], [sflag:$0x2] =	stream.linear.gather [hbm4b:s6+s3], $0x80, $0x38;
	[tilespmem:$0x1A000] =	vst v63  }
0xff: {  	s6 =	sadd.s32 $0x70, s2;
	s24 =	simm.s32 $0x3F00  }
0x100: {  	[tilespmem:s24], [sflag:$0x2] =	stream.linear.gather [hbm4b:s6+s3], $0x80, $0x38;
	[tilespmem:$0x1A000] =	vst v63  }
0x101: {  	s6 =	sadd.s32 $0x80, s2;
	s24 =	simm.s32 $0x4100  }
0x102: {  	[tilespmem:s24], [sflag:$0x2] =	stream.linear.gather [hbm4b:s6+s3], $0x80, $0x38;
	[tilespmem:$0x1A000] =	vst v63  }
0x103: {  	s6 =	sadd.s32 $0x90, s2;
	s24 =	simm.s32 $0x4300  }
0x104: {  	[tilespmem:s24], [sflag:$0x2] =	stream.linear.gather [hbm4b:s6+s3], $0x80, $0x38;
	[tilespmem:$0x1A000] =	vst v63  }
0x105: {  	s6 =	sadd.s32 $0xA0, s2;
	s24 =	simm.s32 $0x4500  }
0x106: {  	[tilespmem:s24], [sflag:$0x2] =	stream.linear.gather [hbm4b:s6+s3], $0x80, $0x38;
	[tilespmem:$0x1A000] =	vst v63  }
0x107: {  	s6 =	sadd.s32 $0xB0, s2;
	s24 =	simm.s32 $0x4700  }
0x108: {  	[tilespmem:s24], [sflag:$0x2] =	stream.linear.gather [hbm4b:s6+s3], $0x80, $0x38;
	[tilespmem:$0x1A000] =	vst v63  }
0x109: {  	s6 =	sadd.s32 $0xC0, s2;
	s24 =	simm.s32 $0x4900  }
0x10a: {  	[tilespmem:s24], [sflag:$0x2] =	stream.linear.gather [hbm4b:s6+s3], $0x80, $0x38;
	[tilespmem:$0x1A000] =	vst v63  }
0x10b: {  	s6 =	sadd.s32 $0xD0, s2;
	s24 =	simm.s32 $0x4B00  }
0x10c: {  	[tilespmem:s24], [sflag:$0x2] =	stream.linear.gather [hbm4b:s6+s3], $0x80, $0x38;
	[tilespmem:$0x1A000] =	vst v63  }
0x10d: {  	s6 =	sadd.s32 $0xE0, s2;
	s24 =	simm.s32 $0x4D00  }
0x10e: {  	[tilespmem:s24], [sflag:$0x2] =	stream.linear.gather [hbm4b:s6+s3], $0x80, $0x38;
	[tilespmem:$0x1A000] =	vst v63  }
0x10f: {  	s2 =	sadd.s32 $0xF0, s2;
	s24 =	simm.s32 $0x4F00;
	s6 =	sor.u32 s14, s0  }
0x110: {  	[tilespmem:s24], [sflag:$0x2] =	stream.linear.gather [hbm4b:s2+s3], $0x80, $0x38;
	[tilespmem:$0x1A000] =	vst v63  }
0x111: {  	s2 =	sshrl.u32 s6, $0x3  }
0x112: {  	s24 =	simm.s32 $0x3180;
	s2 =	sadd.s32 s4, s2  }
0x113: {  	[tilespmem:s24], [sflag:$0x2] =	stream.linear.gather [hbm4b:s2+s3], $0x80, $0x38;
	[tilespmem:$0x1A000] =	vst v63  }
0x114: {  	s6 =	sadd.s32 $0x10, s2;
	s24 =	simm.s32 $0x3380  }
0x115: {  	[tilespmem:s24], [sflag:$0x2] =	stream.linear.gather [hbm4b:s6+s3], $0x80, $0x38;
	[tilespmem:$0x1A000] =	vst v63  }
0x116: {  	s6 =	sadd.s32 $0x20, s2;
	s24 =	simm.s32 $0x3580  }
0x117: {  	[tilespmem:s24], [sflag:$0x2] =	stream.linear.gather [hbm4b:s6+s3], $0x80, $0x38;
	[tilespmem:$0x1A000] =	vst v63  }
0x118: {  	s6 =	sadd.s32 $0x30, s2;
	s24 =	simm.s32 $0x3780  }
0x119: {  	[tilespmem:s24], [sflag:$0x2] =	stream.linear.gather [hbm4b:s6+s3], $0x80, $0x38;
	[tilespmem:$0x1A000] =	vst v63  }
0x11a: {  	s6 =	sadd.s32 $0x40, s2;
	s24 =	simm.s32 $0x3980  }
0x11b: {  	[tilespmem:s24], [sflag:$0x2] =	stream.linear.gather [hbm4b:s6+s3], $0x80, $0x38;
	[tilespmem:$0x1A000] =	vst v63  }
0x11c: {  	s6 =	sadd.s32 $0x50, s2;
	s24 =	simm.s32 $0x3B80  }
0x11d: {  	[tilespmem:s24], [sflag:$0x2] =	stream.linear.gather [hbm4b:s6+s3], $0x80, $0x38;
	[tilespmem:$0x1A000] =	vst v63  }
0x11e: {  	s24 =	sadd.s32 $0x60, s2  }
0x11f: {  	[tilespmem:s7], [sflag:$0x2] =	stream.linear.gather [hbm4b:s24+s3], $0x80, $0x38;
	[tilespmem:$0x1A000] =	vst v63  }
0x120: {  	s24 =	sadd.s32 $0x70, s2  }
0x121: {  	[tilespmem:s17], [sflag:$0x2] =	stream.linear.gather [hbm4b:s24+s3], $0x80, $0x38;
	[tilespmem:$0x1A000] =	vst v63  }
0x122: {  	s24 =	sadd.s32 $0x80, s2  }
0x123: {  	[tilespmem:s18], [sflag:$0x2] =	stream.linear.gather [hbm4b:s24+s3], $0x80, $0x38;
	[tilespmem:$0x1A000] =	vst v63  }
0x124: {  	s24 =	sadd.s32 $0x90, s2  }
0x125: {  	[tilespmem:s19], [sflag:$0x2] =	stream.linear.gather [hbm4b:s24+s3], $0x80, $0x38;
	[tilespmem:$0x1A000] =	vst v63  }
0x126: {  	s24 =	sadd.s32 $0xA0, s2  }
0x127: {  	[tilespmem:s11], [sflag:$0x2] =	stream.linear.gather [hbm4b:s24+s3], $0x80, $0x38;
	[tilespmem:$0x1A000] =	vst v63  }
0x128: {  	s24 =	sadd.s32 $0xB0, s2  }
0x129: {  	[tilespmem:s13], [sflag:$0x2] =	stream.linear.gather [hbm4b:s24+s3], $0x80, $0x38;
	[tilespmem:$0x1A000] =	vst v63  }
0x12a: {  	s24 =	sadd.s32 $0xC0, s2  }
0x12b: {  	[tilespmem:s15], [sflag:$0x2] =	stream.linear.gather [hbm4b:s24+s3], $0x80, $0x38;
	[tilespmem:$0x1A000] =	vst v63  }
0x12c: {  	s24 =	sadd.s32 $0xD0, s2  }
0x12d: {  	[tilespmem:s16], [sflag:$0x2] =	stream.linear.gather [hbm4b:s24+s3], $0x80, $0x38;
	[tilespmem:$0x1A000] =	vst v63  }
0x12e: {  	s0 =	sor.u32 s9, s0;
	s24 =	sadd.s32 $0xE0, s2  }
0x12f: {  	[tilespmem:s20], [sflag:$0x2] =	stream.linear.gather [hbm4b:s24+s3], $0x80, $0x38;
	[tilespmem:$0x1A000] =	vst v63  }
0x130: {  	s0 =	sshrl.u32 s0, $0x3;
	s2 =	sadd.s32 $0xF0, s2  }
0x131: {  	[tilespmem:s21], [sflag:$0x2] =	stream.linear.gather [hbm4b:s2+s3], $0x80, $0x38;
	[tilespmem:$0x1A000] =	vst v63  }
0x132: {  	s0 =	sadd.s32 s5, s0  }
0x133: {  	[tilespmem:s23], [sflag:$0x2] =	stream.linear.gather [hbm4b:s0+s3], $0x800, $0x38;
	[tilespmem:$0x1A000] =	vst v63  }
0x134: {  	_ =	swait.ge [sflag:s25], $0x800  }
0x135: {  	[sflag:s25] =	ssyncset.done $0x0  }
0x136: {  	[sflag:s25] =	ssyncadd.s32 $0xFFFFF800  }
0x137: {  	_ =	swait.ge [sflag:s25], $0x800  }
0x138: {  	[sflag:s25] =	ssyncset.done $0x0  }
0x139: {  	[sflag:s25] =	ssyncadd.s32 $0xFFFFF800  }
0x13a: {  	_ =	swait.ge [sflag:s25], $0x800  }
0x13b: {  	[sflag:s25] =	ssyncset.done $0x0  }
0x13c: {  	[sflag:s25] =	ssyncadd.s32 $0xFFFFF800  }
0x13d: {  	_ =	swait.ge [sflag:s25], $0x800  }
0x13e: {  	[sflag:s25] =	ssyncset.done $0x0  }
0x13f: {  	[sflag:s25] =	ssyncadd.s32 $0xFFFFF800  }
0x140: {  	_ =	swait.ge [sflag:s25], $0x800  }
0x141: {  	[sflag:s25] =	ssyncset.done $0x0  }
0x142: {  	[sflag:s25] =	ssyncadd.s32 $0xFFFFF800  }
0x143: {  	_ =	swait.ge [sflag:s25], $0x800  }
0x144: {  	[sflag:s25] =	ssyncset.done $0x0  }
0x145: {  	s24 =	simm.s32 $0x40;
	[sflag:s25] =	ssyncadd.s32 $0xFFFFF800  }
0x146: {  	v1 =	vld [tilespmem:s24+$0x30]  }
0x147: {  	v2 =	vld [tilespmem:s24+$0xFFFFFFD0]  }
0x148: {  	v3 =	vld [tilespmem:s24+$0xFFFFFFE0]  }
0x149: {  	v4 =	vld [tilespmem:s24+$0xFFFFFFF0]  }
0x14a: {  	s30 =	simm.s32 $0x1100;
	v5 =	vld [tilespmem:s24+$0x0]  }
0x14b: {  	v6 =	vld [tilespmem:s30+$0xFFFFFF70]  }
0x14c: {  	v7 =	vld [tilespmem:s24+$0x10]  }
0x14d: {  	v9 =	vld [tilespmem:s24+$0xFFFFFFC0]  }
0x14e: {  	v8 =	vld [tilespmem:s24+$0x20]  }
0x14f: {  	v10 =	vld [tilespmem:s30+$0xFFFFFF00]  }
0x150: {  	v12 =	vld [tilespmem:s30+$0xFFFFFF10]  }
0x151: {  	v13 =	vld [tilespmem:s30+$0xFFFFFF20];
	v0 =	vshll.u32 v1, $0x2  }
0x152: {  	v14 =	vld [tilespmem:s30+$0xFFFFFF30];
	v15 =	vshll.u32 v9, $0x2  }
0x153: {  	v16 =	vld [tilespmem:s30+$0xFFFFFF40];
	v17 =	vshll.u32 v2, $0x2  }
0x154: {  	v18 =	vld [tilespmem:s30+$0xFFFFFF50];
	v19 =	vshll.u32 v3, $0x2  }
0x155: {  	v20 =	vld [tilespmem:s30+$0xFFFFFF60];
	v21 =	vshll.u32 v4, $0x2  }
0x156: {  	v38 =	vshll.u32 v5, $0x2;
	[tilespmem:v0+s22+$0x0] =	vst.idx.add.f32.msk $0xffff, v6  }
0x157: {  	v39 =	vshll.u32 v7, $0x2;
	[tilespmem:v15+s22+$0x0] =	vst.idx.add.f32.msk $0xffff, v10  }
0x158: {  	v40 =	vshll.u32 v8, $0x2;
	[tilespmem:v17+s22+$0x0] =	vst.idx.add.f32.msk $0xffff, v12  }
0x159: {  	[tilespmem:v19+s22+$0x0] =	vst.idx.add.f32.msk $0xffff, v13  }
0x15a: {  	[tilespmem:v21+s22+$0x0] =	vst.idx.add.f32.msk $0xffff, v14  }
0x15b: {  	[tilespmem:v38+s22+$0x0] =	vst.idx.add.f32.msk $0xffff, v16  }
0x15c: {  	[tilespmem:v39+s22+$0x0] =	vst.idx.add.f32.msk $0xffff, v18  }
0x15d: {  	[tilespmem:v40+s22+$0x0] =	vst.idx.add.f32.msk $0xffff, v20  }
0x15e: {  	v6 =	vld [tilespmem:s30+$0xFFFFFFF0]  }
0x15f: {  	v41 =	vld [tilespmem:s30+$0xFFFFFF80]  }
0x160: {  	v42 =	vld [tilespmem:s30+$0xFFFFFF90]  }
0x161: {  	v11 =	vor.u32 $0x1, v0;
	v43 =	vld [tilespmem:s30+$0xFFFFFFA0]  }
0x162: {  	v44 =	vor.u32 $0x1, v15;
	v45 =	vld [tilespmem:s30+$0xFFFFFFB0]  }
0x163: {  	v46 =	vor.u32 $0x1, v19;
	v22 =	vld [tilespmem:s30+$0xFFFFFFC0]  }
0x164: {  	v23 =	vor.u32 $0x1, v21;
	v24 =	vld [tilespmem:s30+$0xFFFFFFD0]  }
0x165: {  	v25 =	vor.u32 $0x1, v38;
	v26 =	vld [tilespmem:s30+$0xFFFFFFE0]  }
0x166: {  	v27 =	vor.u32 $0x1, v39;
	[tilespmem:v11+s22+$0x0] =	vst.idx.add.f32.msk $0xffff, v6  }
0x167: {  	v47 =	vor.u32 $0x1, v40;
	[tilespmem:v44+s22+$0x0] =	vst.idx.add.f32.msk $0xffff, v41  }
0x168: {  	[tilespmem:v46+s22+$0x0] =	vst.idx.add.f32.msk $0xffff, v43  }
0x169: {  	[tilespmem:v23+s22+$0x0] =	vst.idx.add.f32.msk $0xffff, v45  }
0x16a: {  	[tilespmem:v25+s22+$0x0] =	vst.idx.add.f32.msk $0xffff, v22  }
0x16b: {  	[tilespmem:v27+s22+$0x0] =	vst.idx.add.f32.msk $0xffff, v24  }
0x16c: {  	[tilespmem:v47+s22+$0x0] =	vst.idx.add.f32.msk $0xffff, v26  }
0x16d: {  	v6 =	vld [tilespmem:s30+$0x70]  }
0x16e: {  	v37 =	vor.u32 $0x2, v0;
	v50 =	vld [tilespmem:s30+$0x20]  }
0x16f: {  	v52 =	vor.u32 $0x2, v19;
	v18 =	vld [tilespmem:s30+$0x30]  }
0x170: {  	v22 =	vld [tilespmem:s30+$0x40]  }
0x171: {  	v53 =	vor.u32 $0x2, v21;
	v24 =	vld [tilespmem:s30+$0x50]  }
0x172: {  	v54 =	vor.u32 $0x2, v38;
	v26 =	vld [tilespmem:s30+$0x60]  }
0x173: {  	v55 =	vor.u32 $0x2, v39;
	[tilespmem:v37+s22+$0x0] =	vst.idx.add.f32.msk $0xffff, v6  }
0x174: {  	[tilespmem:v52+s22+$0x0] =	vst.idx.add.f32.msk $0xffff, v50  }
0x175: {  	v0 =	vor.u32 $0x3, v0;
	v6 =	vld [tilespmem:s30+$0xF0]  }
0x176: {  	[tilespmem:v53+s22+$0x0] =	vst.idx.add.f32.msk $0xffff, v18  }
0x177: {  	[tilespmem:v54+s22+$0x0] =	vst.idx.add.f32.msk $0xffff, v22  }
0x178: {  	[tilespmem:v55+s22+$0x0] =	vst.idx.add.f32.msk $0xffff, v24  }
0x179: {  	v14 =	vld [tilespmem:s30+$0xA0]  }
0x17a: {  	s31 =	simm.s32 $0x5040;
	v59 =	vor.u32 $0x3, v19;
	[tilespmem:v0+s22+$0x0] =	vst.idx.add.f32.msk $0xffff, v6  }
0x17b: {  	v6 =	vld @p0 [tilespmem:s31+$0x30]  }
0x17c: {  	v58 =	vld [tilespmem:s30+$0xB0]  }
0x17d: {  	v61 =	vor.u32 $0x3, v21;
	v60 =	vld [tilespmem:s30+$0xC0]  }
0x17e: {  	v10 =	vor.u32 $0x3, v38;
	v62 =	vld [tilespmem:s30+$0xD0]  }
0x17f: {  	s0 =	simm.s32 @p0 $0x16000;
	v12 =	vor.u32 $0x3, v39;
	[tilespmem:v59+s22+$0x0] =	vst.idx.add.f32.msk $0xffff, v14  }
0x180: {  	s2 =	simm.s32 @!p1 $0x16000;
	v0 =	vimm.f32 @!p1 $1.000000000e+00;
	[tilespmem:v1+s0+$0x0] =	vst.idx.add.f32.msk @p0 $0xffff, v6  }
0x181: {  	[tilespmem:v1+s2+$0x0] =	vst.idx.add.f32.msk @!p1 $0xffff, v0;
	v1 =	vor.u32 $0x1, v17  }
0x182: {  	[tilespmem:v61+s22+$0x0] =	vst.idx.add.f32.msk $0xffff, v58  }
0x183: {  	[tilespmem:v10+s22+$0x0] =	vst.idx.add.f32.msk $0xffff, v60  }
0x184: {  	[tilespmem:v12+s22+$0x0] =	vst.idx.add.f32.msk $0xffff, v62  }
0x185: {  	v10 =	vld @p0 [tilespmem:s31+$0xFFFFFFE0]  }
0x186: {  	[tilespmem:v1+s22+$0x0] =	vst.idx.add.f32.msk $0xffff, v42  }
0x187: {  	v49 =	vor.u32 $0x2, v15;
	v1 =	vld [tilespmem:s30+$0x0]  }
0x188: {  	v11 =	vld @p0 [tilespmem:s31+$0xFFFFFFF0]  }
0x189: {  	v12 =	vld @p0 [tilespmem:s31+$0x0]  }
0x18a: {  	v13 =	vld @p0 [tilespmem:s31+$0x10]  }
0x18b: {  	[tilespmem:v3+s0+$0x0] =	vst.idx.add.f32.msk @p0 $0xffff, v10  }
0x18c: {  	[tilespmem:v49+s22+$0x0] =	vst.idx.add.f32.msk $0xffff, v1;
	v1 =	vor.u32 $0x2, v40  }
0x18d: {  	[tilespmem:v4+s0+$0x0] =	vst.idx.add.f32.msk @p0 $0xffff, v11  }
0x18e: {  	[tilespmem:v5+s0+$0x0] =	vst.idx.add.f32.msk @p0 $0xffff, v12  }
0x18f: {  	v51 =	vor.u32 $0x2, v17;
	v48 =	vld [tilespmem:s30+$0x10]  }
0x190: {  	[tilespmem:v7+s0+$0x0] =	vst.idx.add.f32.msk @p0 $0xffff, v13  }
0x191: {  	[tilespmem:v1+s22+$0x0] =	vst.idx.add.f32.msk $0xffff, v26  }
0x192: {  	v56 =	vor.u32 $0x3, v15;
	v1 =	vld [tilespmem:s30+$0x80]  }
0x193: {  	[tilespmem:v3+s2+$0x0] =	vst.idx.add.f32.msk @!p1 $0xffff, v0  }
0x194: {  	[tilespmem:v51+s22+$0x0] =	vst.idx.add.f32.msk $0xffff, v48  }
0x195: {  	v57 =	vor.u32 $0x3, v17;
	v6 =	vld [tilespmem:s30+$0x90]  }
0x196: {  	v63 =	vld [tilespmem:s30+$0xE0]  }
0x197: {  	[tilespmem:v56+s22+$0x0] =	vst.idx.add.f32.msk $0xffff, v1;
	v1 =	vor.u32 $0x3, v40  }
0x198: {  	[tilespmem:v4+s2+$0x0] =	vst.idx.add.f32.msk @!p1 $0xffff, v0  }
0x199: {  	[tilespmem:v5+s2+$0x0] =	vst.idx.add.f32.msk @!p1 $0xffff, v0  }
0x19a: {  	[tilespmem:v57+s22+$0x0] =	vst.idx.add.f32.msk $0xffff, v6  }
0x19b: {  	v6 =	vld @p0 [tilespmem:s31+$0xFFFFFFD0]  }
0x19c: {  	[tilespmem:v1+s22+$0x0] =	vst.idx.add.f32.msk $0xffff, v63  }
0x19d: {  	v1 =	vld @p0 [tilespmem:s31+$0xFFFFFFC0]  }
0x19e: {  	[tilespmem:v7+s2+$0x0] =	vst.idx.add.f32.msk @!p1 $0xffff, v0  }
0x19f: {  	v14 =	vld @p0 [tilespmem:s31+$0x20]  }
0x1a0: {  	[tilespmem:v2+s0+$0x0] =	vst.idx.add.f32.msk @p0 $0xffff, v6  }
0x1a1: {  	[tilespmem:v2+s2+$0x0] =	vst.idx.add.f32.msk @!p1 $0xffff, v0  }
0x1a2: {  	[tilespmem:v9+s0+$0x0] =	vst.idx.add.f32.msk @p0 $0xffff, v1  }
0x1a3: {  	[tilespmem:v9+s2+$0x0] =	vst.idx.add.f32.msk @!p1 $0xffff, v0  }
0x1a4: {  	[tilespmem:v8+s0+$0x0] =	vst.idx.add.f32.msk @p0 $0xffff, v14  }
0x1a5: {  	s6 =	simm.s32 $0xC0;
	s24 =	simm.s32 $0x0;
	[tilespmem:v8+s2+$0x0] =	vst.idx.add.f32.msk @!p1 $0xffff, v0  }
.LBB2_3:
0x1a6: {  	v10 =	vld [tilespmem:s6+$0x30]  }
0x1a7: {  	s24 =	sadd.s32 $0x8, s24;
	v5 =	vld [tilespmem:s6+$0xFFFFFFD0]  }
0x1a8: {  	p2 =	slt.u32 s24, $0x78;
	v3 =	vld [tilespmem:s6+$0xFFFFFFE0]  }
0x1a9: {  	v2 =	vld [tilespmem:s6+$0xFFFFFFF0]  }
0x1aa: {  	s30 =	sadd.s32 $0x200, s30;
	v1 =	vld [tilespmem:s6+$0x0]  }
0x1ab: {  	v11 =	vshll.u32 v10, $0x2;
	v9 =	vld [tilespmem:s30+$0xFFFFFF70]  }
0x1ac: {  	v12 =	vshll.u32 v5, $0x2;
	v4 =	vld [tilespmem:s6+$0x10]  }
0x1ad: {  	v13 =	vor.u32 $0x1, v12;
	v14 =	vor.u32 $0x2, v12;
	v15 =	vshll.u32 v3, $0x2;
	v6 =	vld [tilespmem:s6+$0x20]  }
0x1ae: {  	v7 =	vld [tilespmem:s6+$0xFFFFFFC0];
	v16 =	vor.u32 $0x1, v15;
	v17 =	vor.u32 $0x2, v15;
	v18 =	vshll.u32 v2, $0x2  }
0x1af: {  	v19 =	vld [tilespmem:s30+$0xFFFFFF00];
	v20 =	vor.u32 $0x1, v18;
	v21 =	vor.u32 $0x2, v18;
	v22 =	vshll.u32 v1, $0x2  }
0x1b0: {  	v8 =	vor.u32 $0x3, v12;
	v23 =	vor.u32 $0x1, v22;
	v24 =	vor.u32 $0x2, v22;
	[tilespmem:v11+s22+$0x0] =	vst.idx.add.f32.msk $0xffff, v9  }
0x1b1: {  	v27 =	vor.u32 $0x1, v11;
	v9 =	vor.u32 $0x3, v15;
	v25 =	vshll.u32 v4, $0x2;
	v26 =	vld [tilespmem:s30+$0xFFFFFFF0]  }
0x1b2: {  	v28 =	vld [tilespmem:s30+$0xFFFFFF10];
	v29 =	vor.u32 $0x1, v25;
	v30 =	vor.u32 $0x2, v25;
	v31 =	vshll.u32 v6, $0x2  }
0x1b3: {  	v32 =	vshll.u32 v7, $0x2;
	v33 =	vld [tilespmem:s30+$0xFFFFFF20];
	v34 =	vor.u32 $0x1, v31;
	v35 =	vor.u32 $0x2, v31  }
0x1b4: {  	v36 =	vor.u32 $0x1, v32;
	v37 =	vor.u32 $0x2, v32;
	v38 =	vor.u32 $0x3, v32;
	v39 =	vld [tilespmem:s30+$0xFFFFFF30]  }
0x1b5: {  	v40 =	vor.u32 $0x3, v18;
	v42 =	vor.u32 $0x3, v22;
	v43 =	vor.u32 $0x3, v25;
	v41 =	vld [tilespmem:s30+$0xFFFFFF40]  }
0x1b6: {  	v44 =	vor.u32 $0x3, v31;
	[tilespmem:v27+s22+$0x0] =	vst.idx.add.f32.msk $0xffff, v26  }
0x1b7: {  	v27 =	vor.u32 $0x2, v11;
	v26 =	vld [tilespmem:s30+$0x70]  }
0x1b8: {  	v45 =	vld [tilespmem:s30+$0xFFFFFF50]  }
0x1b9: {  	v46 =	vld [tilespmem:s30+$0xFFFFFF60]  }
0x1ba: {  	[tilespmem:v32+s22+$0x0] =	vst.idx.add.f32.msk $0xffff, v19  }
0x1bb: {  	[tilespmem:v12+s22+$0x0] =	vst.idx.add.f32.msk $0xffff, v28  }
0x1bc: {  	[tilespmem:v27+s22+$0x0] =	vst.idx.add.f32.msk $0xffff, v26  }
0x1bd: {  	v11 =	vor.u32 $0x3, v11;
	v12 =	vld [tilespmem:s30+$0xF0]  }
0x1be: {  	[tilespmem:v15+s22+$0x0] =	vst.idx.add.f32.msk $0xffff, v33  }
0x1bf: {  	[tilespmem:v18+s22+$0x0] =	vst.idx.add.f32.msk $0xffff, v39  }
0x1c0: {  	[tilespmem:v22+s22+$0x0] =	vst.idx.add.f32.msk $0xffff, v41  }
0x1c1: {  	[tilespmem:v25+s22+$0x0] =	vst.idx.add.f32.msk $0xffff, v45  }
0x1c2: {  	s31 =	sadd.s32 $0x80, s31;
	[tilespmem:v11+s22+$0x0] =	vst.idx.add.f32.msk $0xffff, v12  }
0x1c3: {  	v11 =	vld @p0 [tilespmem:s31+$0x30]  }
0x1c4: {  	[tilespmem:v31+s22+$0x0] =	vst.idx.add.f32.msk $0xffff, v46  }
0x1c5: {  	v12 =	vld [tilespmem:s30+$0xFFFFFF80]  }
0x1c6: {  	v15 =	vld [tilespmem:s30+$0xFFFFFF90]  }
0x1c7: {  	v18 =	vld [tilespmem:s30+$0xFFFFFFA0]  }
0x1c8: {  	[tilespmem:v10+s0+$0x0] =	vst.idx.add.f32.msk @p0 $0xffff, v11  }
0x1c9: {  	[tilespmem:v10+s2+$0x0] =	vst.idx.add.f32.msk @!p1 $0xffff, v0  }
0x1ca: {  	v10 =	vld [tilespmem:s30+$0xFFFFFFB0]  }
0x1cb: {  	v11 =	vld [tilespmem:s30+$0xFFFFFFC0]  }
0x1cc: {  	v19 =	vld [tilespmem:s30+$0xFFFFFFD0]  }
0x1cd: {  	v22 =	vld [tilespmem:s30+$0xFFFFFFE0]  }
0x1ce: {  	[tilespmem:v36+s22+$0x0] =	vst.idx.add.f32.msk $0xffff, v12  }
0x1cf: {  	[tilespmem:v13+s22+$0x0] =	vst.idx.add.f32.msk $0xffff, v15  }
0x1d0: {  	[tilespmem:v16+s22+$0x0] =	vst.idx.add.f32.msk $0xffff, v18  }
0x1d1: {  	[tilespmem:v20+s22+$0x0] =	vst.idx.add.f32.msk $0xffff, v10  }
0x1d2: {  	[tilespmem:v23+s22+$0x0] =	vst.idx.add.f32.msk $0xffff, v11  }
0x1d3: {  	[tilespmem:v29+s22+$0x0] =	vst.idx.add.f32.msk $0xffff, v19  }
0x1d4: {  	[tilespmem:v34+s22+$0x0] =	vst.idx.add.f32.msk $0xffff, v22  }
0x1d5: {  	v10 =	vld [tilespmem:s30+$0x0]  }
0x1d6: {  	v11 =	vld [tilespmem:s30+$0x10]  }
0x1d7: {  	v12 =	vld [tilespmem:s30+$0x20]  }
0x1d8: {  	v13 =	vld [tilespmem:s30+$0x30]  }
0x1d9: {  	v15 =	vld [tilespmem:s30+$0x40]  }
0x1da: {  	v16 =	vld [tilespmem:s30+$0x50]  }
0x1db: {  	v18 =	vld [tilespmem:s30+$0x60]  }
0x1dc: {  	[tilespmem:v37+s22+$0x0] =	vst.idx.add.f32.msk $0xffff, v10  }
0x1dd: {  	[tilespmem:v14+s22+$0x0] =	vst.idx.add.f32.msk $0xffff, v11  }
0x1de: {  	[tilespmem:v17+s22+$0x0] =	vst.idx.add.f32.msk $0xffff, v12  }
0x1df: {  	[tilespmem:v21+s22+$0x0] =	vst.idx.add.f32.msk $0xffff, v13  }
0x1e0: {  	[tilespmem:v24+s22+$0x0] =	vst.idx.add.f32.msk $0xffff, v15  }
0x1e1: {  	[tilespmem:v30+s22+$0x0] =	vst.idx.add.f32.msk $0xffff, v16  }
0x1e2: {  	[tilespmem:v35+s22+$0x0] =	vst.idx.add.f32.msk $0xffff, v18  }
0x1e3: {  	v10 =	vld [tilespmem:s30+$0x80]  }
0x1e4: {  	v11 =	vld [tilespmem:s30+$0x90]  }
0x1e5: {  	v12 =	vld [tilespmem:s30+$0xA0]  }
0x1e6: {  	v13 =	vld [tilespmem:s30+$0xB0]  }
0x1e7: {  	v14 =	vld [tilespmem:s30+$0xC0]  }
0x1e8: {  	v15 =	vld [tilespmem:s30+$0xD0]  }
0x1e9: {  	v16 =	vld [tilespmem:s30+$0xE0]  }
0x1ea: {  	[tilespmem:v38+s22+$0x0] =	vst.idx.add.f32.msk $0xffff, v10  }
0x1eb: {  	[tilespmem:v8+s22+$0x0] =	vst.idx.add.f32.msk $0xffff, v11  }
0x1ec: {  	[tilespmem:v9+s22+$0x0] =	vst.idx.add.f32.msk $0xffff, v12  }
0x1ed: {  	[tilespmem:v40+s22+$0x0] =	vst.idx.add.f32.msk $0xffff, v13  }
0x1ee: {  	[tilespmem:v42+s22+$0x0] =	vst.idx.add.f32.msk $0xffff, v14  }
0x1ef: {  	[tilespmem:v43+s22+$0x0] =	vst.idx.add.f32.msk $0xffff, v15  }
0x1f0: {  	[tilespmem:v44+s22+$0x0] =	vst.idx.add.f32.msk $0xffff, v16  }
0x1f1: {  	v8 =	vld @p0 [tilespmem:s31+$0xFFFFFFC0]  }
0x1f2: {  	v9 =	vld @p0 [tilespmem:s31+$0xFFFFFFD0]  }
0x1f3: {  	v10 =	vld @p0 [tilespmem:s31+$0xFFFFFFE0]  }
0x1f4: {  	v11 =	vld @p0 [tilespmem:s31+$0xFFFFFFF0]  }
0x1f5: {  	v12 =	vld @p0 [tilespmem:s31+$0x0]  }
0x1f6: {  	v13 =	vld @p0 [tilespmem:s31+$0x10]  }
0x1f7: {  	v14 =	vld @p0 [tilespmem:s31+$0x20]  }
0x1f8: {  	[tilespmem:v7+s0+$0x0] =	vst.idx.add.f32.msk @p0 $0xffff, v8  }
0x1f9: {  	[tilespmem:v7+s2+$0x0] =	vst.idx.add.f32.msk @!p1 $0xffff, v0  }
0x1fa: {  	[tilespmem:v5+s0+$0x0] =	vst.idx.add.f32.msk @p0 $0xffff, v9  }
0x1fb: {  	[tilespmem:v5+s2+$0x0] =	vst.idx.add.f32.msk @!p1 $0xffff, v0  }
0x1fc: {  	[tilespmem:v3+s0+$0x0] =	vst.idx.add.f32.msk @p0 $0xffff, v10  }
0x1fd: {  	[tilespmem:v3+s2+$0x0] =	vst.idx.add.f32.msk @!p1 $0xffff, v0  }
0x1fe: {  	[tilespmem:v2+s0+$0x0] =	vst.idx.add.f32.msk @p0 $0xffff, v11  }
0x1ff: {  	[tilespmem:v2+s2+$0x0] =	vst.idx.add.f32.msk @!p1 $0xffff, v0  }
0x200: {  	[tilespmem:v1+s0+$0x0] =	vst.idx.add.f32.msk @p0 $0xffff, v12  }
.Ltmp0:
0x201: {  	[tilespmem:v1+s2+$0x0] =	vst.idx.add.f32.msk @!p1 $0xffff, v0;
	(pc) =	sbr.rel @p2 .LBB2_3-.Ltmp0, $4  }
0x202: {  	[tilespmem:v4+s0+$0x0] =	vst.idx.add.f32.msk @p0 $0xffff, v13  }
0x203: {  	[tilespmem:v4+s2+$0x0] =	vst.idx.add.f32.msk @!p1 $0xffff, v0  }
0x204: {  	[tilespmem:v6+s0+$0x0] =	vst.idx.add.f32.msk @p0 $0xffff, v14  }
0x205: {  	s6 =	sadd.s32 $0x80, s6;
	[tilespmem:v6+s2+$0x0] =	vst.idx.add.f32.msk @!p1 $0xffff, v0  }
0x206: {  	p2 =	seq.s32 s28, $0x3F  }
.Ltmp1:
0x207: {  	_ = 	snop;
	(pc) =	sbr.rel @p2 .LBB2_6-.Ltmp1, $1  }
0x208: {  	_ =	sdelay $0x3  }
0x209: {  	s0 =	sadd.s32 $0x1000, s29  }
0x20a: {  	s2 =	sshrl.u32 s0, $0x3  }
0x20b: {  	s30 =	sor.u32 s8, s0;
	s2 =	sadd.s32 s1, s2  }
0x20c: {  	[tilespmem:s3], [sflag:$0x1] =	stream.linear.gather [hbm4b:s2+s3], $0x800, $0x38;
	[tilespmem:$0x1A000] =	vst v63  }
0x20d: {  	s2 =	sshrl.u32 s30, $0x3  }
0x20e: {  	s6 =	simm.s32 $0x1000;
	s2 =	sadd.s32 s4, s2  }
0x20f: {  	[tilespmem:s6], [sflag:$0x1] =	stream.linear.gather [hbm4b:s2+s3], $0x80, $0x38;
	[tilespmem:$0x1A000] =	vst v63  }
0x210: {  	s24 =	simm.s32 $0x1200;
	s31 =	sadd.s32 $0x10, s2  }
0x211: {  	[tilespmem:s24], [sflag:$0x1] =	stream.linear.gather [hbm4b:s31+s3], $0x80, $0x38;
	[tilespmem:$0x1A000] =	vst v63  }
0x212: {  	s29 =	simm.s32 $0x1400;
	s24 =	sadd.s32 $0x20, s2  }
0x213: {  	[tilespmem:s29], [sflag:$0x1] =	stream.linear.gather [hbm4b:s24+s3], $0x80, $0x38;
	[tilespmem:$0x1A000] =	vst v63  }
0x214: {  	s30 =	sadd.s32 $0x30, s2;
	s31 =	simm.s32 $0x1600  }
0x215: {  	[tilespmem:s31], [sflag:$0x1] =	stream.linear.gather [hbm4b:s30+s3], $0x80, $0x38;
	[tilespmem:$0x1A000] =	vst v63  }
0x216: {  	s24 =	sadd.s32 $0x40, s2;
	s29 =	simm.s32 $0x1800  }
0x217: {  	[tilespmem:s29], [sflag:$0x1] =	stream.linear.gather [hbm4b:s24+s3], $0x80, $0x38;
	[tilespmem:$0x1A000] =	vst v63  }
0x218: {  	s30 =	sadd.s32 $0x50, s2;
	s31 =	simm.s32 $0x1A00  }
0x219: {  	[tilespmem:s31], [sflag:$0x1] =	stream.linear.gather [hbm4b:s30+s3], $0x80, $0x38;
	[tilespmem:$0x1A000] =	vst v63  }
0x21a: {  	s24 =	sadd.s32 $0x60, s2;
	s29 =	simm.s32 $0x1C00  }
0x21b: {  	[tilespmem:s29], [sflag:$0x1] =	stream.linear.gather [hbm4b:s24+s3], $0x80, $0x38;
	[tilespmem:$0x1A000] =	vst v63  }
0x21c: {  	s30 =	sadd.s32 $0x70, s2;
	s31 =	simm.s32 $0x1E00  }
0x21d: {  	[tilespmem:s31], [sflag:$0x1] =	stream.linear.gather [hbm4b:s30+s3], $0x80, $0x38;
	[tilespmem:$0x1A000] =	vst v63  }
0x21e: {  	s24 =	sadd.s32 $0x80, s2;
	s29 =	simm.s32 $0x2000  }
0x21f: {  	[tilespmem:s29], [sflag:$0x1] =	stream.linear.gather [hbm4b:s24+s3], $0x80, $0x38;
	[tilespmem:$0x1A000] =	vst v63  }
0x220: {  	s30 =	sadd.s32 $0x90, s2;
	s31 =	simm.s32 $0x2200  }
0x221: {  	[tilespmem:s31], [sflag:$0x1] =	stream.linear.gather [hbm4b:s30+s3], $0x80, $0x38;
	[tilespmem:$0x1A000] =	vst v63  }
0x222: {  	s24 =	sadd.s32 $0xA0, s2;
	s29 =	simm.s32 $0x2400  }
0x223: {  	[tilespmem:s29], [sflag:$0x1] =	stream.linear.gather [hbm4b:s24+s3], $0x80, $0x38;
	[tilespmem:$0x1A000] =	vst v63  }
0x224: {  	s30 =	sadd.s32 $0xB0, s2;
	s31 =	simm.s32 $0x2600  }
0x225: {  	[tilespmem:s31], [sflag:$0x1] =	stream.linear.gather [hbm4b:s30+s3], $0x80, $0x38;
	[tilespmem:$0x1A000] =	vst v63  }
0x226: {  	s24 =	sadd.s32 $0xC0, s2;
	s29 =	simm.s32 $0x2800  }
0x227: {  	[tilespmem:s29], [sflag:$0x1] =	stream.linear.gather [hbm4b:s24+s3], $0x80, $0x38;
	[tilespmem:$0x1A000] =	vst v63  }
0x228: {  	s30 =	sadd.s32 $0xD0, s2;
	s31 =	simm.s32 $0x2A00  }
0x229: {  	[tilespmem:s31], [sflag:$0x1] =	stream.linear.gather [hbm4b:s30+s3], $0x80, $0x38;
	[tilespmem:$0x1A000] =	vst v63  }
0x22a: {  	s29 =	sadd.s32 $0xE0, s2;
	s30 =	simm.s32 $0x2C00  }
0x22b: {  	[tilespmem:s30], [sflag:$0x1] =	stream.linear.gather [hbm4b:s29+s3], $0x80, $0x38;
	[tilespmem:$0x1A000] =	vst v63  }
0x22c: {  	s2 =	sadd.s32 $0xF0, s2;
	s24 =	sadd.s32 s10, s0;
	s31 =	simm.s32 $0x2E00  }
0x22d: {  	[tilespmem:s31], [sflag:$0x1] =	stream.linear.gather [hbm4b:s2+s3], $0x80, $0x38;
	[tilespmem:$0x1A000] =	vst v63  }
0x22e: {  	s2 =	sshrl.u32 s24, $0x3  }
0x22f: {  	s29 =	simm.s32 $0x1080;
	s2 =	sadd.s32 s4, s2  }
0x230: {  	[tilespmem:s29], [sflag:$0x1] =	stream.linear.gather [hbm4b:s2+s3], $0x80, $0x38;
	[tilespmem:$0x1A000] =	vst v63  }
0x231: {  	s31 =	simm.s32 $0x1280;
	s30 =	sadd.s32 $0x10, s2  }
0x232: {  	[tilespmem:s31], [sflag:$0x1] =	stream.linear.gather [hbm4b:s30+s3], $0x80, $0x38;
	[tilespmem:$0x1A000] =	vst v63  }
0x233: {  	s24 =	sadd.s32 $0x20, s2;
	s29 =	simm.s32 $0x1480  }
0x234: {  	[tilespmem:s29], [sflag:$0x1] =	stream.linear.gather [hbm4b:s24+s3], $0x80, $0x38;
	[tilespmem:$0x1A000] =	vst v63  }
0x235: {  	s30 =	sadd.s32 $0x30, s2;
	s31 =	simm.s32 $0x1680  }
0x236: {  	[tilespmem:s31], [sflag:$0x1] =	stream.linear.gather [hbm4b:s30+s3], $0x80, $0x38;
	[tilespmem:$0x1A000] =	vst v63  }
0x237: {  	s24 =	sadd.s32 $0x40, s2;
	s29 =	simm.s32 $0x1880  }
0x238: {  	[tilespmem:s29], [sflag:$0x1] =	stream.linear.gather [hbm4b:s24+s3], $0x80, $0x38;
	[tilespmem:$0x1A000] =	vst v63  }
0x239: {  	s30 =	sadd.s32 $0x50, s2;
	s31 =	simm.s32 $0x1A80  }
0x23a: {  	[tilespmem:s31], [sflag:$0x1] =	stream.linear.gather [hbm4b:s30+s3], $0x80, $0x38;
	[tilespmem:$0x1A000] =	vst v63  }
0x23b: {  	s24 =	sadd.s32 $0x60, s2;
	s29 =	simm.s32 $0x1C80  }
0x23c: {  	[tilespmem:s29], [sflag:$0x1] =	stream.linear.gather [hbm4b:s24+s3], $0x80, $0x38;
	[tilespmem:$0x1A000] =	vst v63  }
0x23d: {  	s30 =	sadd.s32 $0x70, s2;
	s31 =	simm.s32 $0x1E80  }
0x23e: {  	[tilespmem:s31], [sflag:$0x1] =	stream.linear.gather [hbm4b:s30+s3], $0x80, $0x38;
	[tilespmem:$0x1A000] =	vst v63  }
0x23f: {  	s24 =	sadd.s32 $0x80, s2;
	s29 =	simm.s32 $0x2080  }
0x240: {  	[tilespmem:s29], [sflag:$0x1] =	stream.linear.gather [hbm4b:s24+s3], $0x80, $0x38;
	[tilespmem:$0x1A000] =	vst v63  }
0x241: {  	s30 =	sadd.s32 $0x90, s2;
	s31 =	simm.s32 $0x2280  }
0x242: {  	[tilespmem:s31], [sflag:$0x1] =	stream.linear.gather [hbm4b:s30+s3], $0x80, $0x38;
	[tilespmem:$0x1A000] =	vst v63  }
0x243: {  	s24 =	sadd.s32 $0xA0, s2;
	s29 =	simm.s32 $0x2480  }
0x244: {  	[tilespmem:s29], [sflag:$0x1] =	stream.linear.gather [hbm4b:s24+s3], $0x80, $0x38;
	[tilespmem:$0x1A000] =	vst v63  }
0x245: {  	s30 =	sadd.s32 $0xB0, s2;
	s31 =	simm.s32 $0x2680  }
0x246: {  	[tilespmem:s31], [sflag:$0x1] =	stream.linear.gather [hbm4b:s30+s3], $0x80, $0x38;
	[tilespmem:$0x1A000] =	vst v63  }
0x247: {  	s24 =	sadd.s32 $0xC0, s2;
	s29 =	simm.s32 $0x2880  }
0x248: {  	[tilespmem:s29], [sflag:$0x1] =	stream.linear.gather [hbm4b:s24+s3], $0x80, $0x38;
	[tilespmem:$0x1A000] =	vst v63  }
0x249: {  	s30 =	sadd.s32 $0xD0, s2;
	s31 =	simm.s32 $0x2A80  }
0x24a: {  	[tilespmem:s31], [sflag:$0x1] =	stream.linear.gather [hbm4b:s30+s3], $0x80, $0x38;
	[tilespmem:$0x1A000] =	vst v63  }
0x24b: {  	s29 =	sadd.s32 $0xE0, s2;
	s30 =	simm.s32 $0x2C80  }
0x24c: {  	[tilespmem:s30], [sflag:$0x1] =	stream.linear.gather [hbm4b:s29+s3], $0x80, $0x38;
	[tilespmem:$0x1A000] =	vst v63  }
0x24d: {  	s2 =	sadd.s32 $0xF0, s2;
	s24 =	sor.u32 s12, s0;
	s31 =	simm.s32 $0x2E80  }
0x24e: {  	[tilespmem:s31], [sflag:$0x1] =	stream.linear.gather [hbm4b:s2+s3], $0x80, $0x38;
	[tilespmem:$0x1A000] =	vst v63  }
0x24f: {  	s2 =	sshrl.u32 s24, $0x3  }
0x250: {  	s29 =	simm.s32 $0x1100;
	s2 =	sadd.s32 s4, s2  }
0x251: {  	[tilespmem:s29], [sflag:$0x1] =	stream.linear.gather [hbm4b:s2+s3], $0x80, $0x38;
	[tilespmem:$0x1A000] =	vst v63  }
0x252: {  	s31 =	simm.s32 $0x1300;
	s30 =	sadd.s32 $0x10, s2  }
0x253: {  	[tilespmem:s31], [sflag:$0x1] =	stream.linear.gather [hbm4b:s30+s3], $0x80, $0x38;
	[tilespmem:$0x1A000] =	vst v63  }
0x254: {  	s24 =	sadd.s32 $0x20, s2;
	s29 =	simm.s32 $0x1500  }
0x255: {  	[tilespmem:s29], [sflag:$0x1] =	stream.linear.gather [hbm4b:s24+s3], $0x80, $0x38;
	[tilespmem:$0x1A000] =	vst v63  }
0x256: {  	s30 =	sadd.s32 $0x30, s2;
	s31 =	simm.s32 $0x1700  }
0x257: {  	[tilespmem:s31], [sflag:$0x1] =	stream.linear.gather [hbm4b:s30+s3], $0x80, $0x38;
	[tilespmem:$0x1A000] =	vst v63  }
0x258: {  	s24 =	sadd.s32 $0x40, s2;
	s29 =	simm.s32 $0x1900  }
0x259: {  	[tilespmem:s29], [sflag:$0x1] =	stream.linear.gather [hbm4b:s24+s3], $0x80, $0x38;
	[tilespmem:$0x1A000] =	vst v63  }
0x25a: {  	s30 =	sadd.s32 $0x50, s2;
	s31 =	simm.s32 $0x1B00  }
0x25b: {  	[tilespmem:s31], [sflag:$0x1] =	stream.linear.gather [hbm4b:s30+s3], $0x80, $0x38;
	[tilespmem:$0x1A000] =	vst v63  }
0x25c: {  	s24 =	sadd.s32 $0x60, s2;
	s29 =	simm.s32 $0x1D00  }
0x25d: {  	[tilespmem:s29], [sflag:$0x1] =	stream.linear.gather [hbm4b:s24+s3], $0x80, $0x38;
	[tilespmem:$0x1A000] =	vst v63  }
0x25e: {  	s30 =	sadd.s32 $0x70, s2;
	s31 =	simm.s32 $0x1F00  }
0x25f: {  	[tilespmem:s31], [sflag:$0x1] =	stream.linear.gather [hbm4b:s30+s3], $0x80, $0x38;
	[tilespmem:$0x1A000] =	vst v63  }
0x260: {  	s24 =	sadd.s32 $0x80, s2;
	s29 =	simm.s32 $0x2100  }
0x261: {  	[tilespmem:s29], [sflag:$0x1] =	stream.linear.gather [hbm4b:s24+s3], $0x80, $0x38;
	[tilespmem:$0x1A000] =	vst v63  }
0x262: {  	s30 =	sadd.s32 $0x90, s2;
	s31 =	simm.s32 $0x2300  }
0x263: {  	[tilespmem:s31], [sflag:$0x1] =	stream.linear.gather [hbm4b:s30+s3], $0x80, $0x38;
	[tilespmem:$0x1A000] =	vst v63  }
0x264: {  	s24 =	sadd.s32 $0xA0, s2;
	s29 =	simm.s32 $0x2500  }
0x265: {  	[tilespmem:s29], [sflag:$0x1] =	stream.linear.gather [hbm4b:s24+s3], $0x80, $0x38;
	[tilespmem:$0x1A000] =	vst v63  }
0x266: {  	s30 =	sadd.s32 $0xB0, s2;
	s31 =	simm.s32 $0x2700  }
0x267: {  	[tilespmem:s31], [sflag:$0x1] =	stream.linear.gather [hbm4b:s30+s3], $0x80, $0x38;
	[tilespmem:$0x1A000] =	vst v63  }
0x268: {  	s24 =	sadd.s32 $0xC0, s2;
	s29 =	simm.s32 $0x2900  }
0x269: {  	[tilespmem:s29], [sflag:$0x1] =	stream.linear.gather [hbm4b:s24+s3], $0x80, $0x38;
	[tilespmem:$0x1A000] =	vst v63  }
0x26a: {  	s30 =	sadd.s32 $0xD0, s2;
	s31 =	simm.s32 $0x2B00  }
0x26b: {  	[tilespmem:s31], [sflag:$0x1] =	stream.linear.gather [hbm4b:s30+s3], $0x80, $0x38;
	[tilespmem:$0x1A000] =	vst v63  }
0x26c: {  	s29 =	sadd.s32 $0xE0, s2;
	s30 =	simm.s32 $0x2D00  }
0x26d: {  	[tilespmem:s30], [sflag:$0x1] =	stream.linear.gather [hbm4b:s29+s3], $0x80, $0x38;
	[tilespmem:$0x1A000] =	vst v63  }
0x26e: {  	s2 =	sadd.s32 $0xF0, s2;
	s24 =	sadd.s32 s14, s0;
	s31 =	simm.s32 $0x2F00  }
0x26f: {  	[tilespmem:s31], [sflag:$0x1] =	stream.linear.gather [hbm4b:s2+s3], $0x80, $0x38;
	[tilespmem:$0x1A000] =	vst v63  }
0x270: {  	s2 =	sshrl.u32 s24, $0x3  }
0x271: {  	s29 =	simm.s32 $0x1180;
	s2 =	sadd.s32 s4, s2  }
0x272: {  	[tilespmem:s29], [sflag:$0x1] =	stream.linear.gather [hbm4b:s2+s3], $0x80, $0x38;
	[tilespmem:$0x1A000] =	vst v63  }
0x273: {  	s31 =	simm.s32 $0x1380;
	s30 =	sadd.s32 $0x10, s2  }
0x274: {  	[tilespmem:s31], [sflag:$0x1] =	stream.linear.gather [hbm4b:s30+s3], $0x80, $0x38;
	[tilespmem:$0x1A000] =	vst v63  }
0x275: {  	s24 =	sadd.s32 $0x20, s2;
	s29 =	simm.s32 $0x1580  }
0x276: {  	[tilespmem:s29], [sflag:$0x1] =	stream.linear.gather [hbm4b:s24+s3], $0x80, $0x38;
	[tilespmem:$0x1A000] =	vst v63  }
0x277: {  	s30 =	sadd.s32 $0x30, s2;
	s31 =	simm.s32 $0x1780  }
0x278: {  	[tilespmem:s31], [sflag:$0x1] =	stream.linear.gather [hbm4b:s30+s3], $0x80, $0x38;
	[tilespmem:$0x1A000] =	vst v63  }
0x279: {  	s24 =	sadd.s32 $0x40, s2;
	s29 =	simm.s32 $0x1980  }
0x27a: {  	[tilespmem:s29], [sflag:$0x1] =	stream.linear.gather [hbm4b:s24+s3], $0x80, $0x38;
	[tilespmem:$0x1A000] =	vst v63  }
0x27b: {  	s30 =	sadd.s32 $0x50, s2;
	s31 =	simm.s32 $0x1B80  }
0x27c: {  	[tilespmem:s31], [sflag:$0x1] =	stream.linear.gather [hbm4b:s30+s3], $0x80, $0x38;
	[tilespmem:$0x1A000] =	vst v63  }
0x27d: {  	s24 =	sadd.s32 $0x60, s2;
	s29 =	simm.s32 $0x1D80  }
0x27e: {  	[tilespmem:s29], [sflag:$0x1] =	stream.linear.gather [hbm4b:s24+s3], $0x80, $0x38;
	[tilespmem:$0x1A000] =	vst v63  }
0x27f: {  	s30 =	sadd.s32 $0x70, s2;
	s31 =	simm.s32 $0x1F80  }
0x280: {  	[tilespmem:s31], [sflag:$0x1] =	stream.linear.gather [hbm4b:s30+s3], $0x80, $0x38;
	[tilespmem:$0x1A000] =	vst v63  }
0x281: {  	s24 =	sadd.s32 $0x80, s2;
	s29 =	simm.s32 $0x2180  }
0x282: {  	[tilespmem:s29], [sflag:$0x1] =	stream.linear.gather [hbm4b:s24+s3], $0x80, $0x38;
	[tilespmem:$0x1A000] =	vst v63  }
0x283: {  	s30 =	sadd.s32 $0x90, s2;
	s31 =	simm.s32 $0x2380  }
0x284: {  	[tilespmem:s31], [sflag:$0x1] =	stream.linear.gather [hbm4b:s30+s3], $0x80, $0x38;
	[tilespmem:$0x1A000] =	vst v63  }
0x285: {  	s24 =	sadd.s32 $0xA0, s2;
	s29 =	simm.s32 $0x2580  }
0x286: {  	[tilespmem:s29], [sflag:$0x1] =	stream.linear.gather [hbm4b:s24+s3], $0x80, $0x38;
	[tilespmem:$0x1A000] =	vst v63  }
0x287: {  	s30 =	sadd.s32 $0xB0, s2;
	s31 =	simm.s32 $0x2780  }
0x288: {  	[tilespmem:s31], [sflag:$0x1] =	stream.linear.gather [hbm4b:s30+s3], $0x80, $0x38;
	[tilespmem:$0x1A000] =	vst v63  }
0x289: {  	s24 =	sadd.s32 $0xC0, s2;
	s29 =	simm.s32 $0x2980  }
0x28a: {  	[tilespmem:s29], [sflag:$0x1] =	stream.linear.gather [hbm4b:s24+s3], $0x80, $0x38;
	[tilespmem:$0x1A000] =	vst v63  }
0x28b: {  	s30 =	sadd.s32 $0xD0, s2;
	s31 =	simm.s32 $0x2B80  }
0x28c: {  	[tilespmem:s31], [sflag:$0x1] =	stream.linear.gather [hbm4b:s30+s3], $0x80, $0x38;
	[tilespmem:$0x1A000] =	vst v63  }
0x28d: {  	s0 =	sadd.s32 s9, s0;
	s24 =	sadd.s32 $0xE0, s2;
	s29 =	simm.s32 $0x2D80  }
0x28e: {  	[tilespmem:s29], [sflag:$0x1] =	stream.linear.gather [hbm4b:s24+s3], $0x80, $0x38;
	[tilespmem:$0x1A000] =	vst v63  }
0x28f: {  	s0 =	sshrl.u32 s0, $0x3;
	s2 =	sadd.s32 $0xF0, s2;
	s30 =	simm.s32 $0x2F80  }
0x290: {  	[tilespmem:s30], [sflag:$0x1] =	stream.linear.gather [hbm4b:s2+s3], $0x80, $0x38;
	[tilespmem:$0x1A000] =	vst v63  }
0x291: {  	s0 =	sadd.s32 s5, s0;
	s31 =	simm.s32 $0x5000  }
0x292: {  	[tilespmem:s31], [sflag:$0x1] =	stream.linear.gather [hbm4b:s0+s3], $0x800, $0x38;
	[tilespmem:$0x1A000] =	vst v63  }
.LBB2_6:
0x293: {  	_ =	swait.ge [sflag:s26], $0x800  }
0x294: {  	[sflag:s26] =	ssyncset.done $0x0  }
0x295: {  	[sflag:s26] =	ssyncadd.s32 $0xFFFFF800  }
0x296: {  	_ =	swait.ge [sflag:s26], $0x800  }
0x297: {  	[sflag:s26] =	ssyncset.done $0x0  }
0x298: {  	[sflag:s26] =	ssyncadd.s32 $0xFFFFF800  }
0x299: {  	_ =	swait.ge [sflag:s26], $0x800  }
0x29a: {  	[sflag:s26] =	ssyncset.done $0x0  }
0x29b: {  	[sflag:s26] =	ssyncadd.s32 $0xFFFFF800  }
0x29c: {  	_ =	swait.ge [sflag:s26], $0x800  }
0x29d: {  	[sflag:s26] =	ssyncset.done $0x0  }
0x29e: {  	[sflag:s26] =	ssyncadd.s32 $0xFFFFF800  }
0x29f: {  	_ =	swait.ge [sflag:s26], $0x800  }
0x2a0: {  	[sflag:s26] =	ssyncset.done $0x0  }
0x2a1: {  	[sflag:s26] =	ssyncadd.s32 $0xFFFFF800  }
0x2a2: {  	_ =	swait.ge [sflag:s26], $0x800  }
0x2a3: {  	[sflag:s26] =	ssyncset.done $0x0  }
0x2a4: {  	s0 =	simm.s32 $0x840;
	[sflag:s26] =	ssyncadd.s32 $0xFFFFF800  }
0x2a5: {  	v1 =	vld [tilespmem:s0+$0x30]  }
0x2a6: {  	v2 =	vld [tilespmem:s0+$0xFFFFFFD0]  }
0x2a7: {  	v3 =	vld [tilespmem:s0+$0xFFFFFFE0]  }
0x2a8: {  	v4 =	vld [tilespmem:s0+$0xFFFFFFF0]  }
0x2a9: {  	s29 =	simm.s32 $0x3100;
	v5 =	vld [tilespmem:s0+$0x0]  }
0x2aa: {  	v6 =	vld [tilespmem:s29+$0xFFFFFF70]  }
0x2ab: {  	v7 =	vld [tilespmem:s0+$0x10]  }
0x2ac: {  	v9 =	vld [tilespmem:s0+$0xFFFFFFC0]  }
0x2ad: {  	v8 =	vld [tilespmem:s0+$0x20]  }
0x2ae: {  	v10 =	vld [tilespmem:s29+$0xFFFFFF00]  }
0x2af: {  	v12 =	vld [tilespmem:s29+$0xFFFFFF10]  }
0x2b0: {  	v13 =	vld [tilespmem:s29+$0xFFFFFF20];
	v0 =	vshll.u32 v1, $0x2  }
0x2b1: {  	v14 =	vld [tilespmem:s29+$0xFFFFFF30];
	v15 =	vshll.u32 v9, $0x2  }
0x2b2: {  	v16 =	vld [tilespmem:s29+$0xFFFFFF40];
	v17 =	vshll.u32 v2, $0x2  }
0x2b3: {  	v18 =	vld [tilespmem:s29+$0xFFFFFF50];
	v19 =	vshll.u32 v3, $0x2  }
0x2b4: {  	v20 =	vld [tilespmem:s29+$0xFFFFFF60];
	v21 =	vshll.u32 v4, $0x2  }
0x2b5: {  	v38 =	vshll.u32 v5, $0x2;
	[tilespmem:v0+s22+$0x0] =	vst.idx.add.f32.msk $0xffff, v6  }
0x2b6: {  	v39 =	vshll.u32 v7, $0x2;
	[tilespmem:v15+s22+$0x0] =	vst.idx.add.f32.msk $0xffff, v10  }
0x2b7: {  	v40 =	vshll.u32 v8, $0x2;
	[tilespmem:v17+s22+$0x0] =	vst.idx.add.f32.msk $0xffff, v12  }
0x2b8: {  	[tilespmem:v19+s22+$0x0] =	vst.idx.add.f32.msk $0xffff, v13  }
0x2b9: {  	[tilespmem:v21+s22+$0x0] =	vst.idx.add.f32.msk $0xffff, v14  }
0x2ba: {  	[tilespmem:v38+s22+$0x0] =	vst.idx.add.f32.msk $0xffff, v16  }
0x2bb: {  	[tilespmem:v39+s22+$0x0] =	vst.idx.add.f32.msk $0xffff, v18  }
0x2bc: {  	[tilespmem:v40+s22+$0x0] =	vst.idx.add.f32.msk $0xffff, v20  }
0x2bd: {  	v6 =	vld [tilespmem:s29+$0xFFFFFFF0]  }
0x2be: {  	v41 =	vld [tilespmem:s29+$0xFFFFFF80]  }
0x2bf: {  	v42 =	vld [tilespmem:s29+$0xFFFFFF90]  }
0x2c0: {  	v11 =	vor.u32 $0x1, v0;
	v43 =	vld [tilespmem:s29+$0xFFFFFFA0]  }
0x2c1: {  	v44 =	vor.u32 $0x1, v15;
	v45 =	vld [tilespmem:s29+$0xFFFFFFB0]  }
0x2c2: {  	v46 =	vor.u32 $0x1, v19;
	v22 =	vld [tilespmem:s29+$0xFFFFFFC0]  }
0x2c3: {  	v23 =	vor.u32 $0x1, v21;
	v24 =	vld [tilespmem:s29+$0xFFFFFFD0]  }
0x2c4: {  	v25 =	vor.u32 $0x1, v38;
	v26 =	vld [tilespmem:s29+$0xFFFFFFE0]  }
0x2c5: {  	v27 =	vor.u32 $0x1, v39;
	[tilespmem:v11+s22+$0x0] =	vst.idx.add.f32.msk $0xffff, v6  }
0x2c6: {  	v47 =	vor.u32 $0x1, v40;
	[tilespmem:v44+s22+$0x0] =	vst.idx.add.f32.msk $0xffff, v41  }
0x2c7: {  	[tilespmem:v46+s22+$0x0] =	vst.idx.add.f32.msk $0xffff, v43  }
0x2c8: {  	[tilespmem:v23+s22+$0x0] =	vst.idx.add.f32.msk $0xffff, v45  }
0x2c9: {  	[tilespmem:v25+s22+$0x0] =	vst.idx.add.f32.msk $0xffff, v22  }
0x2ca: {  	[tilespmem:v27+s22+$0x0] =	vst.idx.add.f32.msk $0xffff, v24  }
0x2cb: {  	[tilespmem:v47+s22+$0x0] =	vst.idx.add.f32.msk $0xffff, v26  }
0x2cc: {  	v6 =	vld [tilespmem:s29+$0x70]  }
0x2cd: {  	v37 =	vor.u32 $0x2, v0;
	v50 =	vld [tilespmem:s29+$0x20]  }
0x2ce: {  	v52 =	vor.u32 $0x2, v19;
	v18 =	vld [tilespmem:s29+$0x30]  }
0x2cf: {  	v22 =	vld [tilespmem:s29+$0x40]  }
0x2d0: {  	v53 =	vor.u32 $0x2, v21;
	v24 =	vld [tilespmem:s29+$0x50]  }
0x2d1: {  	v54 =	vor.u32 $0x2, v38;
	v26 =	vld [tilespmem:s29+$0x60]  }
0x2d2: {  	v55 =	vor.u32 $0x2, v39;
	[tilespmem:v37+s22+$0x0] =	vst.idx.add.f32.msk $0xffff, v6  }
0x2d3: {  	[tilespmem:v52+s22+$0x0] =	vst.idx.add.f32.msk $0xffff, v50  }
0x2d4: {  	v0 =	vor.u32 $0x3, v0;
	v6 =	vld [tilespmem:s29+$0xF0]  }
0x2d5: {  	[tilespmem:v53+s22+$0x0] =	vst.idx.add.f32.msk $0xffff, v18  }
0x2d6: {  	[tilespmem:v54+s22+$0x0] =	vst.idx.add.f32.msk $0xffff, v22  }
0x2d7: {  	[tilespmem:v55+s22+$0x0] =	vst.idx.add.f32.msk $0xffff, v24  }
0x2d8: {  	v14 =	vld [tilespmem:s29+$0xA0]  }
0x2d9: {  	s30 =	simm.s32 $0x5840;
	v59 =	vor.u32 $0x3, v19;
	[tilespmem:v0+s22+$0x0] =	vst.idx.add.f32.msk $0xffff, v6  }
0x2da: {  	v6 =	vld @p0 [tilespmem:s30+$0x30]  }
0x2db: {  	v58 =	vld [tilespmem:s29+$0xB0]  }
0x2dc: {  	v61 =	vor.u32 $0x3, v21;
	v60 =	vld [tilespmem:s29+$0xC0]  }
0x2dd: {  	v10 =	vor.u32 $0x3, v38;
	v62 =	vld [tilespmem:s29+$0xD0]  }
0x2de: {  	s0 =	simm.s32 @p0 $0x16000;
	v12 =	vor.u32 $0x3, v39;
	[tilespmem:v59+s22+$0x0] =	vst.idx.add.f32.msk $0xffff, v14  }
0x2df: {  	s2 =	simm.s32 @!p1 $0x16000;
	v0 =	vimm.f32 @!p1 $1.000000000e+00;
	[tilespmem:v1+s0+$0x0] =	vst.idx.add.f32.msk @p0 $0xffff, v6  }
0x2e0: {  	[tilespmem:v1+s2+$0x0] =	vst.idx.add.f32.msk @!p1 $0xffff, v0;
	v1 =	vor.u32 $0x1, v17  }
0x2e1: {  	[tilespmem:v61+s22+$0x0] =	vst.idx.add.f32.msk $0xffff, v58  }
0x2e2: {  	[tilespmem:v10+s22+$0x0] =	vst.idx.add.f32.msk $0xffff, v60  }
0x2e3: {  	[tilespmem:v12+s22+$0x0] =	vst.idx.add.f32.msk $0xffff, v62  }
0x2e4: {  	v10 =	vld @p0 [tilespmem:s30+$0xFFFFFFE0]  }
0x2e5: {  	[tilespmem:v1+s22+$0x0] =	vst.idx.add.f32.msk $0xffff, v42  }
0x2e6: {  	v49 =	vor.u32 $0x2, v15;
	v1 =	vld [tilespmem:s29+$0x0]  }
0x2e7: {  	v11 =	vld @p0 [tilespmem:s30+$0xFFFFFFF0]  }
0x2e8: {  	v12 =	vld @p0 [tilespmem:s30+$0x0]  }
0x2e9: {  	v13 =	vld @p0 [tilespmem:s30+$0x10]  }
0x2ea: {  	[tilespmem:v3+s0+$0x0] =	vst.idx.add.f32.msk @p0 $0xffff, v10  }
0x2eb: {  	[tilespmem:v49+s22+$0x0] =	vst.idx.add.f32.msk $0xffff, v1;
	v1 =	vor.u32 $0x2, v40  }
0x2ec: {  	[tilespmem:v4+s0+$0x0] =	vst.idx.add.f32.msk @p0 $0xffff, v11  }
0x2ed: {  	[tilespmem:v5+s0+$0x0] =	vst.idx.add.f32.msk @p0 $0xffff, v12  }
0x2ee: {  	v51 =	vor.u32 $0x2, v17;
	v48 =	vld [tilespmem:s29+$0x10]  }
0x2ef: {  	[tilespmem:v7+s0+$0x0] =	vst.idx.add.f32.msk @p0 $0xffff, v13  }
0x2f0: {  	[tilespmem:v1+s22+$0x0] =	vst.idx.add.f32.msk $0xffff, v26  }
0x2f1: {  	v56 =	vor.u32 $0x3, v15;
	v1 =	vld [tilespmem:s29+$0x80]  }
0x2f2: {  	[tilespmem:v3+s2+$0x0] =	vst.idx.add.f32.msk @!p1 $0xffff, v0  }
0x2f3: {  	[tilespmem:v51+s22+$0x0] =	vst.idx.add.f32.msk $0xffff, v48  }
0x2f4: {  	v57 =	vor.u32 $0x3, v17;
	v6 =	vld [tilespmem:s29+$0x90]  }
0x2f5: {  	v63 =	vld [tilespmem:s29+$0xE0]  }
0x2f6: {  	[tilespmem:v56+s22+$0x0] =	vst.idx.add.f32.msk $0xffff, v1;
	v1 =	vor.u32 $0x3, v40  }
0x2f7: {  	[tilespmem:v4+s2+$0x0] =	vst.idx.add.f32.msk @!p1 $0xffff, v0  }
0x2f8: {  	[tilespmem:v5+s2+$0x0] =	vst.idx.add.f32.msk @!p1 $0xffff, v0  }
0x2f9: {  	[tilespmem:v57+s22+$0x0] =	vst.idx.add.f32.msk $0xffff, v6  }
0x2fa: {  	v6 =	vld @p0 [tilespmem:s30+$0xFFFFFFD0]  }
0x2fb: {  	[tilespmem:v1+s22+$0x0] =	vst.idx.add.f32.msk $0xffff, v63  }
0x2fc: {  	v1 =	vld @p0 [tilespmem:s30+$0xFFFFFFC0]  }
0x2fd: {  	[tilespmem:v7+s2+$0x0] =	vst.idx.add.f32.msk @!p1 $0xffff, v0  }
0x2fe: {  	v14 =	vld @p0 [tilespmem:s30+$0x20]  }
0x2ff: {  	[tilespmem:v2+s0+$0x0] =	vst.idx.add.f32.msk @p0 $0xffff, v6  }
0x300: {  	[tilespmem:v2+s2+$0x0] =	vst.idx.add.f32.msk @!p1 $0xffff, v0  }
0x301: {  	[tilespmem:v9+s0+$0x0] =	vst.idx.add.f32.msk @p0 $0xffff, v1  }
0x302: {  	[tilespmem:v9+s2+$0x0] =	vst.idx.add.f32.msk @!p1 $0xffff, v0  }
0x303: {  	[tilespmem:v8+s0+$0x0] =	vst.idx.add.f32.msk @p0 $0xffff, v14  }
0x304: {  	s24 =	simm.s32 $0x0;
	s6 =	simm.s32 $0x8C0;
	[tilespmem:v8+s2+$0x0] =	vst.idx.add.f32.msk @!p1 $0xffff, v0  }
.LBB2_7:
0x305: {  	v10 =	vld [tilespmem:s6+$0x30]  }
0x306: {  	s24 =	sadd.s32 $0x8, s24;
	v5 =	vld [tilespmem:s6+$0xFFFFFFD0]  }
0x307: {  	p2 =	slt.u32 s24, $0x78;
	v3 =	vld [tilespmem:s6+$0xFFFFFFE0]  }
0x308: {  	v2 =	vld [tilespmem:s6+$0xFFFFFFF0]  }
0x309: {  	s29 =	sadd.s32 $0x200, s29;
	v1 =	vld [tilespmem:s6+$0x0]  }
0x30a: {  	v11 =	vshll.u32 v10, $0x2;
	v9 =	vld [tilespmem:s29+$0xFFFFFF70]  }
0x30b: {  	v12 =	vshll.u32 v5, $0x2;
	v4 =	vld [tilespmem:s6+$0x10]  }
0x30c: {  	v13 =	vor.u32 $0x1, v12;
	v14 =	vor.u32 $0x2, v12;
	v15 =	vshll.u32 v3, $0x2;
	v6 =	vld [tilespmem:s6+$0x20]  }
0x30d: {  	v7 =	vld [tilespmem:s6+$0xFFFFFFC0];
	v16 =	vor.u32 $0x1, v15;
	v17 =	vor.u32 $0x2, v15;
	v18 =	vshll.u32 v2, $0x2  }
0x30e: {  	v19 =	vld [tilespmem:s29+$0xFFFFFF00];
	v20 =	vor.u32 $0x1, v18;
	v21 =	vor.u32 $0x2, v18;
	v22 =	vshll.u32 v1, $0x2  }
0x30f: {  	v8 =	vor.u32 $0x3, v12;
	v23 =	vor.u32 $0x1, v22;
	v24 =	vor.u32 $0x2, v22;
	[tilespmem:v11+s22+$0x0] =	vst.idx.add.f32.msk $0xffff, v9  }
0x310: {  	v27 =	vor.u32 $0x1, v11;
	v9 =	vor.u32 $0x3, v15;
	v25 =	vshll.u32 v4, $0x2;
	v26 =	vld [tilespmem:s29+$0xFFFFFFF0]  }
0x311: {  	v28 =	vld [tilespmem:s29+$0xFFFFFF10];
	v29 =	vor.u32 $0x1, v25;
	v30 =	vor.u32 $0x2, v25;
	v31 =	vshll.u32 v6, $0x2  }
0x312: {  	v32 =	vshll.u32 v7, $0x2;
	v33 =	vld [tilespmem:s29+$0xFFFFFF20];
	v34 =	vor.u32 $0x1, v31;
	v35 =	vor.u32 $0x2, v31  }
0x313: {  	v36 =	vor.u32 $0x1, v32;
	v37 =	vor.u32 $0x2, v32;
	v38 =	vor.u32 $0x3, v32;
	v39 =	vld [tilespmem:s29+$0xFFFFFF30]  }
0x314: {  	v40 =	vor.u32 $0x3, v18;
	v42 =	vor.u32 $0x3, v22;
	v43 =	vor.u32 $0x3, v25;
	v41 =	vld [tilespmem:s29+$0xFFFFFF40]  }
0x315: {  	v44 =	vor.u32 $0x3, v31;
	[tilespmem:v27+s22+$0x0] =	vst.idx.add.f32.msk $0xffff, v26  }
0x316: {  	v27 =	vor.u32 $0x2, v11;
	v26 =	vld [tilespmem:s29+$0x70]  }
0x317: {  	v45 =	vld [tilespmem:s29+$0xFFFFFF50]  }
0x318: {  	v46 =	vld [tilespmem:s29+$0xFFFFFF60]  }
0x319: {  	[tilespmem:v32+s22+$0x0] =	vst.idx.add.f32.msk $0xffff, v19  }
0x31a: {  	[tilespmem:v12+s22+$0x0] =	vst.idx.add.f32.msk $0xffff, v28  }
0x31b: {  	[tilespmem:v27+s22+$0x0] =	vst.idx.add.f32.msk $0xffff, v26  }
0x31c: {  	v11 =	vor.u32 $0x3, v11;
	v12 =	vld [tilespmem:s29+$0xF0]  }
0x31d: {  	[tilespmem:v15+s22+$0x0] =	vst.idx.add.f32.msk $0xffff, v33  }
0x31e: {  	[tilespmem:v18+s22+$0x0] =	vst.idx.add.f32.msk $0xffff, v39  }
0x31f: {  	[tilespmem:v22+s22+$0x0] =	vst.idx.add.f32.msk $0xffff, v41  }
0x320: {  	[tilespmem:v25+s22+$0x0] =	vst.idx.add.f32.msk $0xffff, v45  }
0x321: {  	s30 =	sadd.s32 $0x80, s30;
	[tilespmem:v11+s22+$0x0] =	vst.idx.add.f32.msk $0xffff, v12  }
0x322: {  	v11 =	vld @p0 [tilespmem:s30+$0x30]  }
0x323: {  	[tilespmem:v31+s22+$0x0] =	vst.idx.add.f32.msk $0xffff, v46  }
0x324: {  	v12 =	vld [tilespmem:s29+$0xFFFFFF80]  }
0x325: {  	v15 =	vld [tilespmem:s29+$0xFFFFFF90]  }
0x326: {  	v18 =	vld [tilespmem:s29+$0xFFFFFFA0]  }
0x327: {  	[tilespmem:v10+s0+$0x0] =	vst.idx.add.f32.msk @p0 $0xffff, v11  }
0x328: {  	[tilespmem:v10+s2+$0x0] =	vst.idx.add.f32.msk @!p1 $0xffff, v0  }
0x329: {  	v10 =	vld [tilespmem:s29+$0xFFFFFFB0]  }
0x32a: {  	v11 =	vld [tilespmem:s29+$0xFFFFFFC0]  }
0x32b: {  	v19 =	vld [tilespmem:s29+$0xFFFFFFD0]  }
0x32c: {  	v22 =	vld [tilespmem:s29+$0xFFFFFFE0]  }
0x32d: {  	[tilespmem:v36+s22+$0x0] =	vst.idx.add.f32.msk $0xffff, v12  }
0x32e: {  	[tilespmem:v13+s22+$0x0] =	vst.idx.add.f32.msk $0xffff, v15  }
0x32f: {  	[tilespmem:v16+s22+$0x0] =	vst.idx.add.f32.msk $0xffff, v18  }
0x330: {  	[tilespmem:v20+s22+$0x0] =	vst.idx.add.f32.msk $0xffff, v10  }
0x331: {  	[tilespmem:v23+s22+$0x0] =	vst.idx.add.f32.msk $0xffff, v11  }
0x332: {  	[tilespmem:v29+s22+$0x0] =	vst.idx.add.f32.msk $0xffff, v19  }
0x333: {  	[tilespmem:v34+s22+$0x0] =	vst.idx.add.f32.msk $0xffff, v22  }
0x334: {  	v10 =	vld [tilespmem:s29+$0x0]  }
0x335: {  	v11 =	vld [tilespmem:s29+$0x10]  }
0x336: {  	v12 =	vld [tilespmem:s29+$0x20]  }
0x337: {  	v13 =	vld [tilespmem:s29+$0x30]  }
0x338: {  	v15 =	vld [tilespmem:s29+$0x40]  }
0x339: {  	v16 =	vld [tilespmem:s29+$0x50]  }
0x33a: {  	v18 =	vld [tilespmem:s29+$0x60]  }
0x33b: {  	[tilespmem:v37+s22+$0x0] =	vst.idx.add.f32.msk $0xffff, v10  }
0x33c: {  	[tilespmem:v14+s22+$0x0] =	vst.idx.add.f32.msk $0xffff, v11  }
0x33d: {  	[tilespmem:v17+s22+$0x0] =	vst.idx.add.f32.msk $0xffff, v12  }
0x33e: {  	[tilespmem:v21+s22+$0x0] =	vst.idx.add.f32.msk $0xffff, v13  }
0x33f: {  	[tilespmem:v24+s22+$0x0] =	vst.idx.add.f32.msk $0xffff, v15  }
0x340: {  	[tilespmem:v30+s22+$0x0] =	vst.idx.add.f32.msk $0xffff, v16  }
0x341: {  	[tilespmem:v35+s22+$0x0] =	vst.idx.add.f32.msk $0xffff, v18  }
0x342: {  	v10 =	vld [tilespmem:s29+$0x80]  }
0x343: {  	v11 =	vld [tilespmem:s29+$0x90]  }
0x344: {  	v12 =	vld [tilespmem:s29+$0xA0]  }
0x345: {  	v13 =	vld [tilespmem:s29+$0xB0]  }
0x346: {  	v14 =	vld [tilespmem:s29+$0xC0]  }
0x347: {  	v15 =	vld [tilespmem:s29+$0xD0]  }
0x348: {  	v16 =	vld [tilespmem:s29+$0xE0]  }
0x349: {  	[tilespmem:v38+s22+$0x0] =	vst.idx.add.f32.msk $0xffff, v10  }
0x34a: {  	[tilespmem:v8+s22+$0x0] =	vst.idx.add.f32.msk $0xffff, v11  }
0x34b: {  	[tilespmem:v9+s22+$0x0] =	vst.idx.add.f32.msk $0xffff, v12  }
0x34c: {  	[tilespmem:v40+s22+$0x0] =	vst.idx.add.f32.msk $0xffff, v13  }
0x34d: {  	[tilespmem:v42+s22+$0x0] =	vst.idx.add.f32.msk $0xffff, v14  }
0x34e: {  	[tilespmem:v43+s22+$0x0] =	vst.idx.add.f32.msk $0xffff, v15  }
0x34f: {  	[tilespmem:v44+s22+$0x0] =	vst.idx.add.f32.msk $0xffff, v16  }
0x350: {  	v8 =	vld @p0 [tilespmem:s30+$0xFFFFFFC0]  }
0x351: {  	v9 =	vld @p0 [tilespmem:s30+$0xFFFFFFD0]  }
0x352: {  	v10 =	vld @p0 [tilespmem:s30+$0xFFFFFFE0]  }
0x353: {  	v11 =	vld @p0 [tilespmem:s30+$0xFFFFFFF0]  }
0x354: {  	v12 =	vld @p0 [tilespmem:s30+$0x0]  }
0x355: {  	v13 =	vld @p0 [tilespmem:s30+$0x10]  }
0x356: {  	v14 =	vld @p0 [tilespmem:s30+$0x20]  }
0x357: {  	[tilespmem:v7+s0+$0x0] =	vst.idx.add.f32.msk @p0 $0xffff, v8  }
0x358: {  	[tilespmem:v7+s2+$0x0] =	vst.idx.add.f32.msk @!p1 $0xffff, v0  }
0x359: {  	[tilespmem:v5+s0+$0x0] =	vst.idx.add.f32.msk @p0 $0xffff, v9  }
0x35a: {  	[tilespmem:v5+s2+$0x0] =	vst.idx.add.f32.msk @!p1 $0xffff, v0  }
0x35b: {  	[tilespmem:v3+s0+$0x0] =	vst.idx.add.f32.msk @p0 $0xffff, v10  }
0x35c: {  	[tilespmem:v3+s2+$0x0] =	vst.idx.add.f32.msk @!p1 $0xffff, v0  }
0x35d: {  	[tilespmem:v2+s0+$0x0] =	vst.idx.add.f32.msk @p0 $0xffff, v11  }
0x35e: {  	[tilespmem:v2+s2+$0x0] =	vst.idx.add.f32.msk @!p1 $0xffff, v0  }
0x35f: {  	[tilespmem:v1+s0+$0x0] =	vst.idx.add.f32.msk @p0 $0xffff, v12  }
.Ltmp2:
0x360: {  	[tilespmem:v1+s2+$0x0] =	vst.idx.add.f32.msk @!p1 $0xffff, v0;
	(pc) =	sbr.rel @p2 .LBB2_7-.Ltmp2, $4  }
0x361: {  	[tilespmem:v4+s0+$0x0] =	vst.idx.add.f32.msk @p0 $0xffff, v13  }
0x362: {  	[tilespmem:v4+s2+$0x0] =	vst.idx.add.f32.msk @!p1 $0xffff, v0  }
0x363: {  	[tilespmem:v6+s0+$0x0] =	vst.idx.add.f32.msk @p0 $0xffff, v14  }
0x364: {  	s6 =	sadd.s32 $0x80, s6;
	[tilespmem:v6+s2+$0x0] =	vst.idx.add.f32.msk @!p1 $0xffff, v0  }
0x365: {  	s28 =	sadd.s32 $0x1, s28  }
0x366: {  	p2 =	sne.s32 s28, $0x40  }
.Ltmp3:
0x367: {  	_ = 	snop;
	(pc) =	sbr.rel @p2 .LBB2_2-.Ltmp3, $1  }
0x368: {  	_ =	sdelay $0x3  }
0x369: {  	s0 =	rddreg [dreg:$0xa];
	s24 =	simm.s32 $0x3  }
0x36a: {  	[hbm4b:s0+s3] =	stream.linear.scatter [tilespmem:s22], [sflag:$0x3], $0x10000, $0x38;
	[tilespmem:$0x1A000] =	vst v63  }
0x36b: {  	_ =	swait.ge [sflag:s24], $0x10000  }
0x36c: {  	s2 =	simm.s32 @p0 $0x16000;
	[sflag:s24] =	ssyncset.done $0x0  }
0x36d: {  	s0 =	simm.s32 @p0 $0x0;
	s6 =	rddreg [dreg:$0xb];
	[sflag:s24] =	ssyncadd.s32 $0xFFFF0000  }
0x36e: {  	[hbm4b:s6+s0] =	stream.linear.scatter @p0 [tilespmem:s2], [sflag:$0x3], $0x4000, $0x38;
	[tilespmem:$0x1A000] =	vst v63  }
0x36f: {  	s0 =	simm.s32 @p0 $0x3  }
0x370: {  	_ =	swait.ge @p0 [sflag:s0], $0x4000  }
0x371: {  	s2 =	simm.s32 @!p1 $0x16000;
	[sflag:s0] =	ssyncset.done @p0 $0x0  }
0x372: {  	s6 =	rddreg [dreg:$0xc];
	[sflag:s0] =	ssyncadd.s32 @p0 $0xFFFFC000;
	s0 =	simm.s32 @!p1 $0x0  }
0x373: {  	[hbm4b:s6+s0] =	stream.linear.scatter @!p1 [tilespmem:s2], [sflag:$0x3], $0x4000, $0x38;
	[tilespmem:$0x1A000] =	vst v63  }
0x374: {  	s0 =	simm.s32 @!p1 $0x3  }
0x375: {  	_ =	swait.ge @!p1 [sflag:s0], $0x4000  }
0x376: {  	s30 =	rddreg [dreg:$0xe]  }
0x377: {  	s31 =	rddreg [dreg:$0xd];
	s6 =	sadd.s32 $0x1, s30  }
0x378: {  	p2 =	sne.s32 s6, s31  }
.Ltmp4:
0x379: {  	_ = 	snop;
	(pc) =	sbr.rel @p2 .LBB2_1-.Ltmp4, $3  }
0x37a: {  	_ =	sdelay $0x1  }
0x37b: {  	[sflag:s0] =	ssyncset.done @!p1 $0x0  }
0x37c: {  	[sflag:s0] =	ssyncadd.s32 @!p1 $0xFFFFC000  }
0x37d: {  	_ =	sfence.sel $0x180000  }
0x37e: {  	[bflag:$0x0] =	sbarrier.arrive $0xFFFF  }
0x37f: {  	_ =	strace $0x9000004A  }
0x380: {  	s0 =	stileid.u32;
	[bflag:$0x2] =	sbarrier.arrive $0xFFFF  }
0x381: {  	p0 =	sne.s32 s0, $0x0;
	s0 =	rddreg [dreg:$0x2]  }
0x382: {  	s0 =	sadd.s32 @!p0 $0x100000, s0  }
0x383: {  	[sflag:s0] =	ssyncadd.tile.s32 @!p0 $0x1;
	_ =	shalt  }
.Lfunc_end2:
_tile_overlayer_lowered:
.L_overlay_start_2:
0x384: {  	(tag) =	ssettag $0x2  }
0x385: {  	s0 =	rddreg [dreg:$0x0];
	s2 =	stileid.u32  }
0x386: {  	s1 =	rddreg [dreg:$0x1];
	p0 =	sne.s32 s2, $0x0  }
0x387: {  	s3 =	rddreg [dreg:$0x2];
	[bflag:$0x3] =	sbarrier.arrive $0xFFFF;
	s2 =	simm.s32 @!p0 $0x1C03  }
0x388: {  	[timem:s3], [sflag:s2] =	dma.local @!p0 [hbm:s0], s1  }
0x389: {  	s0 =	simm.s32 @!p0 $0x3  }
0x38a: {  	_ =	swait.ge @!p0 [sflag:s0], s1  }
0x38b: {  	s1 =	ssub.s32 @!p0 $0x0, s1;
	[sflag:s0] =	ssyncset.done @!p0 $0x0  }
0x38c: {  	[sflag:s0] =	ssyncadd.s32 @!p0 s1  }
0x38d: {  	[bflag:$0x3] =	sbarrier.arrive $0xFFFF  }
0x38e: {  	_ =	shalt  }

// kernel: kernel.8.cloned.1.call-start
scs
__scs_entry_jumppad:
0x0: {  	(pc) =	sbr.rel $0x88, $3  }
0x1: {  	(tag) =	ssettag $0x0;
	lr =	simm.s32 $0x1  }
0x2: {  	[smem:$0x3F95] =	sst lr;
	_ =	strace $0xD0000000  }
0x3: {  	_ = 	snop  }
0x4: {  	_ = 	snop  }
0x5: {  	_ = 	snop  }
0x6: {  	_ = 	snop  }
0x7: {  	_ = 	snop  }
__scs_overlays_trampoline_lowered:
0x8: {  	[smem:$0x3FA4] =	sst s0  }
0x9: {  	[smem:$0x3FA5] =	sst s1  }
0xa: {  	[smem:$0x3FA6] =	sst s2  }
0xb: {  	[smem:$0x3FA7] =	sst s3  }
0xc: {  	[smem:$0x3FA8] =	sst s4  }
0xd: {  	[smem:$0x3FA9] =	sst s5  }
0xe: {  	[smem:$0x3FAA] =	sst s6  }
0xf: {  	[smem:$0x3FAB] =	sst s7  }
0x10: {  	[smem:$0x3FAC] =	sst s8  }
0x11: {  	[smem:$0x3FAD] =	sst s9;
	s0 =	simm.s32 @!p0 $0x0  }
0x12: {  	s1 =	sld [smem:$0x3F93];
	s0 =	simm.s32 @p0 $0x1  }
0x13: {  	[smem:$0x3FAE] =	sst s0;
	s0 =	simm.s32 @!p1 $0x0  }
0x14: {  	s2 =	sld [smem:$0x3F92];
	s0 =	simm.s32 @p1 $0x1  }
0x15: {  	[smem:$0x3FAF] =	sst s0;
	s0 =	simm.s32 @!p2 $0x0  }
0x16: {  	s3 =	sld [smem:$0x3FDB];
	s0 =	simm.s32 @p2 $0x1  }
0x17: {  	s4 =	simm.s32 $0x1BF5;
	[smem:$0x3FB1] =	sst s0  }
0x18: {  	s0 =	sld [smem:$0x3F94];
	_ =	swait.ge [sflag:s4], $0x0  }
0x19: {  	s7 =	sld [smem:$0x3F95]  }
0x1a: {  	s8 =	sadd.s32 $0xFFFFE003, lr  }
0x1b: {  	s9 =	sadd.s32 $0xFFFFFEF7, lr;
	s5 =	simm.s32 $0xFFFFFFFF;
	p2 =	slt.u32 s8, $0xFFFFF086  }
0x1c: {  	p1 =	slt.u32 s9, $0xF7A;
	s5 =	simm.s32 @!p2 $0x0  }
0x1d: {  	s5 =	simm.s32 @p1 $0x1;
	p0 =	seq.s32 s7, s2  }
0x1e: {  	s7 =	smul.u32 @!p0 $0xF7A, s2;
	p2 =	seq.s32 @!p0 s5, $0x0  }
0x1f: {  	s9 =	smul.u32 $0xF7A, s1;
	s8 =	simm.s32 @!p0 $0x1BF5;
	p2 =	por !p2, p0  }
0x20: {  	[sflag:s8] =	ssyncset.s32 @!p0 $0xFFFFF086;
	s6 =	sadd.s32 @!p0 s3, s7;
	s7 =	simm.s32 @!p0 $0x108  }
0x21: {  	s3 =	sadd.s32 s3, s9;
	s6 =	sadd.s32 @!p0 $0x88, s6;
	s7 =	simm.s32 @p2 $0x1082  }
0x22: {  	[simem:s7], [sflag:s8] =	dma.local @!p0 [hbm:s6], $0xF7A  }
0x23: {  	s9 =	sor.u32 $0xD0000000, s2;
	s6 =	simm.s32 $0x108;
	_ =	swait.ge @!p0 [sflag:s8], $0x0  }
0x24: {  	s3 =	sadd.s32 $0x88, s3;
	s6 =	simm.s32 @!p1 $0x1082;
	[sflag:s4] =	ssyncset.s32 $0xFFFFF086  }
0x25: {  	[simem:s6], [sflag:s4] =	dma.local [hbm:s3], $0xF7A  }
0x26: {  	[smem:$0x3F95] =	sst s1;
	(tag) =	ssettag s2;
	_ =	strace s9  }
0x27: {  	s1 =	sld [smem:$0x3FA5]  }
0x28: {  	s2 =	sld [smem:$0x3FA6]  }
0x29: {  	s4 =	sld [smem:$0x3FA8]  }
0x2a: {  	p0 =	seq.s32 s5, $0x0;
	s5 =	sld [smem:$0x3FA9]  }
0x2b: {  	s6 =	sld [smem:$0x3FAA]  }
0x2c: {  	s7 =	sld [smem:$0x3FAB]  }
0x2d: {  	s3 =	simm.s32 $0x108;
	s8 =	sld [smem:$0x3FAC]  }
0x2e: {  	s3 =	simm.s32 @!p0 $0x1082;
	s9 =	sld [smem:$0x3FAD]  }
0x2f: {  	lr =	sadd.s32 s0, s3;
	s0 =	sld [smem:$0x3FA4]  }
0x30: {  	s3 =	sld [smem:$0x3FA7]  }
0x31: {  	[smem:$0x3FB0] =	sst s10  }
0x32: {  	s10 =	sld [smem:$0x3FAE];
	_ =	sdelay $0x3  }
0x33: {  	p0 =	seq.s32 s10, $0x1;
	s10 =	sld [smem:$0x3FB0];
	_ =	sdelay $0x3  }
0x34: {  	[smem:$0x3FB0] =	sst s10  }
0x35: {  	s10 =	sld [smem:$0x3FAF];
	_ =	sdelay $0x3  }
0x36: {  	p1 =	seq.s32 s10, $0x1;
	s10 =	sld [smem:$0x3FB0];
	_ =	sdelay $0x3  }
0x37: {  	[smem:$0x3FB0] =	sst s10  }
0x38: {  	s10 =	sld [smem:$0x3FB1]  }
0x39: {  	_ = 	snop;
	(pc) =	sbr.ind lr, $3  }
0x3a: {  	_ = 	snop  }
0x3b: {  	_ = 	snop  }
0x3c: {  	p2 =	seq.s32 s10, $0x1;
	s10 =	sld [smem:$0x3FB0]  }
0x3d: {  	_ =	shalt  }
0x3e: {  	_ =	shalt  }
0x3f: {  	_ =	shalt  }
0x40: {  	_ =	shalt  }
0x41: {  	_ =	shalt  }
0x42: {  	_ =	shalt  }
0x43: {  	_ =	shalt  }
0x44: {  	_ =	shalt  }
0x45: {  	_ =	shalt  }
0x46: {  	_ =	shalt  }
0x47: {  	_ =	shalt  }
0x48: {  	_ =	shalt  }
0x49: {  	_ =	shalt  }
0x4a: {  	_ =	shalt  }
0x4b: {  	_ =	shalt  }
0x4c: {  	_ =	shalt  }
0x4d: {  	_ =	shalt  }
0x4e: {  	_ =	shalt  }
0x4f: {  	_ =	shalt  }
0x50: {  	_ =	shalt  }
0x51: {  	_ =	shalt  }
0x52: {  	_ =	shalt  }
0x53: {  	_ =	shalt  }
0x54: {  	_ =	shalt  }
0x55: {  	_ =	shalt  }
0x56: {  	_ =	shalt  }
0x57: {  	_ =	shalt  }
0x58: {  	_ =	shalt  }
0x59: {  	_ =	shalt  }
0x5a: {  	_ =	shalt  }
0x5b: {  	_ =	shalt  }
0x5c: {  	_ =	shalt  }
0x5d: {  	_ =	shalt  }
0x5e: {  	_ =	shalt  }
0x5f: {  	_ =	shalt  }
0x60: {  	_ =	shalt  }
0x61: {  	_ =	shalt  }
0x62: {  	_ =	shalt  }
0x63: {  	_ =	shalt  }
0x64: {  	_ =	shalt  }
0x65: {  	_ =	shalt  }
0x66: {  	_ =	shalt  }
0x67: {  	_ =	shalt  }
0x68: {  	_ =	shalt  }
0x69: {  	_ =	shalt  }
0x6a: {  	_ =	shalt  }
0x6b: {  	_ =	shalt  }
0x6c: {  	_ =	shalt  }
0x6d: {  	_ =	shalt  }
0x6e: {  	_ =	shalt  }
0x6f: {  	_ =	shalt  }
0x70: {  	_ =	shalt  }
0x71: {  	_ =	shalt  }
0x72: {  	_ =	shalt  }
0x73: {  	_ =	shalt  }
0x74: {  	_ =	shalt  }
0x75: {  	_ =	shalt  }
0x76: {  	_ =	shalt  }
0x77: {  	_ =	shalt  }
0x78: {  	_ =	shalt  }
0x79: {  	_ =	shalt  }
0x7a: {  	_ =	shalt  }
0x7b: {  	_ =	shalt  }
0x7c: {  	_ =	shalt  }
0x7d: {  	_ =	shalt  }
0x7e: {  	_ =	shalt  }
0x7f: {  	_ =	shalt  }
0x80: {  	_ =	shalt  }
0x81: {  	_ =	shalt  }
0x82: {  	_ =	shalt  }
0x83: {  	_ =	shalt  }
0x84: {  	_ =	shalt  }
0x85: {  	_ =	shalt  }
0x86: {  	_ =	shalt  }
0x87: {  	_ =	shalt  }
.Lfunc_end0:
.L_simem_size_0:
called_computation_lowered:
.L_overlay_start_0:
0x88: {  	s2 =	sld [smem:$0x3FD9]  }
0x89: {  	s3 =	sld [smem:$0x3FFE];
	_ =	sdelay $0x1  }
0x8a: {  	s1 =	srdreg.scid  }
0x8b: {  	s0 =	sand.u32 $0x1, s1  }
0x8c: {  	s17 =	sshll.u32 s0, $0xA;
	s2 =	sadd.s32 s3, s2  }
0x8d: {  	s2 =	sadd.s32 s2, s17  }
0x8e: {  	[smem:$0x3FBC] =	sst s2  }
0x8f: {  	_ = 	snop  }
0x90: {  	s2 =	sld [smem:$0x3FD0];
	(tm) =	ssettm $0x1  }
0x91: {  	s18 =	sld [smem:$0x3FFB];
	_ =	sdelay $0x3  }
0x92: {  	_ =	strace s18  }
0x93: {  	s3 =	sld [smem:$0x3FFC];
	_ =	sdelay $0x3  }
0x94: {  	_ =	strace s3  }
0x95: {  	s3 =	sld [smem:$0x3FFD];
	_ =	sdelay $0x3  }
0x96: {  	_ =	strace s3  }
0x97: {  	_ =	strace $0x8FFFFFFF  }
0x98: {  	s19 =	sld [smem:$0x3FDB];
	_ =	sdelay $0x1  }
0x99: {  	s4 =	simm.s32 $_scs_section_size  }
0x9a: {  	s5 =	simm.s32 $_size__tile_overlayer_lowered;
	s6 =	simm.s32 $_tile_overlayer_lowered  }
0x9b: {  	s22 =	simm.s32 $0x1BFF;
	s21 =	sshll.u32 s6, $0x1;
	s3 =	sadd.s32 s4, s19  }
0x9c: {  	s7 =	simm.s32 $0x0;
	s20 =	sshll.u32 s5, $0x1;
	s5 =	sadd.s32 s21, s3  }
0x9d: {  	[timem:s7], [sflag:s22] =	dma.local [hbm:s5], s20  }
0x9e: {  	_ =	swait.ge [sflag:s22], s20  }
0x9f: {  	s4 =	ssub.s32 $0x0, s20;
	[sflag:s22] =	ssyncset.done $0x0  }
0xa0: {  	[sflag:s22] =	ssyncadd.s32 s4;
	_ =	sdelay $0x1  }
0xa1: {  	s23 =	simm.s32 $0x1B8B  }
0xa2: {  	_ =	swait.ge [sflag:s23], $0x1  }
0xa3: {  	[sflag:s23] =	ssyncset.done $0x0  }
0xa4: {  	s25 =	simm.s32 $0x1B8E;
	s24 =	sld [smem:$0x3FFE];
	[sflag:s23] =	ssyncadd.s32 $0xFFFFFFFF  }
0xa5: {  	s26 =	simm.s32 $execute0_lowered;
	[smem:$0x3FD2] =	sst s25  }
0xa6: {  	s5 =	sshll.u32 s26, $0x1;
	_ =	strace $0x80000046;
	[dreg:$0x1] =	wrdreg $0xFFFFFFFF  }
0xa7: {  	s28 =	simm.s32 $_size_execute0_lowered;
	s3 =	sadd.s32 s3, s5;
	[dreg:$0x0] =	wrdreg $0x0  }
0xa8: {  	s5 =	sshll.u32 s28, $0x1;
	[dreg:$0x2] =	wrdreg s3  }
0xa9: {  	[dreg:$0x3] =	wrdreg s5  }
0xaa: {  	[dreg:$0x4] =	wrdreg $0xC0  }
0xab: {  	_ =	task [dreg:s7], $0x5FFFF  }
0xac: {  	[dreg:$0x1] =	wrdreg $0xFFFFFFFF  }
0xad: {  	[dreg:$0x0] =	wrdreg $0x60  }
0xae: {  	[dreg:$0x2] =	wrdreg s24  }
0xaf: {  	[dreg:$0x3] =	wrdreg s2  }
0xb0: {  	[dreg:$0x4] =	wrdreg $0x9  }
0xb1: {  	_ =	task.clear_ibuf [dreg:s7], $0x5FFFF;
	_ =	strace $0x90000046  }
0xb2: {  	s29 =	simm.s32 $0x9;
	_ =	strace $0x80000048  }
0xb3: {  	_ =	swait.ge [sflag:s29], $0x1  }
0xb4: {  	[sflag:s29] =	ssyncadd.s32 $0xFFFFFFFF  }
0xb5: {  	_ =	strace $0x90000048  }
0xb6: {  	_ =	sfence  }
0xb7: {  	s30 =	sld [smem:$0x0];
	_ =	sdelay $0x2  }
0xb8: {  	s31 =	sshll.u32 s1, $0xD;
	s1 =	sshrl.u32 s1, $0x2  }
0xb9: {  	s3 =	sand.u32 $0x4000, s31;
	s1 =	sadd.s32 s1, s30  }
0xba: {  	s0 =	sor.u32 s3, s0;
	s1 =	sshll.u32 s1, $0x11  }
0xbb: {  	s0 =	sor.u32 s1, s0  }
0xbc: {  	s0 =	sadd.s32 $0x8F2B, s0  }
0xbd: {  	[sflag:s0] =	ssyncadd.remote.s32 $0x1  }
0xbe: {  	_ =	sfence.sel $0xFFFF  }
0xbf: {  	[dreg:$0x0] =	wrdreg $0xFFFFFFFF;
	(pc) =	sbr.abs _section_cstart, $3  }
0xc0: {  	[dreg:$0x1] =	wrdreg $0xFFFFFFFF  }
0xc1: {  	_ =	task.clear_ibuf [dreg:s7], $0x2FFFF;
	_ =	strace $0x9FFFFFFF  }
0xc2: {  	(tm) =	ssettm $0x7FFFFFFF  }
0xc3: {  	_ =	shalt  }
tec
execute0_lowered:
.L_overlay_start_1:
0x0: {  	(tag) =	ssettag $0x1  }
0x1: {  	s5 =	rddreg [dreg:$0x0]  }
0x2: {  	s6 =	rddreg [dreg:$0x1]  }
0x3: {  	s2 =	srdreg.scid;
	s1 =	stileid.u32  }
0x4: {  	s17 =	simm.s32 $0x4000;
	s18 =	simm.s32 $0x8000;
	s19 =	simm.s32 $0xC000  }
0x5: {  	s20 =	simm.s32 $0x2080;
	s21 =	simm.s32 $0x10000;
	s22 =	simm.s32 $0x1  }
0x6: {  	s23 =	simm.s32 $0x2;
	s24 =	simm.s32 $0x3;
	s25 =	simm.s32 $0x4  }
0x7: {  	s26 =	simm.s32 $0x0;
	s12 =	sand.u32 $0x1, s2;
	s2 =	simm.s32 $0x0  }
0x8: {  	s3 =	sshll.u32 s1, $0xE;
	s13 =	sadd.s32 $0x8C200, s5;
	s14 =	sadd.s32 $0x48C200, s5  }
0x9: {  	s15 =	sshll.u32 s1, $0x12;
	s4 =	sshll.u32 s12, $0xD;
	[smem:$0x7FF] =	sst s2  }
0xa: {  	s10 =	ssub.s32 $0x2, s12;
	s16 =	sshll.u32 s12, $0x11;
	s7 =	sor.u32 s4, s3  }
0xb: {  	_ =	strace $0x80000047;
	s3 =	sadd.s32 $0xC200, s5;
	s30 =	sshrl.u32 s10, $0x1  }
0xc: {  	s4 =	sadd.s32 $0x4C200, s5;
	s8 =	sshrl.u32 s7, $0x3;
	s10 =	ssub.s32 s10, s30  }
0xd: {  	s11 =	sshll.u32 s7, $0x4;
	s9 =	sadd.s32 s8, s5;
	s6 =	sadd.s32 s6, s8  }
0xe: {  	s7 =	smax.u32 s10, $0x1;
	s31 =	sor.u32 $0x1F000, s11;
	s11 =	sor.u32 $0x1F800, s11  }
0xf: {  	s5 =	sadd.s32 $0x4200, s9;
	s8 =	sadd.s32 s13, s31;
	s9 =	sadd.s32 s14, s31  }
0x10: {  	s10 =	sadd.s32 s13, s11;
	s11 =	sadd.s32 s14, s11;
	s14 =	sadd.s32 s15, s14  }
0x11: {  	s13 =	sadd.s32 s15, s13;
	s15 =	simm.s32 $0x2000;
	s12 =	sadd.s32 s16, s14  }
0x12: {  	s13 =	sadd.s32 s16, s13;
	s14 =	simm.s32 $0x5;
	s16 =	simm.s32 $0x80  }
.LBB2_1:
0x13: {  	[tilespmem:s2], [sflag:$0x5] =	stream.linear.gather [hbm4b:s5+s2], $0x2000, $0x38;
	[tilespmem:$0x14000] =	vst v63  }
0x14: {  	_ =	swait.ge [sflag:s14], $0x2000  }
0x15: {  	[sflag:s14] =	ssyncset.done $0x0  }
0x16: {  	[sflag:s14] =	ssyncadd.s32 $0xFFFFE000  }
0x17: {  	[tilespmem:s15], [sflag:$0x5] =	stream.linear.gather [hbm4b:s6+s2], $0x2000, $0x38;
	[tilespmem:$0x14000] =	vst v63  }
0x18: {  	_ =	swait.ge [sflag:s14], $0x2000  }
0x19: {  	[sflag:s14] =	ssyncset.done $0x0  }
0x1a: {  	[sflag:s14] =	ssyncadd.s32 $0xFFFFE000  }
0x1b: {  	[tilespmem:s17], [sflag:$0x1] =	stream.indirect.gather [hbm4b:s3+s16], $0x80, s2, s16, $0xb8;
	[tilespmem:$0x14000] =	vst v63  }
0x1c: {  	_ = 	snop  }
0x1d: {  	[tilespmem:s18], [sflag:$0x1] =	stream.indirect.gather [hbm4b:s4+s16], $0x80, s15, s16, $0xb8;
	[tilespmem:$0x14000] =	vst v63  }
0x1e: {  	_ = 	snop  }
0x1f: {  	[tilespmem:s19], [sflag:$0x2] =	stream.indirect.gather [hbm4b:s3+s16], $0x80, s16, s16, $0xb8;
	[tilespmem:$0x14000] =	vst v63  }
0x20: {  	_ = 	snop  }
0x21: {  	[tilespmem:s21], [sflag:$0x2] =	stream.indirect.gather [hbm4b:s4+s16], $0x80, s20, s16, $0xb8;
	[tilespmem:$0x14000] =	vst v63  }
0x22: {  	_ =	swait.ge [sflag:s22], $0x4000  }
0x23: {  	[sflag:s22] =	ssyncset.done $0x0  }
0x24: {  	[sflag:s22] =	ssyncadd.s32 $0xFFFFC000  }
0x25: {  	_ =	swait.ge [sflag:s22], $0x4000  }
0x26: {  	[sflag:s22] =	ssyncset.done $0x0  }
0x27: {  	s28 =	sadd.s32 $0x0, s13;
	[sflag:s22] =	ssyncadd.s32 $0xFFFFC000  }
0x28: {  	[hbm4b:s28+s2] =	stream.linear.scatter [tilespmem:s17], [sflag:$0x3], $0x4000, $0x38;
	[tilespmem:$0x14000] =	vst v63  }
0x29: {  	s29 =	sadd.s32 $0x0, s12  }
0x2a: {  	[hbm4b:s29+s2] =	stream.linear.scatter [tilespmem:s18], [sflag:$0x3], $0x4000, $0x38;
	[tilespmem:$0x14000] =	vst v63  }
0x2b: {  	_ =	swait.ge [sflag:s23], $0x4000  }
0x2c: {  	[sflag:s23] =	ssyncset.done $0x0  }
0x2d: {  	[sflag:s23] =	ssyncadd.s32 $0xFFFFC000  }
0x2e: {  	_ =	swait.ge [sflag:s23], $0x4000  }
0x2f: {  	[sflag:s23] =	ssyncset.done $0x0  }
0x30: {  	s28 =	sadd.s32 $0x800, s28;
	[sflag:s23] =	ssyncadd.s32 $0xFFFFC000  }
0x31: {  	[hbm4b:s28+s2] =	stream.linear.scatter [tilespmem:s19], [sflag:$0x4], $0x4000, $0x38;
	[tilespmem:$0x14000] =	vst v63  }
0x32: {  	s28 =	sadd.s32 $0x800, s29  }
0x33: {  	[hbm4b:s28+s2] =	stream.linear.scatter [tilespmem:s21], [sflag:$0x4], $0x4000, $0x38;
	[tilespmem:$0x14000] =	vst v63  }
0x34: {  	_ =	swait.ge [sflag:s24], $0x4000  }
0x35: {  	[sflag:s24] =	ssyncset.done $0x0  }
0x36: {  	[sflag:s24] =	ssyncadd.s32 $0xFFFFC000  }
0x37: {  	_ =	swait.ge [sflag:s24], $0x4000  }
0x38: {  	[sflag:s24] =	ssyncset.done $0x0  }
0x39: {  	s28 =	simm.s32 $0x100;
	[sflag:s24] =	ssyncadd.s32 $0xFFFFC000  }
0x3a: {  	[tilespmem:s17], [sflag:$0x1] =	stream.indirect.gather [hbm4b:s3+s16], $0x80, s28, s16, $0xb8;
	[tilespmem:$0x14000] =	vst v63  }
0x3b: {  	s28 =	simm.s32 $0x2100  }
0x3c: {  	[tilespmem:s18], [sflag:$0x1] =	stream.indirect.gather [hbm4b:s4+s16], $0x80, s28, s16, $0xb8;
	[tilespmem:$0x14000] =	vst v63  }
0x3d: {  	_ =	swait.ge [sflag:s25], $0x4000  }
0x3e: {  	[sflag:s25] =	ssyncset.done $0x0  }
0x3f: {  	[sflag:s25] =	ssyncadd.s32 $0xFFFFC000  }
0x40: {  	_ =	swait.ge [sflag:s25], $0x4000  }
0x41: {  	[sflag:s25] =	ssyncset.done $0x0  }
0x42: {  	s31 =	simm.s32 $0x2180;
	s28 =	simm.s32 $0x180;
	[sflag:s25] =	ssyncadd.s32 $0xFFFFC000  }
0x43: {  	[tilespmem:s19], [sflag:$0x2] =	stream.indirect.gather [hbm4b:s3+s16], $0x80, s28, s16, $0xb8;
	[tilespmem:$0x14000] =	vst v63  }
0x44: {  	s30 =	simm.s32 $0x2200;
	s29 =	simm.s32 $0x200;
	s28 =	simm.s32 $0x1000  }
.LBB2_2:
0x45: {  	[tilespmem:s21], [sflag:$0x2] =	stream.indirect.gather [hbm4b:s4+s16], $0x80, s31, s16, $0xb8;
	[tilespmem:$0x14000] =	vst v63  }
0x46: {  	s31 =	smov.u32 s28  }
0x47: {  	p0 =	sne.s32 s28, $0x1E000;
	s28 =	sadd.s32 $0x1000, s28;
	_ =	swait.ge [sflag:s22], $0x4000  }
0x48: {  	[sflag:s22] =	ssyncset.done $0x0  }
0x49: {  	[sflag:s22] =	ssyncadd.s32 $0xFFFFC000  }
0x4a: {  	_ =	swait.ge [sflag:s22], $0x4000  }
0x4b: {  	[sflag:s22] =	ssyncset.done $0x0  }
0x4c: {  	s0 =	sadd.s32 s31, s13;
	[sflag:s22] =	ssyncadd.s32 $0xFFFFC000  }
0x4d: {  	[hbm4b:s0+s2] =	stream.linear.scatter [tilespmem:s17], [sflag:$0x3], $0x4000, $0x38;
	[tilespmem:$0x14000] =	vst v63  }
0x4e: {  	s31 =	sadd.s32 s31, s12  }
0x4f: {  	[hbm4b:s31+s2] =	stream.linear.scatter [tilespmem:s18], [sflag:$0x3], $0x4000, $0x38;
	[tilespmem:$0x14000] =	vst v63  }
0x50: {  	_ =	swait.ge [sflag:s23], $0x4000  }
0x51: {  	[sflag:s23] =	ssyncset.done $0x0  }
0x52: {  	[sflag:s23] =	ssyncadd.s32 $0xFFFFC000  }
0x53: {  	_ =	swait.ge [sflag:s23], $0x4000  }
0x54: {  	[sflag:s23] =	ssyncset.done $0x0  }
0x55: {  	s0 =	sadd.s32 $0x800, s0;
	[sflag:s23] =	ssyncadd.s32 $0xFFFFC000  }
0x56: {  	[hbm4b:s0+s2] =	stream.linear.scatter [tilespmem:s19], [sflag:$0x4], $0x4000, $0x38;
	[tilespmem:$0x14000] =	vst v63  }
0x57: {  	s0 =	sadd.s32 $0x800, s31  }
0x58: {  	[hbm4b:s0+s2] =	stream.linear.scatter [tilespmem:s21], [sflag:$0x4], $0x4000, $0x38;
	[tilespmem:$0x14000] =	vst v63  }
0x59: {  	_ =	swait.ge [sflag:s24], $0x4000  }
0x5a: {  	[sflag:s24] =	ssyncset.done $0x0  }
0x5b: {  	[sflag:s24] =	ssyncadd.s32 $0xFFFFC000  }
0x5c: {  	_ =	swait.ge [sflag:s24], $0x4000  }
0x5d: {  	[sflag:s24] =	ssyncset.done $0x0  }
0x5e: {  	[sflag:s24] =	ssyncadd.s32 $0xFFFFC000  }
0x5f: {  	[tilespmem:s17], [sflag:$0x1] =	stream.indirect.gather [hbm4b:s3+s16], $0x80, s29, s16, $0xb8;
	[tilespmem:$0x14000] =	vst v63  }
0x60: {  	_ = 	snop  }
0x61: {  	[tilespmem:s18], [sflag:$0x1] =	stream.indirect.gather [hbm4b:s4+s16], $0x80, s30, s16, $0xb8;
	[tilespmem:$0x14000] =	vst v63  }
0x62: {  	_ =	swait.ge [sflag:s25], $0x4000  }
0x63: {  	[sflag:s25] =	ssyncset.done $0x0  }
0x64: {  	[sflag:s25] =	ssyncadd.s32 $0xFFFFC000  }
.Ltmp0:
0x65: {  	_ =	swait.ge [sflag:s25], $0x4000;
	(pc) =	sbr.rel @p0 .LBB2_2-.Ltmp0, $4  }
0x66: {  	[sflag:s25] =	ssyncset.done $0x0  }
0x67: {  	s0 =	sadd.s32 $0x80, s29;
	[sflag:s25] =	ssyncadd.s32 $0xFFFFC000  }
0x68: {  	[tilespmem:s19], [sflag:$0x2] =	stream.indirect.gather [hbm4b:s3+s16], $0x80, s0, s16, $0xb8;
	[tilespmem:$0x14000] =	vst v63  }
0x69: {  	s31 =	sadd.s32 $0x80, s30;
	s29 =	sadd.s32 $0x100, s29;
	s30 =	sadd.s32 $0x100, s30  }
0x6a: {  	[tilespmem:s21], [sflag:$0x2] =	stream.indirect.gather [hbm4b:s4+s16], $0x80, s31, s16, $0xb8;
	[tilespmem:$0x14000] =	vst v63  }
0x6b: {  	_ =	swait.ge [sflag:s22], $0x4000  }
0x6c: {  	[sflag:s22] =	ssyncset.done $0x0  }
0x6d: {  	[sflag:s22] =	ssyncadd.s32 $0xFFFFC000  }
0x6e: {  	_ =	swait.ge [sflag:s22], $0x4000  }
0x6f: {  	[sflag:s22] =	ssyncset.done $0x0  }
0x70: {  	[sflag:s22] =	ssyncadd.s32 $0xFFFFC000  }
0x71: {  	[hbm4b:s8+s2] =	stream.linear.scatter [tilespmem:s17], [sflag:$0x3], $0x4000, $0x38;
	[tilespmem:$0x14000] =	vst v63  }
0x72: {  	_ = 	snop  }
0x73: {  	[hbm4b:s9+s2] =	stream.linear.scatter [tilespmem:s18], [sflag:$0x3], $0x4000, $0x38;
	[tilespmem:$0x14000] =	vst v63  }
0x74: {  	_ =	swait.ge [sflag:s23], $0x4000  }
0x75: {  	[sflag:s23] =	ssyncset.done $0x0  }
0x76: {  	[sflag:s23] =	ssyncadd.s32 $0xFFFFC000  }
0x77: {  	_ =	swait.ge [sflag:s23], $0x4000  }
0x78: {  	[sflag:s23] =	ssyncset.done $0x0  }
0x79: {  	[sflag:s23] =	ssyncadd.s32 $0xFFFFC000  }
0x7a: {  	[hbm4b:s10+s2] =	stream.linear.scatter [tilespmem:s19], [sflag:$0x4], $0x4000, $0x38;
	[tilespmem:$0x14000] =	vst v63  }
0x7b: {  	_ = 	snop  }
0x7c: {  	[hbm4b:s11+s2] =	stream.linear.scatter [tilespmem:s21], [sflag:$0x4], $0x4000, $0x38;
	[tilespmem:$0x14000] =	vst v63  }
0x7d: {  	_ =	swait.ge [sflag:s24], $0x4000  }
0x7e: {  	[sflag:s24] =	ssyncset.done $0x0  }
0x7f: {  	[sflag:s24] =	ssyncadd.s32 $0xFFFFC000  }
0x80: {  	_ =	swait.ge [sflag:s24], $0x4000  }
0x81: {  	[sflag:s24] =	ssyncset.done $0x0  }
0x82: {  	s26 =	sadd.s32 $0x1, s26;
	[sflag:s24] =	ssyncadd.s32 $0xFFFFC000  }
0x83: {  	p0 =	sne.s32 s26, s7;
	_ =	swait.ge [sflag:s25], $0x4000  }
.Ltmp1:
0x84: {  	[sflag:s25] =	ssyncset.done $0x0;
	(pc) =	sbr.rel @p0 .LBB2_1-.Ltmp1, $4  }
0x85: {  	[sflag:s25] =	ssyncadd.s32 $0xFFFFC000  }
0x86: {  	_ =	swait.ge [sflag:s25], $0x4000  }
0x87: {  	[sflag:s25] =	ssyncset.done $0x0  }
0x88: {  	[sflag:s25] =	ssyncadd.s32 $0xFFFFC000  }
0x89: {  	_ =	sfence.sel $0x180000  }
0x8a: {  	[bflag:$0x0] =	sbarrier.arrive $0xFFFF  }
0x8b: {  	_ =	strace $0x90000047  }
0x8c: {  	[bflag:$0x2] =	sbarrier.arrive $0xFFFF  }
0x8d: {  	p0 =	sne.s32 s1, $0x0;
	s0 =	rddreg [dreg:$0x2]  }
0x8e: {  	s0 =	sadd.s32 @!p0 $0x100000, s0  }
0x8f: {  	[sflag:s0] =	ssyncadd.tile.s32 @!p0 $0x1;
	_ =	shalt  }
.Lfunc_end2:
_tile_overlayer_lowered:
.L_overlay_start_2:
0x90: {  	(tag) =	ssettag $0x2  }
0x91: {  	s0 =	rddreg [dreg:$0x0];
	s2 =	stileid.u32  }
0x92: {  	s1 =	rddreg [dreg:$0x1];
	p0 =	sne.s32 s2, $0x0  }
0x93: {  	s3 =	rddreg [dreg:$0x2];
	[bflag:$0x3] =	sbarrier.arrive $0xFFFF;
	s2 =	simm.s32 @!p0 $0x1C05  }
0x94: {  	[timem:s3], [sflag:s2] =	dma.local @!p0 [hbm:s0], s1  }
0x95: {  	s0 =	simm.s32 @!p0 $0x5  }
0x96: {  	_ =	swait.ge @!p0 [sflag:s0], s1  }
0x97: {  	s1 =	ssub.s32 @!p0 $0x0, s1;
	[sflag:s0] =	ssyncset.done @!p0 $0x0  }
0x98: {  	[sflag:s0] =	ssyncadd.s32 @!p0 s1  }
0x99: {  	[bflag:$0x3] =	sbarrier.arrive $0xFFFF  }
0x9a: {  	_ =	shalt  }

</sc_bundles>
